<compile_context>
chip_gen: v7x
topology: tpu7x:2x2x1
jax: 0.10.2.dev20260603
libtpu: 0.0.44.dev20260713+nightly
codegen_flags: <defaults>
</compile_context>

<pallas_src>
import jax
import jax.numpy as jnp
from jax import lax
from jax.experimental import pallas as pl
from jax.experimental.pallas import tpu as pltpu
from jax.experimental.pallas import tpu_sc as plsc

D = 128
LANES = 16
DCHUNKS = D // LANES
NW = 32
PWIN = 64


def _embed_body(x_hbm, seg_hbm, tok_hbm, pos_hbm, segtab_hbm, out_hbm,
                idx_v, seg_v, rows_v, pos_v, segtab_v,
                tok_sems, grp_sems, idx_sem, seg_sem, segtab_sem, pos_sem,
                out_sem):
    nc = 2
    c = lax.axis_index("c")
    s = lax.axis_index("s")
    wid = s * nc + c
    batch = x_hbm.shape[0]
    pbase = wid * PWIN

    idx0_cp = pltpu.async_copy(x_hbm.at[0, pl.ds(pbase, PWIN)], idx_v.at[0],
                               tok_sems[0])
    idx_cps = [pltpu.async_copy(x_hbm.at[b, pl.ds(pbase, PWIN)], idx_v.at[b],
                                idx_sem) for b in range(1, batch)]
    pos_cp = pltpu.async_copy(pos_hbm.at[pl.ds(pbase, PWIN)], pos_v, pos_sem)
    seg_cps = [pltpu.async_copy(seg_hbm.at[b, pl.ds(pbase, PWIN)],
                                seg_v.at[b], seg_sem) for b in range(batch)]
    segtab_cp = pltpu.async_copy(segtab_hbm, segtab_v, segtab_sem)
    tok_cps = [None] * batch
    idx0_cp.wait()
    grp_cps = [pltpu.async_copy(
        tok_hbm.at[idx_v.at[0].at[pl.ds(g * LANES, LANES)]],
        rows_v.at[pl.ds(g * LANES, LANES)], grp_sems[g])
        for g in range(PWIN // LANES)]
    for cp in idx_cps:
        cp.wait()
    for b in range(1, batch):
        tok_cps[b] = pltpu.async_copy(
            tok_hbm.at[idx_v.at[b]], rows_v.at[pl.ds(b * PWIN, PWIN)],
            tok_sems[b])
    for cp in seg_cps:
        cp.wait()
    segtab_cp.wait()

    seg0 = [segtab_v[0, pl.ds(j * LANES, LANES)] for j in range(DCHUNKS)]
    dif = [segtab_v[1, pl.ds(j * LANES, LANES)] - seg0[j] for j in range(DCHUNKS)]

    def make_grp_body(b):
        def grp_body(g, carry):
            sv = seg_v[b, pl.ds(g * LANES, LANES)].astype(jnp.float32)

            def tok_body(t, c2):
                i = b * PWIN + g * LANES + t
                ip = g * LANES + t
                sf = jnp.take(sv, jnp.full((LANES,), t, jnp.int32),
                              mode="fill")
                toks = [rows_v[i, pl.ds(j * LANES, LANES)]
                        for j in range(DCHUNKS)]
                poss = [pos_v[ip, pl.ds(j * LANES, LANES)]
                        for j in range(DCHUNKS)]
                for j in range(DCHUNKS):
                    rows_v[i, pl.ds(j * LANES, LANES)] = (
                        toks[j] + poss[j] + (seg0[j] + sf * dif[j]))
                return c2

            return lax.fori_loop(0, LANES, tok_body, carry)
        return grp_body

    pos_cp.wait()
    out_cps = []
    body0 = make_grp_body(0)
    for g in range(PWIN // LANES):
        grp_cps[g].wait()
        body0(g, 0)
    out_cps.append(pltpu.async_copy(
        rows_v.at[pl.ds(0, PWIN)],
        out_hbm.at[0, pl.ds(pbase, PWIN)], out_sem))
    for b in range(1, batch):
        tok_cps[b].wait()
        lax.fori_loop(0, PWIN // LANES, make_grp_body(b), 0)
        out_cps.append(pltpu.async_copy(
            rows_v.at[pl.ds(b * PWIN, PWIN)],
            out_hbm.at[b, pl.ds(pbase, PWIN)], out_sem))
    for cp in out_cps:
        cp.wait()


def kernel(x, seg, tok_embed, pos_embed, seg_embed):
    batch, seq = x.shape
    mesh = plsc.VectorSubcoreMesh(core_axis_name="c", subcore_axis_name="s")
    out = pl.kernel(
        _embed_body,
        out_type=jax.ShapeDtypeStruct((batch, seq, D), jnp.float32),
        mesh=mesh,
        scratch_types=[
            pltpu.VMEM((batch, PWIN), jnp.int32),
            pltpu.VMEM((batch, PWIN), jnp.int32),
            pltpu.VMEM((batch * PWIN, D), jnp.float32),
            pltpu.VMEM((PWIN, D), jnp.float32),
            pltpu.VMEM((2, D), jnp.float32),
            [pltpu.SemaphoreType.DMA] * batch,
            [pltpu.SemaphoreType.DMA] * (PWIN // LANES),
            pltpu.SemaphoreType.DMA,
            pltpu.SemaphoreType.DMA,
            pltpu.SemaphoreType.DMA,
            pltpu.SemaphoreType.DMA,
            pltpu.SemaphoreType.DMA,
        ],
    )(x.astype(jnp.int32), seg.astype(jnp.int32), tok_embed, pos_embed,
      seg_embed)
    return out

# --- scband reference (transcript-rebuilt; emitter-appended) ---
"""Pipeline reference for scband-embedding-bert-15556371546195 (READ-ONLY COPY).

The authoritative reference and input builder live on the scoring server;
editing this copy changes nothing except your own understanding.
"""

import jax, jax.numpy as jnp
import numpy as np

VOCAB_SIZE = 100000
D_MODEL = 128
MAXLEN = 2048
N_SEGMENTS = 2
BATCH = 4
SEQ_LEN = 2048


def setup_inputs(seed: int = 0) -> dict:
    key = jax.random.key(seed)
    k1, k2, k3, k4, k5 = jax.random.split(key, 5)
    x = jax.random.randint(k1, (BATCH, SEQ_LEN), 0, VOCAB_SIZE, dtype=jnp.int64 if jax.config.jax_enable_x64 else jnp.int32)
    seg = jax.random.randint(k2, (BATCH, SEQ_LEN), 0, N_SEGMENTS, dtype=jnp.int64 if jax.config.jax_enable_x64 else jnp.int32)
    tok_embed = jax.random.normal(k3, (VOCAB_SIZE, D_MODEL), dtype=jnp.float32)
    pos_embed = jax.random.normal(k4, (MAXLEN, D_MODEL), dtype=jnp.float32)
    seg_embed = jax.random.normal(k5, (N_SEGMENTS, D_MODEL), dtype=jnp.float32)
    return {"x": x, "seg": seg, "tok_embed": tok_embed, "pos_embed": pos_embed, "seg_embed": seg_embed}


def reference(x, seg, tok_embed, pos_embed, seg_embed):
    seq_len = x.shape[1]
    pos = jnp.arange(seq_len, dtype=x.dtype)
    pos = jnp.broadcast_to(pos[None, :], x.shape)
    embedding = jnp.take(tok_embed, x, axis=0) + jnp.take(pos_embed, pos, axis=0) + jnp.take(seg_embed, seg, axis=0)
    return embedding

if __name__ == "__main__":
    import jax
    _d = setup_inputs()
    print(jax.jit(kernel)(*tuple(_d.values())))

</pallas_src>

<mosaic_0001>
#map = affine_map<(d0, d1) -> (0, 0)>
#map1 = affine_map<(d0, d1) -> (0, 0, 0)>
module attributes {stable_mosaic.version = 14 : i64} {
  func.func @_embed_body(%arg0: i32, %arg1: i32, %arg2: memref<4x2048xi32, #tpu.memory_space<hbm>>, %arg3: memref<4x2048xi32, #tpu.memory_space<hbm>>, %arg4: memref<100000x128xf32, #tpu.memory_space<hbm>>, %arg5: memref<2048x128xf32, #tpu.memory_space<hbm>>, %arg6: memref<2x128xf32, #tpu.memory_space<hbm>>, %arg7: memref<4x2048x128xf32, #tpu.memory_space<hbm>>, %arg8: memref<4x64xi32, #tpu.memory_space<vmem>>, %arg9: memref<4x64xi32, #tpu.memory_space<vmem>>, %arg10: memref<256x128xf32, #tpu.memory_space<vmem>>, %arg11: memref<64x128xf32, #tpu.memory_space<vmem>>, %arg12: memref<2x128xf32, #tpu.memory_space<vmem>>, %arg13: memref<!tpu.dma_semaphore, #tpu.memory_space<semaphore_mem>>, %arg14: memref<!tpu.dma_semaphore, #tpu.memory_space<semaphore_mem>>, %arg15: memref<!tpu.dma_semaphore, #tpu.memory_space<semaphore_mem>>, %arg16: memref<!tpu.dma_semaphore, #tpu.memory_space<semaphore_mem>>, %arg17: memref<!tpu.dma_semaphore, #tpu.memory_space<semaphore_mem>>, %arg18: memref<!tpu.dma_semaphore, #tpu.memory_space<semaphore_mem>>, %arg19: memref<!tpu.dma_semaphore, #tpu.memory_space<semaphore_mem>>, %arg20: memref<!tpu.dma_semaphore, #tpu.memory_space<semaphore_mem>>, %arg21: memref<!tpu.dma_semaphore, #tpu.memory_space<semaphore_mem>>, %arg22: memref<!tpu.dma_semaphore, #tpu.memory_space<semaphore_mem>>, %arg23: memref<!tpu.dma_semaphore, #tpu.memory_space<semaphore_mem>>, %arg24: memref<!tpu.dma_semaphore, #tpu.memory_space<semaphore_mem>>, %arg25: memref<!tpu.dma_semaphore, #tpu.memory_space<semaphore_mem>>) attributes {dimension_semantics = [#tpu.dimension_semantics<core_parallel>, #tpu.dimension_semantics<subcore_parallel>], iteration_bounds = array<i64: 2, 16>, scalar_prefetch = 0 : i64, scratch_operands = 18 : i64, tpu.core_type = #tpu.core_type<sc_vector_subcore>, window_params = [{transform_indices = #map}, {transform_indices = #map}, {transform_indices = #map}, {transform_indices = #map}, {transform_indices = #map}, {transform_indices = #map1}]} {
    %mul3A = arith.constant 2 : i32
    %mul3A_0 = arith.muli %arg1, %mul3A : i32
    %add3A = arith.addi %mul3A_0, %arg0 : i32
    %mul3A_1 = arith.constant 64 : i32
    %mul3A_2 = arith.muli %add3A, %mul3A_1 : i32
    %dma_start3A = arith.constant 0 : i32
    %dma_start3A_3 = arith.constant 0 : i32
    %dma_start3A_4 = arith.constant 0 : i32
    %dma_start3A_5 = tpu.memref_slice %arg8[%dma_start3A_3, %dma_start3A_4] : memref<4x64xi32, #tpu.memory_space<vmem>> -> memref<1x64xi32, #tpu.memory_space<vmem>>
    %dma_start3A_6 = tpu.memref_squeeze %dma_start3A_5 : memref<1x64xi32, #tpu.memory_space<vmem>> -> memref<64xi32, #tpu.memory_space<vmem>>
    %dma_start3A_7 = tpu.memref_slice %arg2[%dma_start3A, %mul3A_2] : memref<4x2048xi32, #tpu.memory_space<hbm>> -> memref<1x64xi32, #tpu.memory_space<hbm>>
    %dma_start3A_8 = tpu.memref_squeeze %dma_start3A_7 : memref<1x64xi32, #tpu.memory_space<hbm>> -> memref<64xi32, #tpu.memory_space<hbm>>
    %dma_start3A_9 = arith.constant 0 : i32
    %dma_start3A_10 = tpu.memref_slice %arg8[%dma_start3A_3, %dma_start3A_9] : memref<4x64xi32, #tpu.memory_space<vmem>> -> memref<1x64xi32, #tpu.memory_space<vmem>>
    %dma_start3A_11 = tpu.memref_squeeze %dma_start3A_10 : memref<1x64xi32, #tpu.memory_space<vmem>> -> memref<64xi32, #tpu.memory_space<vmem>>
    %dma_start3A_12 = tpu.memref_slice %arg2[%dma_start3A, %mul3A_2] : memref<4x2048xi32, #tpu.memory_space<hbm>> -> memref<1x64xi32, #tpu.memory_space<hbm>>
    %dma_start3A_13 = tpu.memref_squeeze %dma_start3A_12 : memref<1x64xi32, #tpu.memory_space<hbm>> -> memref<64xi32, #tpu.memory_space<hbm>>
    tpu.enqueue_dma source(%dma_start3A_13 : memref<64xi32, #tpu.memory_space<hbm>>) target(%dma_start3A_11 : memref<64xi32, #tpu.memory_space<vmem>>) target_semaphore(%arg13 : memref<!tpu.dma_semaphore, #tpu.memory_space<semaphore_mem>>)
    %dma_start3A_14 = arith.constant 1 : i32
    %dma_start3A_15 = arith.constant 1 : i32
    %dma_start3A_16 = arith.constant 0 : i32
    %dma_start3A_17 = tpu.memref_slice %arg8[%dma_start3A_15, %dma_start3A_16] : memref<4x64xi32, #tpu.memory_space<vmem>> -> memref<1x64xi32, #tpu.memory_space<vmem>>
    %dma_start3A_18 = tpu.memref_squeeze %dma_start3A_17 : memref<1x64xi32, #tpu.memory_space<vmem>> -> memref<64xi32, #tpu.memory_space<vmem>>
    %dma_start3A_19 = tpu.memref_slice %arg2[%dma_start3A_14, %mul3A_2] : memref<4x2048xi32, #tpu.memory_space<hbm>> -> memref<1x64xi32, #tpu.memory_space<hbm>>
    %dma_start3A_20 = tpu.memref_squeeze %dma_start3A_19 : memref<1x64xi32, #tpu.memory_space<hbm>> -> memref<64xi32, #tpu.memory_space<hbm>>
    %dma_start3A_21 = arith.constant 0 : i32
    %dma_start3A_22 = tpu.memref_slice %arg8[%dma_start3A_15, %dma_start3A_21] : memref<4x64xi32, #tpu.memory_space<vmem>> -> memref<1x64xi32, #tpu.memory_space<vmem>>
    %dma_start3A_23 = tpu.memref_squeeze %dma_start3A_22 : memref<1x64xi32, #tpu.memory_space<vmem>> -> memref<64xi32, #tpu.memory_space<vmem>>
    %dma_start3A_24 = tpu.memref_slice %arg2[%dma_start3A_14, %mul3A_2] : memref<4x2048xi32, #tpu.memory_space<hbm>> -> memref<1x64xi32, #tpu.memory_space<hbm>>
    %dma_start3A_25 = tpu.memref_squeeze %dma_start3A_24 : memref<1x64xi32, #tpu.memory_space<hbm>> -> memref<64xi32, #tpu.memory_space<hbm>>
    tpu.enqueue_dma source(%dma_start3A_25 : memref<64xi32, #tpu.memory_space<hbm>>) target(%dma_start3A_23 : memref<64xi32, #tpu.memory_space<vmem>>) target_semaphore(%arg21 : memref<!tpu.dma_semaphore, #tpu.memory_space<semaphore_mem>>)
    %dma_start3A_26 = arith.constant 2 : i32
    %dma_start3A_27 = arith.constant 2 : i32
    %dma_start3A_28 = arith.constant 0 : i32
    %dma_start3A_29 = tpu.memref_slice %arg8[%dma_start3A_27, %dma_start3A_28] : memref<4x64xi32, #tpu.memory_space<vmem>> -> memref<1x64xi32, #tpu.memory_space<vmem>>
    %dma_start3A_30 = tpu.memref_squeeze %dma_start3A_29 : memref<1x64xi32, #tpu.memory_space<vmem>> -> memref<64xi32, #tpu.memory_space<vmem>>
    %dma_start3A_31 = tpu.memref_slice %arg2[%dma_start3A_26, %mul3A_2] : memref<4x2048xi32, #tpu.memory_space<hbm>> -> memref<1x64xi32, #tpu.memory_space<hbm>>
    %dma_start3A_32 = tpu.memref_squeeze %dma_start3A_31 : memref<1x64xi32, #tpu.memory_space<hbm>> -> memref<64xi32, #tpu.memory_space<hbm>>
    %dma_start3A_33 = arith.constant 0 : i32
    %dma_start3A_34 = tpu.memref_slice %arg8[%dma_start3A_27, %dma_start3A_33] : memref<4x64xi32, #tpu.memory_space<vmem>> -> memref<1x64xi32, #tpu.memory_space<vmem>>
    %dma_start3A_35 = tpu.memref_squeeze %dma_start3A_34 : memref<1x64xi32, #tpu.memory_space<vmem>> -> memref<64xi32, #tpu.memory_space<vmem>>
    %dma_start3A_36 = tpu.memref_slice %arg2[%dma_start3A_26, %mul3A_2] : memref<4x2048xi32, #tpu.memory_space<hbm>> -> memref<1x64xi32, #tpu.memory_space<hbm>>
    %dma_start3A_37 = tpu.memref_squeeze %dma_start3A_36 : memref<1x64xi32, #tpu.memory_space<hbm>> -> memref<64xi32, #tpu.memory_space<hbm>>
    tpu.enqueue_dma source(%dma_start3A_37 : memref<64xi32, #tpu.memory_space<hbm>>) target(%dma_start3A_35 : memref<64xi32, #tpu.memory_space<vmem>>) target_semaphore(%arg21 : memref<!tpu.dma_semaphore, #tpu.memory_space<semaphore_mem>>)
    %dma_start3A_38 = arith.constant 3 : i32
    %dma_start3A_39 = arith.constant 3 : i32
    %dma_start3A_40 = arith.constant 0 : i32
    %dma_start3A_41 = tpu.memref_slice %arg8[%dma_start3A_39, %dma_start3A_40] : memref<4x64xi32, #tpu.memory_space<vmem>> -> memref<1x64xi32, #tpu.memory_space<vmem>>
    %dma_start3A_42 = tpu.memref_squeeze %dma_start3A_41 : memref<1x64xi32, #tpu.memory_space<vmem>> -> memref<64xi32, #tpu.memory_space<vmem>>
    %dma_start3A_43 = tpu.memref_slice %arg2[%dma_start3A_38, %mul3A_2] : memref<4x2048xi32, #tpu.memory_space<hbm>> -> memref<1x64xi32, #tpu.memory_space<hbm>>
    %dma_start3A_44 = tpu.memref_squeeze %dma_start3A_43 : memref<1x64xi32, #tpu.memory_space<hbm>> -> memref<64xi32, #tpu.memory_space<hbm>>
    %dma_start3A_45 = arith.constant 0 : i32
    %dma_start3A_46 = tpu.memref_slice %arg8[%dma_start3A_39, %dma_start3A_45] : memref<4x64xi32, #tpu.memory_space<vmem>> -> memref<1x64xi32, #tpu.memory_space<vmem>>
    %dma_start3A_47 = tpu.memref_squeeze %dma_start3A_46 : memref<1x64xi32, #tpu.memory_space<vmem>> -> memref<64xi32, #tpu.memory_space<vmem>>
    %dma_start3A_48 = tpu.memref_slice %arg2[%dma_start3A_38, %mul3A_2] : memref<4x2048xi32, #tpu.memory_space<hbm>> -> memref<1x64xi32, #tpu.memory_space<hbm>>
    %dma_start3A_49 = tpu.memref_squeeze %dma_start3A_48 : memref<1x64xi32, #tpu.memory_space<hbm>> -> memref<64xi32, #tpu.memory_space<hbm>>
    tpu.enqueue_dma source(%dma_start3A_49 : memref<64xi32, #tpu.memory_space<hbm>>) target(%dma_start3A_47 : memref<64xi32, #tpu.memory_space<vmem>>) target_semaphore(%arg21 : memref<!tpu.dma_semaphore, #tpu.memory_space<semaphore_mem>>)
    %dma_start3A_50 = arith.constant 0 : i32
    %dma_start3A_51 = tpu.memref_slice %arg5[%mul3A_2, %dma_start3A_50] : memref<2048x128xf32, #tpu.memory_space<hbm>> -> memref<64x128xf32, #tpu.memory_space<hbm>>
    %dma_start3A_52 = arith.constant 0 : i32
    %dma_start3A_53 = tpu.memref_slice %arg5[%mul3A_2, %dma_start3A_52] : memref<2048x128xf32, #tpu.memory_space<hbm>> -> memref<64x128xf32, #tpu.memory_space<hbm>>
    tpu.enqueue_dma source(%dma_start3A_53 : memref<64x128xf32, #tpu.memory_space<hbm>>) target(%arg11 : memref<64x128xf32, #tpu.memory_space<vmem>>) target_semaphore(%arg24 : memref<!tpu.dma_semaphore, #tpu.memory_space<semaphore_mem>>)
    %dma_start3A_54 = arith.constant 0 : i32
    %dma_start3A_55 = arith.constant 0 : i32
    %dma_start3A_56 = arith.constant 0 : i32
    %dma_start3A_57 = tpu.memref_slice %arg9[%dma_start3A_55, %dma_start3A_56] : memref<4x64xi32, #tpu.memory_space<vmem>> -> memref<1x64xi32, #tpu.memory_space<vmem>>
    %dma_start3A_58 = tpu.memref_squeeze %dma_start3A_57 : memref<1x64xi32, #tpu.memory_space<vmem>> -> memref<64xi32, #tpu.memory_space<vmem>>
    %dma_start3A_59 = tpu.memref_slice %arg3[%dma_start3A_54, %mul3A_2] : memref<4x2048xi32, #tpu.memory_space<hbm>> -> memref<1x64xi32, #tpu.memory_space<hbm>>
    %dma_start3A_60 = tpu.memref_squeeze %dma_start3A_59 : memref<1x64xi32, #tpu.memory_space<hbm>> -> memref<64xi32, #tpu.memory_space<hbm>>
    %dma_start3A_61 = arith.constant 0 : i32
    %dma_start3A_62 = tpu.memref_slice %arg9[%dma_start3A_55, %dma_start3A_61] : memref<4x64xi32, #tpu.memory_space<vmem>> -> memref<1x64xi32, #tpu.memory_space<vmem>>
    %dma_start3A_63 = tpu.memref_squeeze %dma_start3A_62 : memref<1x64xi32, #tpu.memory_space<vmem>> -> memref<64xi32, #tpu.memory_space<vmem>>
    %dma_start3A_64 = tpu.memref_slice %arg3[%dma_start3A_54, %mul3A_2] : memref<4x2048xi32, #tpu.memory_space<hbm>> -> memref<1x64xi32, #tpu.memory_space<hbm>>
    %dma_start3A_65 = tpu.memref_squeeze %dma_start3A_64 : memref<1x64xi32, #tpu.memory_space<hbm>> -> memref<64xi32, #tpu.memory_space<hbm>>
    tpu.enqueue_dma source(%dma_start3A_65 : memref<64xi32, #tpu.memory_space<hbm>>) target(%dma_start3A_63 : memref<64xi32, #tpu.memory_space<vmem>>) target_semaphore(%arg22 : memref<!tpu.dma_semaphore, #tpu.memory_space<semaphore_mem>>)
    %dma_start3A_66 = arith.constant 1 : i32
    %dma_start3A_67 = arith.constant 1 : i32
    %dma_start3A_68 = arith.constant 0 : i32
    %dma_start3A_69 = tpu.memref_slice %arg9[%dma_start3A_67, %dma_start3A_68] : memref<4x64xi32, #tpu.memory_space<vmem>> -> memref<1x64xi32, #tpu.memory_space<vmem>>
    %dma_start3A_70 = tpu.memref_squeeze %dma_start3A_69 : memref<1x64xi32, #tpu.memory_space<vmem>> -> memref<64xi32, #tpu.memory_space<vmem>>
    %dma_start3A_71 = tpu.memref_slice %arg3[%dma_start3A_66, %mul3A_2] : memref<4x2048xi32, #tpu.memory_space<hbm>> -> memref<1x64xi32, #tpu.memory_space<hbm>>
    %dma_start3A_72 = tpu.memref_squeeze %dma_start3A_71 : memref<1x64xi32, #tpu.memory_space<hbm>> -> memref<64xi32, #tpu.memory_space<hbm>>
    %dma_start3A_73 = arith.constant 0 : i32
    %dma_start3A_74 = tpu.memref_slice %arg9[%dma_start3A_67, %dma_start3A_73] : memref<4x64xi32, #tpu.memory_space<vmem>> -> memref<1x64xi32, #tpu.memory_space<vmem>>
    %dma_start3A_75 = tpu.memref_squeeze %dma_start3A_74 : memref<1x64xi32, #tpu.memory_space<vmem>> -> memref<64xi32, #tpu.memory_space<vmem>>
    %dma_start3A_76 = tpu.memref_slice %arg3[%dma_start3A_66, %mul3A_2] : memref<4x2048xi32, #tpu.memory_space<hbm>> -> memref<1x64xi32, #tpu.memory_space<hbm>>
    %dma_start3A_77 = tpu.memref_squeeze %dma_start3A_76 : memref<1x64xi32, #tpu.memory_space<hbm>> -> memref<64xi32, #tpu.memory_space<hbm>>
    tpu.enqueue_dma source(%dma_start3A_77 : memref<64xi32, #tpu.memory_space<hbm>>) target(%dma_start3A_75 : memref<64xi32, #tpu.memory_space<vmem>>) target_semaphore(%arg22 : memref<!tpu.dma_semaphore, #tpu.memory_space<semaphore_mem>>)
    %dma_start3A_78 = arith.constant 2 : i32
    %dma_start3A_79 = arith.constant 2 : i32
    %dma_start3A_80 = arith.constant 0 : i32
    %dma_start3A_81 = tpu.memref_slice %arg9[%dma_start3A_79, %dma_start3A_80] : memref<4x64xi32, #tpu.memory_space<vmem>> -> memref<1x64xi32, #tpu.memory_space<vmem>>
    %dma_start3A_82 = tpu.memref_squeeze %dma_start3A_81 : memref<1x64xi32, #tpu.memory_space<vmem>> -> memref<64xi32, #tpu.memory_space<vmem>>
    %dma_start3A_83 = tpu.memref_slice %arg3[%dma_start3A_78, %mul3A_2] : memref<4x2048xi32, #tpu.memory_space<hbm>> -> memref<1x64xi32, #tpu.memory_space<hbm>>
    %dma_start3A_84 = tpu.memref_squeeze %dma_start3A_83 : memref<1x64xi32, #tpu.memory_space<hbm>> -> memref<64xi32, #tpu.memory_space<hbm>>
    %dma_start3A_85 = arith.constant 0 : i32
    %dma_start3A_86 = tpu.memref_slice %arg9[%dma_start3A_79, %dma_start3A_85] : memref<4x64xi32, #tpu.memory_space<vmem>> -> memref<1x64xi32, #tpu.memory_space<vmem>>
    %dma_start3A_87 = tpu.memref_squeeze %dma_start3A_86 : memref<1x64xi32, #tpu.memory_space<vmem>> -> memref<64xi32, #tpu.memory_space<vmem>>
    %dma_start3A_88 = tpu.memref_slice %arg3[%dma_start3A_78, %mul3A_2] : memref<4x2048xi32, #tpu.memory_space<hbm>> -> memref<1x64xi32, #tpu.memory_space<hbm>>
    %dma_start3A_89 = tpu.memref_squeeze %dma_start3A_88 : memref<1x64xi32, #tpu.memory_space<hbm>> -> memref<64xi32, #tpu.memory_space<hbm>>
    tpu.enqueue_dma source(%dma_start3A_89 : memref<64xi32, #tpu.memory_space<hbm>>) target(%dma_start3A_87 : memref<64xi32, #tpu.memory_space<vmem>>) target_semaphore(%arg22 : memref<!tpu.dma_semaphore, #tpu.memory_space<semaphore_mem>>)
    %dma_start3A_90 = arith.constant 3 : i32
    %dma_start3A_91 = arith.constant 3 : i32
    %dma_start3A_92 = arith.constant 0 : i32
    %dma_start3A_93 = tpu.memref_slice %arg9[%dma_start3A_91, %dma_start3A_92] : memref<4x64xi32, #tpu.memory_space<vmem>> -> memref<1x64xi32, #tpu.memory_space<vmem>>
    %dma_start3A_94 = tpu.memref_squeeze %dma_start3A_93 : memref<1x64xi32, #tpu.memory_space<vmem>> -> memref<64xi32, #tpu.memory_space<vmem>>
    %dma_start3A_95 = tpu.memref_slice %arg3[%dma_start3A_90, %mul3A_2] : memref<4x2048xi32, #tpu.memory_space<hbm>> -> memref<1x64xi32, #tpu.memory_space<hbm>>
    %dma_start3A_96 = tpu.memref_squeeze %dma_start3A_95 : memref<1x64xi32, #tpu.memory_space<hbm>> -> memref<64xi32, #tpu.memory_space<hbm>>
    %dma_start3A_97 = arith.constant 0 : i32
    %dma_start3A_98 = tpu.memref_slice %arg9[%dma_start3A_91, %dma_start3A_97] : memref<4x64xi32, #tpu.memory_space<vmem>> -> memref<1x64xi32, #tpu.memory_space<vmem>>
    %dma_start3A_99 = tpu.memref_squeeze %dma_start3A_98 : memref<1x64xi32, #tpu.memory_space<vmem>> -> memref<64xi32, #tpu.memory_space<vmem>>
    %dma_start3A_100 = tpu.memref_slice %arg3[%dma_start3A_90, %mul3A_2] : memref<4x2048xi32, #tpu.memory_space<hbm>> -> memref<1x64xi32, #tpu.memory_space<hbm>>
    %dma_start3A_101 = tpu.memref_squeeze %dma_start3A_100 : memref<1x64xi32, #tpu.memory_space<hbm>> -> memref<64xi32, #tpu.memory_space<hbm>>
    tpu.enqueue_dma source(%dma_start3A_101 : memref<64xi32, #tpu.memory_space<hbm>>) target(%dma_start3A_99 : memref<64xi32, #tpu.memory_space<vmem>>) target_semaphore(%arg22 : memref<!tpu.dma_semaphore, #tpu.memory_space<semaphore_mem>>)
    tpu.enqueue_dma source(%arg6 : memref<2x128xf32, #tpu.memory_space<hbm>>) target(%arg12 : memref<2x128xf32, #tpu.memory_space<vmem>>) target_semaphore(%arg23 : memref<!tpu.dma_semaphore, #tpu.memory_space<semaphore_mem>>)
    %dma_wait3A = arith.constant 0 : i32
    %dma_wait3A_102 = arith.constant 0 : i32
    %dma_wait3A_103 = arith.constant 0 : i32
    %dma_wait3A_104 = tpu.memref_slice %arg8[%dma_wait3A_102, %dma_wait3A_103] : memref<4x64xi32, #tpu.memory_space<vmem>> -> memref<1x64xi32, #tpu.memory_space<vmem>>
    %dma_wait3A_105 = tpu.memref_squeeze %dma_wait3A_104 : memref<1x64xi32, #tpu.memory_space<vmem>> -> memref<64xi32, #tpu.memory_space<vmem>>
    %dma_wait3A_106 = tpu.memref_slice %arg2[%dma_wait3A, %mul3A_2] : memref<4x2048xi32, #tpu.memory_space<hbm>> -> memref<1x64xi32, #tpu.memory_space<hbm>>
    %dma_wait3A_107 = tpu.memref_squeeze %dma_wait3A_106 : memref<1x64xi32, #tpu.memory_space<hbm>> -> memref<64xi32, #tpu.memory_space<hbm>>
    %dma_wait3A_108 = arith.constant 0 : i32
    %dma_wait3A_109 = tpu.memref_slice %arg8[%dma_wait3A_102, %dma_wait3A_108] : memref<4x64xi32, #tpu.memory_space<vmem>> -> memref<1x64xi32, #tpu.memory_space<vmem>>
    %dma_wait3A_110 = tpu.memref_squeeze %dma_wait3A_109 : memref<1x64xi32, #tpu.memory_space<vmem>> -> memref<64xi32, #tpu.memory_space<vmem>>
    %dma_wait3A_111 = tpu.memref_slice %arg2[%dma_wait3A, %mul3A_2] : memref<4x2048xi32, #tpu.memory_space<hbm>> -> memref<1x64xi32, #tpu.memory_space<hbm>>
    %dma_wait3A_112 = tpu.memref_squeeze %dma_wait3A_111 : memref<1x64xi32, #tpu.memory_space<hbm>> -> memref<64xi32, #tpu.memory_space<hbm>>
    tpu.wait_dma2 semaphore(%arg13 : memref<!tpu.dma_semaphore, #tpu.memory_space<semaphore_mem>>) src(%dma_wait3A_112 : memref<64xi32, #tpu.memory_space<hbm>>) dst(%dma_wait3A_110 : memref<64xi32, #tpu.memory_space<vmem>>)
    %dma_start3A_113 = arith.constant 0 : i32
    %dma_start3A_114 = arith.constant 0 : i32
    %dma_start3A_115 = arith.constant 0 : i32
    %dma_start3A_116 = tpu.memref_slice %arg10[%dma_start3A_114, %dma_start3A_115] : memref<256x128xf32, #tpu.memory_space<vmem>> -> memref<16x128xf32, #tpu.memory_space<vmem>>
    %dma_start3A_117 = arith.constant 0 : i32
    %dma_start3A_118 = tpu.memref_slice %arg8[%dma_start3A_113, %dma_start3A_117] : memref<4x64xi32, #tpu.memory_space<vmem>> -> memref<1x64xi32, #tpu.memory_space<vmem>>
    %dma_start3A_119 = tpu.memref_squeeze %dma_start3A_118 : memref<1x64xi32, #tpu.memory_space<vmem>> -> memref<64xi32, #tpu.memory_space<vmem>>
    %dma_start3A_120 = arith.constant 0 : i32
    %dma_start3A_121 = tpu.memref_slice %dma_start3A_119[%dma_start3A_120] : memref<64xi32, #tpu.memory_space<vmem>> -> memref<16xi32, #tpu.memory_space<vmem>>
    %dma_start3A_122 = arith.constant 0 : i32
    %dma_start3A_123 = arith.constant 0 : i32
    %dma_start3A_124 = tpu.memref_slice %arg4[%dma_start3A_122, %dma_start3A_123] : memref<100000x128xf32, #tpu.memory_space<hbm>> -> memref<100000x128xf32, #tpu.memory_space<hbm>>
    tpu.enqueue_indirect_dma source(%dma_start3A_124 : memref<100000x128xf32, #tpu.memory_space<hbm>>) target(%dma_start3A_116 : memref<16x128xf32, #tpu.memory_space<vmem>>) offsets(%dma_start3A_121 : memref<16xi32, #tpu.memory_space<vmem>>) semaphore(%arg17 : memref<!tpu.dma_semaphore, #tpu.memory_space<semaphore_mem>>)
    %dma_start3A_125 = arith.constant 0 : i32
    %dma_start3A_126 = arith.constant 16 : i32
    %dma_start3A_127 = arith.constant 0 : i32
    %dma_start3A_128 = tpu.memref_slice %arg10[%dma_start3A_126, %dma_start3A_127] : memref<256x128xf32, #tpu.memory_space<vmem>> -> memref<16x128xf32, #tpu.memory_space<vmem>>
    %dma_start3A_129 = arith.constant 0 : i32
    %dma_start3A_130 = tpu.memref_slice %arg8[%dma_start3A_125, %dma_start3A_129] : memref<4x64xi32, #tpu.memory_space<vmem>> -> memref<1x64xi32, #tpu.memory_space<vmem>>
    %dma_start3A_131 = tpu.memref_squeeze %dma_start3A_130 : memref<1x64xi32, #tpu.memory_space<vmem>> -> memref<64xi32, #tpu.memory_space<vmem>>
    %dma_start3A_132 = arith.constant 16 : i32
    %dma_start3A_133 = tpu.memref_slice %dma_start3A_131[%dma_start3A_132] : memref<64xi32, #tpu.memory_space<vmem>> -> memref<16xi32, #tpu.memory_space<vmem>>
    %dma_start3A_134 = arith.constant 0 : i32
    %dma_start3A_135 = arith.constant 0 : i32
    %dma_start3A_136 = tpu.memref_slice %arg4[%dma_start3A_134, %dma_start3A_135] : memref<100000x128xf32, #tpu.memory_space<hbm>> -> memref<100000x128xf32, #tpu.memory_space<hbm>>
    tpu.enqueue_indirect_dma source(%dma_start3A_136 : memref<100000x128xf32, #tpu.memory_space<hbm>>) target(%dma_start3A_128 : memref<16x128xf32, #tpu.memory_space<vmem>>) offsets(%dma_start3A_133 : memref<16xi32, #tpu.memory_space<vmem>>) semaphore(%arg18 : memref<!tpu.dma_semaphore, #tpu.memory_space<semaphore_mem>>)
    %dma_start3A_137 = arith.constant 0 : i32
    %dma_start3A_138 = arith.constant 32 : i32
    %dma_start3A_139 = arith.constant 0 : i32
    %dma_start3A_140 = tpu.memref_slice %arg10[%dma_start3A_138, %dma_start3A_139] : memref<256x128xf32, #tpu.memory_space<vmem>> -> memref<16x128xf32, #tpu.memory_space<vmem>>
    %dma_start3A_141 = arith.constant 0 : i32
    %dma_start3A_142 = tpu.memref_slice %arg8[%dma_start3A_137, %dma_start3A_141] : memref<4x64xi32, #tpu.memory_space<vmem>> -> memref<1x64xi32, #tpu.memory_space<vmem>>
    %dma_start3A_143 = tpu.memref_squeeze %dma_start3A_142 : memref<1x64xi32, #tpu.memory_space<vmem>> -> memref<64xi32, #tpu.memory_space<vmem>>
    %dma_start3A_144 = arith.constant 32 : i32
    %dma_start3A_145 = tpu.memref_slice %dma_start3A_143[%dma_start3A_144] : memref<64xi32, #tpu.memory_space<vmem>> -> memref<16xi32, #tpu.memory_space<vmem>>
    %dma_start3A_146 = arith.constant 0 : i32
    %dma_start3A_147 = arith.constant 0 : i32
    %dma_start3A_148 = tpu.memref_slice %arg4[%dma_start3A_146, %dma_start3A_147] : memref<100000x128xf32, #tpu.memory_space<hbm>> -> memref<100000x128xf32, #tpu.memory_space<hbm>>
    tpu.enqueue_indirect_dma source(%dma_start3A_148 : memref<100000x128xf32, #tpu.memory_space<hbm>>) target(%dma_start3A_140 : memref<16x128xf32, #tpu.memory_space<vmem>>) offsets(%dma_start3A_145 : memref<16xi32, #tpu.memory_space<vmem>>) semaphore(%arg19 : memref<!tpu.dma_semaphore, #tpu.memory_space<semaphore_mem>>)
    %dma_start3A_149 = arith.constant 0 : i32
    %dma_start3A_150 = arith.constant 48 : i32
    %dma_start3A_151 = arith.constant 0 : i32
    %dma_start3A_152 = tpu.memref_slice %arg10[%dma_start3A_150, %dma_start3A_151] : memref<256x128xf32, #tpu.memory_space<vmem>> -> memref<16x128xf32, #tpu.memory_space<vmem>>
    %dma_start3A_153 = arith.constant 0 : i32
    %dma_start3A_154 = tpu.memref_slice %arg8[%dma_start3A_149, %dma_start3A_153] : memref<4x64xi32, #tpu.memory_space<vmem>> -> memref<1x64xi32, #tpu.memory_space<vmem>>
    %dma_start3A_155 = tpu.memref_squeeze %dma_start3A_154 : memref<1x64xi32, #tpu.memory_space<vmem>> -> memref<64xi32, #tpu.memory_space<vmem>>
    %dma_start3A_156 = arith.constant 48 : i32
    %dma_start3A_157 = tpu.memref_slice %dma_start3A_155[%dma_start3A_156] : memref<64xi32, #tpu.memory_space<vmem>> -> memref<16xi32, #tpu.memory_space<vmem>>
    %dma_start3A_158 = arith.constant 0 : i32
    %dma_start3A_159 = arith.constant 0 : i32
    %dma_start3A_160 = tpu.memref_slice %arg4[%dma_start3A_158, %dma_start3A_159] : memref<100000x128xf32, #tpu.memory_space<hbm>> -> memref<100000x128xf32, #tpu.memory_space<hbm>>
    tpu.enqueue_indirect_dma source(%dma_start3A_160 : memref<100000x128xf32, #tpu.memory_space<hbm>>) target(%dma_start3A_152 : memref<16x128xf32, #tpu.memory_space<vmem>>) offsets(%dma_start3A_157 : memref<16xi32, #tpu.memory_space<vmem>>) semaphore(%arg20 : memref<!tpu.dma_semaphore, #tpu.memory_space<semaphore_mem>>)
    %dma_wait3A_161 = arith.constant 1 : i32
    %dma_wait3A_162 = arith.constant 1 : i32
    %dma_wait3A_163 = arith.constant 0 : i32
    %dma_wait3A_164 = tpu.memref_slice %arg8[%dma_wait3A_162, %dma_wait3A_163] : memref<4x64xi32, #tpu.memory_space<vmem>> -> memref<1x64xi32, #tpu.memory_space<vmem>>
    %dma_wait3A_165 = tpu.memref_squeeze %dma_wait3A_164 : memref<1x64xi32, #tpu.memory_space<vmem>> -> memref<64xi32, #tpu.memory_space<vmem>>
    %dma_wait3A_166 = tpu.memref_slice %arg2[%dma_wait3A_161, %mul3A_2] : memref<4x2048xi32, #tpu.memory_space<hbm>> -> memref<1x64xi32, #tpu.memory_space<hbm>>
    %dma_wait3A_167 = tpu.memref_squeeze %dma_wait3A_166 : memref<1x64xi32, #tpu.memory_space<hbm>> -> memref<64xi32, #tpu.memory_space<hbm>>
    %dma_wait3A_168 = arith.constant 0 : i32
    %dma_wait3A_169 = tpu.memref_slice %arg8[%dma_wait3A_162, %dma_wait3A_168] : memref<4x64xi32, #tpu.memory_space<vmem>> -> memref<1x64xi32, #tpu.memory_space<vmem>>
    %dma_wait3A_170 = tpu.memref_squeeze %dma_wait3A_169 : memref<1x64xi32, #tpu.memory_space<vmem>> -> memref<64xi32, #tpu.memory_space<vmem>>
    %dma_wait3A_171 = tpu.memref_slice %arg2[%dma_wait3A_161, %mul3A_2] : memref<4x2048xi32, #tpu.memory_space<hbm>> -> memref<1x64xi32, #tpu.memory_space<hbm>>
    %dma_wait3A_172 = tpu.memref_squeeze %dma_wait3A_171 : memref<1x64xi32, #tpu.memory_space<hbm>> -> memref<64xi32, #tpu.memory_space<hbm>>
    tpu.wait_dma2 semaphore(%arg21 : memref<!tpu.dma_semaphore, #tpu.memory_space<semaphore_mem>>) src(%dma_wait3A_172 : memref<64xi32, #tpu.memory_space<hbm>>) dst(%dma_wait3A_170 : memref<64xi32, #tpu.memory_space<vmem>>)
    %dma_wait3A_173 = arith.constant 2 : i32
    %dma_wait3A_174 = arith.constant 2 : i32
    %dma_wait3A_175 = arith.constant 0 : i32
    %dma_wait3A_176 = tpu.memref_slice %arg8[%dma_wait3A_174, %dma_wait3A_175] : memref<4x64xi32, #tpu.memory_space<vmem>> -> memref<1x64xi32, #tpu.memory_space<vmem>>
    %dma_wait3A_177 = tpu.memref_squeeze %dma_wait3A_176 : memref<1x64xi32, #tpu.memory_space<vmem>> -> memref<64xi32, #tpu.memory_space<vmem>>
    %dma_wait3A_178 = tpu.memref_slice %arg2[%dma_wait3A_173, %mul3A_2] : memref<4x2048xi32, #tpu.memory_space<hbm>> -> memref<1x64xi32, #tpu.memory_space<hbm>>
    %dma_wait3A_179 = tpu.memref_squeeze %dma_wait3A_178 : memref<1x64xi32, #tpu.memory_space<hbm>> -> memref<64xi32, #tpu.memory_space<hbm>>
    %dma_wait3A_180 = arith.constant 0 : i32
    %dma_wait3A_181 = tpu.memref_slice %arg8[%dma_wait3A_174, %dma_wait3A_180] : memref<4x64xi32, #tpu.memory_space<vmem>> -> memref<1x64xi32, #tpu.memory_space<vmem>>
    %dma_wait3A_182 = tpu.memref_squeeze %dma_wait3A_181 : memref<1x64xi32, #tpu.memory_space<vmem>> -> memref<64xi32, #tpu.memory_space<vmem>>
    %dma_wait3A_183 = tpu.memref_slice %arg2[%dma_wait3A_173, %mul3A_2] : memref<4x2048xi32, #tpu.memory_space<hbm>> -> memref<1x64xi32, #tpu.memory_space<hbm>>
    %dma_wait3A_184 = tpu.memref_squeeze %dma_wait3A_183 : memref<1x64xi32, #tpu.memory_space<hbm>> -> memref<64xi32, #tpu.memory_space<hbm>>
    tpu.wait_dma2 semaphore(%arg21 : memref<!tpu.dma_semaphore, #tpu.memory_space<semaphore_mem>>) src(%dma_wait3A_184 : memref<64xi32, #tpu.memory_space<hbm>>) dst(%dma_wait3A_182 : memref<64xi32, #tpu.memory_space<vmem>>)
    %dma_wait3A_185 = arith.constant 3 : i32
    %dma_wait3A_186 = arith.constant 3 : i32
    %dma_wait3A_187 = arith.constant 0 : i32
    %dma_wait3A_188 = tpu.memref_slice %arg8[%dma_wait3A_186, %dma_wait3A_187] : memref<4x64xi32, #tpu.memory_space<vmem>> -> memref<1x64xi32, #tpu.memory_space<vmem>>
    %dma_wait3A_189 = tpu.memref_squeeze %dma_wait3A_188 : memref<1x64xi32, #tpu.memory_space<vmem>> -> memref<64xi32, #tpu.memory_space<vmem>>
    %dma_wait3A_190 = tpu.memref_slice %arg2[%dma_wait3A_185, %mul3A_2] : memref<4x2048xi32, #tpu.memory_space<hbm>> -> memref<1x64xi32, #tpu.memory_space<hbm>>
    %dma_wait3A_191 = tpu.memref_squeeze %dma_wait3A_190 : memref<1x64xi32, #tpu.memory_space<hbm>> -> memref<64xi32, #tpu.memory_space<hbm>>
    %dma_wait3A_192 = arith.constant 0 : i32
    %dma_wait3A_193 = tpu.memref_slice %arg8[%dma_wait3A_186, %dma_wait3A_192] : memref<4x64xi32, #tpu.memory_space<vmem>> -> memref<1x64xi32, #tpu.memory_space<vmem>>
    %dma_wait3A_194 = tpu.memref_squeeze %dma_wait3A_193 : memref<1x64xi32, #tpu.memory_space<vmem>> -> memref<64xi32, #tpu.memory_space<vmem>>
    %dma_wait3A_195 = tpu.memref_slice %arg2[%dma_wait3A_185, %mul3A_2] : memref<4x2048xi32, #tpu.memory_space<hbm>> -> memref<1x64xi32, #tpu.memory_space<hbm>>
    %dma_wait3A_196 = tpu.memref_squeeze %dma_wait3A_195 : memref<1x64xi32, #tpu.memory_space<hbm>> -> memref<64xi32, #tpu.memory_space<hbm>>
    tpu.wait_dma2 semaphore(%arg21 : memref<!tpu.dma_semaphore, #tpu.memory_space<semaphore_mem>>) src(%dma_wait3A_196 : memref<64xi32, #tpu.memory_space<hbm>>) dst(%dma_wait3A_194 : memref<64xi32, #tpu.memory_space<vmem>>)
    %dma_start3A_197 = arith.constant 1 : i32
    %dma_start3A_198 = arith.constant 64 : i32
    %dma_start3A_199 = arith.constant 0 : i32
    %dma_start3A_200 = tpu.memref_slice %arg10[%dma_start3A_198, %dma_start3A_199] : memref<256x128xf32, #tpu.memory_space<vmem>> -> memref<64x128xf32, #tpu.memory_space<vmem>>
    %dma_start3A_201 = arith.constant 0 : i32
    %dma_start3A_202 = tpu.memref_slice %arg8[%dma_start3A_197, %dma_start3A_201] : memref<4x64xi32, #tpu.memory_space<vmem>> -> memref<1x64xi32, #tpu.memory_space<vmem>>
    %dma_start3A_203 = tpu.memref_squeeze %dma_start3A_202 : memref<1x64xi32, #tpu.memory_space<vmem>> -> memref<64xi32, #tpu.memory_space<vmem>>
    %dma_start3A_204 = arith.constant 0 : i32
    %dma_start3A_205 = arith.constant 0 : i32
    %dma_start3A_206 = tpu.memref_slice %arg4[%dma_start3A_204, %dma_start3A_205] : memref<100000x128xf32, #tpu.memory_space<hbm>> -> memref<100000x128xf32, #tpu.memory_space<hbm>>
    tpu.enqueue_indirect_dma source(%dma_start3A_206 : memref<100000x128xf32, #tpu.memory_space<hbm>>) target(%dma_start3A_200 : memref<64x128xf32, #tpu.memory_space<vmem>>) offsets(%dma_start3A_203 : memref<64xi32, #tpu.memory_space<vmem>>) semaphore(%arg14 : memref<!tpu.dma_semaphore, #tpu.memory_space<semaphore_mem>>)
    %dma_start3A_207 = arith.constant 2 : i32
    %dma_start3A_208 = arith.constant 128 : i32
    %dma_start3A_209 = arith.constant 0 : i32
    %dma_start3A_210 = tpu.memref_slice %arg10[%dma_start3A_208, %dma_start3A_209] : memref<256x128xf32, #tpu.memory_space<vmem>> -> memref<64x128xf32, #tpu.memory_space<vmem>>
    %dma_start3A_211 = arith.constant 0 : i32
    %dma_start3A_212 = tpu.memref_slice %arg8[%dma_start3A_207, %dma_start3A_211] : memref<4x64xi32, #tpu.memory_space<vmem>> -> memref<1x64xi32, #tpu.memory_space<vmem>>
    %dma_start3A_213 = tpu.memref_squeeze %dma_start3A_212 : memref<1x64xi32, #tpu.memory_space<vmem>> -> memref<64xi32, #tpu.memory_space<vmem>>
    %dma_start3A_214 = arith.constant 0 : i32
    %dma_start3A_215 = arith.constant 0 : i32
    %dma_start3A_216 = tpu.memref_slice %arg4[%dma_start3A_214, %dma_start3A_215] : memref<100000x128xf32, #tpu.memory_space<hbm>> -> memref<100000x128xf32, #tpu.memory_space<hbm>>
    tpu.enqueue_indirect_dma source(%dma_start3A_216 : memref<100000x128xf32, #tpu.memory_space<hbm>>) target(%dma_start3A_210 : memref<64x128xf32, #tpu.memory_space<vmem>>) offsets(%dma_start3A_213 : memref<64xi32, #tpu.memory_space<vmem>>) semaphore(%arg15 : memref<!tpu.dma_semaphore, #tpu.memory_space<semaphore_mem>>)
    %dma_start3A_217 = arith.constant 3 : i32
    %dma_start3A_218 = arith.constant 192 : i32
    %dma_start3A_219 = arith.constant 0 : i32
    %dma_start3A_220 = tpu.memref_slice %arg10[%dma_start3A_218, %dma_start3A_219] : memref<256x128xf32, #tpu.memory_space<vmem>> -> memref<64x128xf32, #tpu.memory_space<vmem>>
    %dma_start3A_221 = arith.constant 0 : i32
    %dma_start3A_222 = tpu.memref_slice %arg8[%dma_start3A_217, %dma_start3A_221] : memref<4x64xi32, #tpu.memory_space<vmem>> -> memref<1x64xi32, #tpu.memory_space<vmem>>
    %dma_start3A_223 = tpu.memref_squeeze %dma_start3A_222 : memref<1x64xi32, #tpu.memory_space<vmem>> -> memref<64xi32, #tpu.memory_space<vmem>>
    %dma_start3A_224 = arith.constant 0 : i32
    %dma_start3A_225 = arith.constant 0 : i32
    %dma_start3A_226 = tpu.memref_slice %arg4[%dma_start3A_224, %dma_start3A_225] : memref<100000x128xf32, #tpu.memory_space<hbm>> -> memref<100000x128xf32, #tpu.memory_space<hbm>>
    tpu.enqueue_indirect_dma source(%dma_start3A_226 : memref<100000x128xf32, #tpu.memory_space<hbm>>) target(%dma_start3A_220 : memref<64x128xf32, #tpu.memory_space<vmem>>) offsets(%dma_start3A_223 : memref<64xi32, #tpu.memory_space<vmem>>) semaphore(%arg16 : memref<!tpu.dma_semaphore, #tpu.memory_space<semaphore_mem>>)
    %dma_wait3A_227 = arith.constant 0 : i32
    %dma_wait3A_228 = arith.constant 0 : i32
    %dma_wait3A_229 = arith.constant 0 : i32
    %dma_wait3A_230 = tpu.memref_slice %arg9[%dma_wait3A_228, %dma_wait3A_229] : memref<4x64xi32, #tpu.memory_space<vmem>> -> memref<1x64xi32, #tpu.memory_space<vmem>>
    %dma_wait3A_231 = tpu.memref_squeeze %dma_wait3A_230 : memref<1x64xi32, #tpu.memory_space<vmem>> -> memref<64xi32, #tpu.memory_space<vmem>>
    %dma_wait3A_232 = tpu.memref_slice %arg3[%dma_wait3A_227, %mul3A_2] : memref<4x2048xi32, #tpu.memory_space<hbm>> -> memref<1x64xi32, #tpu.memory_space<hbm>>
    %dma_wait3A_233 = tpu.memref_squeeze %dma_wait3A_232 : memref<1x64xi32, #tpu.memory_space<hbm>> -> memref<64xi32, #tpu.memory_space<hbm>>
    %dma_wait3A_234 = arith.constant 0 : i32
    %dma_wait3A_235 = tpu.memref_slice %arg9[%dma_wait3A_228, %dma_wait3A_234] : memref<4x64xi32, #tpu.memory_space<vmem>> -> memref<1x64xi32, #tpu.memory_space<vmem>>
    %dma_wait3A_236 = tpu.memref_squeeze %dma_wait3A_235 : memref<1x64xi32, #tpu.memory_space<vmem>> -> memref<64xi32, #tpu.memory_space<vmem>>
    %dma_wait3A_237 = tpu.memref_slice %arg3[%dma_wait3A_227, %mul3A_2] : memref<4x2048xi32, #tpu.memory_space<hbm>> -> memref<1x64xi32, #tpu.memory_space<hbm>>
    %dma_wait3A_238 = tpu.memref_squeeze %dma_wait3A_237 : memref<1x64xi32, #tpu.memory_space<hbm>> -> memref<64xi32, #tpu.memory_space<hbm>>
    tpu.wait_dma2 semaphore(%arg22 : memref<!tpu.dma_semaphore, #tpu.memory_space<semaphore_mem>>) src(%dma_wait3A_238 : memref<64xi32, #tpu.memory_space<hbm>>) dst(%dma_wait3A_236 : memref<64xi32, #tpu.memory_space<vmem>>)
    %dma_wait3A_239 = arith.constant 1 : i32
    %dma_wait3A_240 = arith.constant 1 : i32
    %dma_wait3A_241 = arith.constant 0 : i32
    %dma_wait3A_242 = tpu.memref_slice %arg9[%dma_wait3A_240, %dma_wait3A_241] : memref<4x64xi32, #tpu.memory_space<vmem>> -> memref<1x64xi32, #tpu.memory_space<vmem>>
    %dma_wait3A_243 = tpu.memref_squeeze %dma_wait3A_242 : memref<1x64xi32, #tpu.memory_space<vmem>> -> memref<64xi32, #tpu.memory_space<vmem>>
    %dma_wait3A_244 = tpu.memref_slice %arg3[%dma_wait3A_239, %mul3A_2] : memref<4x2048xi32, #tpu.memory_space<hbm>> -> memref<1x64xi32, #tpu.memory_space<hbm>>
    %dma_wait3A_245 = tpu.memref_squeeze %dma_wait3A_244 : memref<1x64xi32, #tpu.memory_space<hbm>> -> memref<64xi32, #tpu.memory_space<hbm>>
    %dma_wait3A_246 = arith.constant 0 : i32
    %dma_wait3A_247 = tpu.memref_slice %arg9[%dma_wait3A_240, %dma_wait3A_246] : memref<4x64xi32, #tpu.memory_space<vmem>> -> memref<1x64xi32, #tpu.memory_space<vmem>>
    %dma_wait3A_248 = tpu.memref_squeeze %dma_wait3A_247 : memref<1x64xi32, #tpu.memory_space<vmem>> -> memref<64xi32, #tpu.memory_space<vmem>>
    %dma_wait3A_249 = tpu.memref_slice %arg3[%dma_wait3A_239, %mul3A_2] : memref<4x2048xi32, #tpu.memory_space<hbm>> -> memref<1x64xi32, #tpu.memory_space<hbm>>
    %dma_wait3A_250 = tpu.memref_squeeze %dma_wait3A_249 : memref<1x64xi32, #tpu.memory_space<hbm>> -> memref<64xi32, #tpu.memory_space<hbm>>
    tpu.wait_dma2 semaphore(%arg22 : memref<!tpu.dma_semaphore, #tpu.memory_space<semaphore_mem>>) src(%dma_wait3A_250 : memref<64xi32, #tpu.memory_space<hbm>>) dst(%dma_wait3A_248 : memref<64xi32, #tpu.memory_space<vmem>>)
    %dma_wait3A_251 = arith.constant 2 : i32
    %dma_wait3A_252 = arith.constant 2 : i32
    %dma_wait3A_253 = arith.constant 0 : i32
    %dma_wait3A_254 = tpu.memref_slice %arg9[%dma_wait3A_252, %dma_wait3A_253] : memref<4x64xi32, #tpu.memory_space<vmem>> -> memref<1x64xi32, #tpu.memory_space<vmem>>
    %dma_wait3A_255 = tpu.memref_squeeze %dma_wait3A_254 : memref<1x64xi32, #tpu.memory_space<vmem>> -> memref<64xi32, #tpu.memory_space<vmem>>
    %dma_wait3A_256 = tpu.memref_slice %arg3[%dma_wait3A_251, %mul3A_2] : memref<4x2048xi32, #tpu.memory_space<hbm>> -> memref<1x64xi32, #tpu.memory_space<hbm>>
    %dma_wait3A_257 = tpu.memref_squeeze %dma_wait3A_256 : memref<1x64xi32, #tpu.memory_space<hbm>> -> memref<64xi32, #tpu.memory_space<hbm>>
    %dma_wait3A_258 = arith.constant 0 : i32
    %dma_wait3A_259 = tpu.memref_slice %arg9[%dma_wait3A_252, %dma_wait3A_258] : memref<4x64xi32, #tpu.memory_space<vmem>> -> memref<1x64xi32, #tpu.memory_space<vmem>>
    %dma_wait3A_260 = tpu.memref_squeeze %dma_wait3A_259 : memref<1x64xi32, #tpu.memory_space<vmem>> -> memref<64xi32, #tpu.memory_space<vmem>>
    %dma_wait3A_261 = tpu.memref_slice %arg3[%dma_wait3A_251, %mul3A_2] : memref<4x2048xi32, #tpu.memory_space<hbm>> -> memref<1x64xi32, #tpu.memory_space<hbm>>
    %dma_wait3A_262 = tpu.memref_squeeze %dma_wait3A_261 : memref<1x64xi32, #tpu.memory_space<hbm>> -> memref<64xi32, #tpu.memory_space<hbm>>
    tpu.wait_dma2 semaphore(%arg22 : memref<!tpu.dma_semaphore, #tpu.memory_space<semaphore_mem>>) src(%dma_wait3A_262 : memref<64xi32, #tpu.memory_space<hbm>>) dst(%dma_wait3A_260 : memref<64xi32, #tpu.memory_space<vmem>>)
    %dma_wait3A_263 = arith.constant 3 : i32
    %dma_wait3A_264 = arith.constant 3 : i32
    %dma_wait3A_265 = arith.constant 0 : i32
    %dma_wait3A_266 = tpu.memref_slice %arg9[%dma_wait3A_264, %dma_wait3A_265] : memref<4x64xi32, #tpu.memory_space<vmem>> -> memref<1x64xi32, #tpu.memory_space<vmem>>
    %dma_wait3A_267 = tpu.memref_squeeze %dma_wait3A_266 : memref<1x64xi32, #tpu.memory_space<vmem>> -> memref<64xi32, #tpu.memory_space<vmem>>
    %dma_wait3A_268 = tpu.memref_slice %arg3[%dma_wait3A_263, %mul3A_2] : memref<4x2048xi32, #tpu.memory_space<hbm>> -> memref<1x64xi32, #tpu.memory_space<hbm>>
    %dma_wait3A_269 = tpu.memref_squeeze %dma_wait3A_268 : memref<1x64xi32, #tpu.memory_space<hbm>> -> memref<64xi32, #tpu.memory_space<hbm>>
    %dma_wait3A_270 = arith.constant 0 : i32
    %dma_wait3A_271 = tpu.memref_slice %arg9[%dma_wait3A_264, %dma_wait3A_270] : memref<4x64xi32, #tpu.memory_space<vmem>> -> memref<1x64xi32, #tpu.memory_space<vmem>>
    %dma_wait3A_272 = tpu.memref_squeeze %dma_wait3A_271 : memref<1x64xi32, #tpu.memory_space<vmem>> -> memref<64xi32, #tpu.memory_space<vmem>>
    %dma_wait3A_273 = tpu.memref_slice %arg3[%dma_wait3A_263, %mul3A_2] : memref<4x2048xi32, #tpu.memory_space<hbm>> -> memref<1x64xi32, #tpu.memory_space<hbm>>
    %dma_wait3A_274 = tpu.memref_squeeze %dma_wait3A_273 : memref<1x64xi32, #tpu.memory_space<hbm>> -> memref<64xi32, #tpu.memory_space<hbm>>
    tpu.wait_dma2 semaphore(%arg22 : memref<!tpu.dma_semaphore, #tpu.memory_space<semaphore_mem>>) src(%dma_wait3A_274 : memref<64xi32, #tpu.memory_space<hbm>>) dst(%dma_wait3A_272 : memref<64xi32, #tpu.memory_space<vmem>>)
    tpu.wait_dma2 semaphore(%arg23 : memref<!tpu.dma_semaphore, #tpu.memory_space<semaphore_mem>>) src(%arg6 : memref<2x128xf32, #tpu.memory_space<hbm>>) dst(%arg12 : memref<2x128xf32, #tpu.memory_space<vmem>>)
    %get3A = arith.constant 0 : i32
    %get3A_275 = arith.index_cast %get3A : i32 to index
    %get3A_276 = arith.constant 0 : index
    %get3A_277 = tpu.vector_load %arg12[%get3A_275, %get3A_276] {strides = array<i32>} : memref<2x128xf32, #tpu.memory_space<vmem>>, vector<1x16xf32>,
    %get3A_278 = vector.shape_cast %get3A_277 : vector<1x16xf32> to vector<16xf32>
    %get3A_279 = arith.constant 0 : i32
    %get3A_280 = arith.index_cast %get3A_279 : i32 to index
    %get3A_281 = arith.constant 16 : index
    %get3A_282 = tpu.vector_load %arg12[%get3A_280, %get3A_281] {strides = array<i32>} : memref<2x128xf32, #tpu.memory_space<vmem>>, vector<1x16xf32>,
    %get3A_283 = vector.shape_cast %get3A_282 : vector<1x16xf32> to vector<16xf32>
    %get3A_284 = arith.constant 0 : i32
    %get3A_285 = arith.index_cast %get3A_284 : i32 to index
    %get3A_286 = arith.constant 32 : index
    %get3A_287 = tpu.vector_load %arg12[%get3A_285, %get3A_286] {strides = array<i32>} : memref<2x128xf32, #tpu.memory_space<vmem>>, vector<1x16xf32>,
    %get3A_288 = vector.shape_cast %get3A_287 : vector<1x16xf32> to vector<16xf32>
    %get3A_289 = arith.constant 0 : i32
    %get3A_290 = arith.index_cast %get3A_289 : i32 to index
    %get3A_291 = arith.constant 48 : index
    %get3A_292 = tpu.vector_load %arg12[%get3A_290, %get3A_291] {strides = array<i32>} : memref<2x128xf32, #tpu.memory_space<vmem>>, vector<1x16xf32>,
    %get3A_293 = vector.shape_cast %get3A_292 : vector<1x16xf32> to vector<16xf32>
    %get3A_294 = arith.constant 0 : i32
    %get3A_295 = arith.index_cast %get3A_294 : i32 to index
    %get3A_296 = arith.constant 64 : index
    %get3A_297 = tpu.vector_load %arg12[%get3A_295, %get3A_296] {strides = array<i32>} : memref<2x128xf32, #tpu.memory_space<vmem>>, vector<1x16xf32>,
    %get3A_298 = vector.shape_cast %get3A_297 : vector<1x16xf32> to vector<16xf32>
    %get3A_299 = arith.constant 0 : i32
    %get3A_300 = arith.index_cast %get3A_299 : i32 to index
    %get3A_301 = arith.constant 80 : index
    %get3A_302 = tpu.vector_load %arg12[%get3A_300, %get3A_301] {strides = array<i32>} : memref<2x128xf32, #tpu.memory_space<vmem>>, vector<1x16xf32>,
    %get3A_303 = vector.shape_cast %get3A_302 : vector<1x16xf32> to vector<16xf32>
    %get3A_304 = arith.constant 0 : i32
    %get3A_305 = arith.index_cast %get3A_304 : i32 to index
    %get3A_306 = arith.constant 96 : index
    %get3A_307 = tpu.vector_load %arg12[%get3A_305, %get3A_306] {strides = array<i32>} : memref<2x128xf32, #tpu.memory_space<vmem>>, vector<1x16xf32>,
    %get3A_308 = vector.shape_cast %get3A_307 : vector<1x16xf32> to vector<16xf32>
    %get3A_309 = arith.constant 0 : i32
    %get3A_310 = arith.index_cast %get3A_309 : i32 to index
    %get3A_311 = arith.constant 112 : index
    %get3A_312 = tpu.vector_load %arg12[%get3A_310, %get3A_311] {strides = array<i32>} : memref<2x128xf32, #tpu.memory_space<vmem>>, vector<1x16xf32>,
    %get3A_313 = vector.shape_cast %get3A_312 : vector<1x16xf32> to vector<16xf32>
    %get3A_314 = arith.constant 1 : i32
    %get3A_315 = arith.index_cast %get3A_314 : i32 to index
    %get3A_316 = arith.constant 0 : index
    %get3A_317 = tpu.vector_load %arg12[%get3A_315, %get3A_316] {strides = array<i32>} : memref<2x128xf32, #tpu.memory_space<vmem>>, vector<1x16xf32>,
    %get3A_318 = vector.shape_cast %get3A_317 : vector<1x16xf32> to vector<16xf32>
    %sub3A = arith.subf %get3A_318, %get3A_278 : vector<16xf32>
    %get3A_319 = arith.constant 1 : i32
    %get3A_320 = arith.index_cast %get3A_319 : i32 to index
    %get3A_321 = arith.constant 16 : index
    %get3A_322 = tpu.vector_load %arg12[%get3A_320, %get3A_321] {strides = array<i32>} : memref<2x128xf32, #tpu.memory_space<vmem>>, vector<1x16xf32>,
    %get3A_323 = vector.shape_cast %get3A_322 : vector<1x16xf32> to vector<16xf32>
    %sub3A_324 = arith.subf %get3A_323, %get3A_283 : vector<16xf32>
    %get3A_325 = arith.constant 1 : i32
    %get3A_326 = arith.index_cast %get3A_325 : i32 to index
    %get3A_327 = arith.constant 32 : index
    %get3A_328 = tpu.vector_load %arg12[%get3A_326, %get3A_327] {strides = array<i32>} : memref<2x128xf32, #tpu.memory_space<vmem>>, vector<1x16xf32>,
    %get3A_329 = vector.shape_cast %get3A_328 : vector<1x16xf32> to vector<16xf32>
    %sub3A_330 = arith.subf %get3A_329, %get3A_288 : vector<16xf32>
    %get3A_331 = arith.constant 1 : i32
    %get3A_332 = arith.index_cast %get3A_331 : i32 to index
    %get3A_333 = arith.constant 48 : index
    %get3A_334 = tpu.vector_load %arg12[%get3A_332, %get3A_333] {strides = array<i32>} : memref<2x128xf32, #tpu.memory_space<vmem>>, vector<1x16xf32>,
    %get3A_335 = vector.shape_cast %get3A_334 : vector<1x16xf32> to vector<16xf32>
    %sub3A_336 = arith.subf %get3A_335, %get3A_293 : vector<16xf32>
    %get3A_337 = arith.constant 1 : i32
    %get3A_338 = arith.index_cast %get3A_337 : i32 to index
    %get3A_339 = arith.constant 64 : index
    %get3A_340 = tpu.vector_load %arg12[%get3A_338, %get3A_339] {strides = array<i32>} : memref<2x128xf32, #tpu.memory_space<vmem>>, vector<1x16xf32>,
    %get3A_341 = vector.shape_cast %get3A_340 : vector<1x16xf32> to vector<16xf32>
    %sub3A_342 = arith.subf %get3A_341, %get3A_298 : vector<16xf32>
    %get3A_343 = arith.constant 1 : i32
    %get3A_344 = arith.index_cast %get3A_343 : i32 to index
    %get3A_345 = arith.constant 80 : index
    %get3A_346 = tpu.vector_load %arg12[%get3A_344, %get3A_345] {strides = array<i32>} : memref<2x128xf32, #tpu.memory_space<vmem>>, vector<1x16xf32>,
    %get3A_347 = vector.shape_cast %get3A_346 : vector<1x16xf32> to vector<16xf32>
    %sub3A_348 = arith.subf %get3A_347, %get3A_303 : vector<16xf32>
    %get3A_349 = arith.constant 1 : i32
    %get3A_350 = arith.index_cast %get3A_349 : i32 to index
    %get3A_351 = arith.constant 96 : index
    %get3A_352 = tpu.vector_load %arg12[%get3A_350, %get3A_351] {strides = array<i32>} : memref<2x128xf32, #tpu.memory_space<vmem>>, vector<1x16xf32>,
    %get3A_353 = vector.shape_cast %get3A_352 : vector<1x16xf32> to vector<16xf32>
    %sub3A_354 = arith.subf %get3A_353, %get3A_308 : vector<16xf32>
    %get3A_355 = arith.constant 1 : i32
    %get3A_356 = arith.index_cast %get3A_355 : i32 to index
    %get3A_357 = arith.constant 112 : index
    %get3A_358 = tpu.vector_load %arg12[%get3A_356, %get3A_357] {strides = array<i32>} : memref<2x128xf32, #tpu.memory_space<vmem>>, vector<1x16xf32>,
    %get3A_359 = vector.shape_cast %get3A_358 : vector<1x16xf32> to vector<16xf32>
    %sub3A_360 = arith.subf %get3A_359, %get3A_313 : vector<16xf32>
    %dma_wait3A_361 = arith.constant 0 : i32
    %dma_wait3A_362 = tpu.memref_slice %arg5[%mul3A_2, %dma_wait3A_361] : memref<2048x128xf32, #tpu.memory_space<hbm>> -> memref<64x128xf32, #tpu.memory_space<hbm>>
    %dma_wait3A_363 = arith.constant 0 : i32
    %dma_wait3A_364 = tpu.memref_slice %arg5[%mul3A_2, %dma_wait3A_363] : memref<2048x128xf32, #tpu.memory_space<hbm>> -> memref<64x128xf32, #tpu.memory_space<hbm>>
    tpu.wait_dma2 semaphore(%arg24 : memref<!tpu.dma_semaphore, #tpu.memory_space<semaphore_mem>>) src(%dma_wait3A_364 : memref<64x128xf32, #tpu.memory_space<hbm>>) dst(%arg11 : memref<64x128xf32, #tpu.memory_space<vmem>>)
    %dma_wait3A_365 = arith.constant 0 : i32
    %dma_wait3A_366 = arith.constant 0 : i32
    %dma_wait3A_367 = arith.constant 0 : i32
    %dma_wait3A_368 = tpu.memref_slice %arg10[%dma_wait3A_366, %dma_wait3A_367] : memref<256x128xf32, #tpu.memory_space<vmem>> -> memref<16x128xf32, #tpu.memory_space<vmem>>
    %dma_wait3A_369 = arith.constant 0 : i32
    %dma_wait3A_370 = tpu.memref_slice %arg8[%dma_wait3A_365, %dma_wait3A_369] : memref<4x64xi32, #tpu.memory_space<vmem>> -> memref<1x64xi32, #tpu.memory_space<vmem>>
    %dma_wait3A_371 = tpu.memref_squeeze %dma_wait3A_370 : memref<1x64xi32, #tpu.memory_space<vmem>> -> memref<64xi32, #tpu.memory_space<vmem>>
    %dma_wait3A_372 = arith.constant 0 : i32
    %dma_wait3A_373 = tpu.memref_slice %dma_wait3A_371[%dma_wait3A_372] : memref<64xi32, #tpu.memory_space<vmem>> -> memref<16xi32, #tpu.memory_space<vmem>>
    %dma_wait3A_374 = arith.constant 0 : i32
    %dma_wait3A_375 = arith.constant 0 : i32
    %dma_wait3A_376 = tpu.memref_slice %arg4[%dma_wait3A_374, %dma_wait3A_375] : memref<100000x128xf32, #tpu.memory_space<hbm>> -> memref<100000x128xf32, #tpu.memory_space<hbm>>
    tpu.wait_indirect_dma semaphore(%arg17 : memref<!tpu.dma_semaphore, #tpu.memory_space<semaphore_mem>>) src(%dma_wait3A_376 : memref<100000x128xf32, #tpu.memory_space<hbm>>) dst(%dma_wait3A_368 : memref<16x128xf32, #tpu.memory_space<vmem>>)
    %get3A_377 = arith.constant 0 : i32
    %get3A_378 = arith.index_cast %get3A_377 : i32 to index
    %get3A_379 = arith.constant 0 : index
    %get3A_380 = tpu.vector_load %arg9[%get3A_378, %get3A_379] {strides = array<i32>} : memref<4x64xi32, #tpu.memory_space<vmem>>, vector<1x16xi32>,
    %get3A_381 = vector.shape_cast %get3A_380 : vector<1x16xi32> to vector<16xi32>
    %convert_element_type3A = arith.sitofp %get3A_381 : vector<16xi32> to vector<16xf32>
    %scan3A = arith.constant 0 : i32
    %scan3A_382 = arith.constant 0 : i32
    %scan3A_383 = arith.constant 16 : i32
    %scan3A_384 = arith.addi %scan3A_382, %scan3A_383 : i32
    %scan3A_385 = arith.constant 1 : i32
    scf.for %scan3A_611 = %scan3A_382 to %scan3A_384 step %scan3A_385  : i32 {
      %add3A_612 = arith.constant 0 : i32
      %add3A_613 = arith.addi %add3A_612, %scan3A_611 : i32
      %add3A_614 = arith.constant 0 : i32
      %add3A_615 = arith.addi %add3A_614, %scan3A_611 : i32
      %broadcast_in_dim3A = vector.broadcast %scan3A_611 : i32 to vector<16xi32>
      %lt3A = arith.constant 0 : i32
      %lt3A_616 = vector.broadcast %lt3A : i32 to vector<16xi32>
      %lt3A_617 = arith.cmpi slt, %broadcast_in_dim3A, %lt3A_616 : vector<16xi32>
      %add3A_618 = arith.constant 16 : i32
      %add3A_619 = vector.broadcast %add3A_618 : i32 to vector<16xi32>
      %add3A_620 = arith.addi %broadcast_in_dim3A, %add3A_619 : vector<16xi32>
      %select_n3A = arith.select %lt3A_617, %add3A_620, %broadcast_in_dim3A : vector<16xi1>, vector<16xi32>
      %broadcast_in_dim3A_621 = vector.shape_cast %select_n3A : vector<16xi32> to vector<16x1xi32>
      %gather3A = vector.shape_cast %broadcast_in_dim3A_621 : vector<16x1xi32> to vector<16xi32>
      %gather3A_622 = tpu.dynamic_gather %convert_element_type3A[%gather3A] in [0] : vector<16xf32>, vector<16xi32> -> vector<16xf32>
      %get3A_623 = arith.index_cast %add3A_613 : i32 to index
      %get3A_624 = arith.constant 0 : index
      %get3A_625 = tpu.vector_load %arg10[%get3A_623, %get3A_624] {strides = array<i32>} : memref<256x128xf32, #tpu.memory_space<vmem>>, vector<1x16xf32>,
      %get3A_626 = vector.shape_cast %get3A_625 : vector<1x16xf32> to vector<16xf32>
      %get3A_627 = arith.index_cast %add3A_613 : i32 to index
      %get3A_628 = arith.constant 16 : index
      %get3A_629 = tpu.vector_load %arg10[%get3A_627, %get3A_628] {strides = array<i32>} : memref<256x128xf32, #tpu.memory_space<vmem>>, vector<1x16xf32>,
      %get3A_630 = vector.shape_cast %get3A_629 : vector<1x16xf32> to vector<16xf32>
      %get3A_631 = arith.index_cast %add3A_613 : i32 to index
      %get3A_632 = arith.constant 32 : index
      %get3A_633 = tpu.vector_load %arg10[%get3A_631, %get3A_632] {strides = array<i32>} : memref<256x128xf32, #tpu.memory_space<vmem>>, vector<1x16xf32>,
      %get3A_634 = vector.shape_cast %get3A_633 : vector<1x16xf32> to vector<16xf32>
      %get3A_635 = arith.index_cast %add3A_613 : i32 to index
      %get3A_636 = arith.constant 48 : index
      %get3A_637 = tpu.vector_load %arg10[%get3A_635, %get3A_636] {strides = array<i32>} : memref<256x128xf32, #tpu.memory_space<vmem>>, vector<1x16xf32>,
      %get3A_638 = vector.shape_cast %get3A_637 : vector<1x16xf32> to vector<16xf32>
      %get3A_639 = arith.index_cast %add3A_613 : i32 to index
      %get3A_640 = arith.constant 64 : index
      %get3A_641 = tpu.vector_load %arg10[%get3A_639, %get3A_640] {strides = array<i32>} : memref<256x128xf32, #tpu.memory_space<vmem>>, vector<1x16xf32>,
      %get3A_642 = vector.shape_cast %get3A_641 : vector<1x16xf32> to vector<16xf32>
      %get3A_643 = arith.index_cast %add3A_613 : i32 to index
      %get3A_644 = arith.constant 80 : index
      %get3A_645 = tpu.vector_load %arg10[%get3A_643, %get3A_644] {strides = array<i32>} : memref<256x128xf32, #tpu.memory_space<vmem>>, vector<1x16xf32>,
      %get3A_646 = vector.shape_cast %get3A_645 : vector<1x16xf32> to vector<16xf32>
      %get3A_647 = arith.index_cast %add3A_613 : i32 to index
      %get3A_648 = arith.constant 96 : index
      %get3A_649 = tpu.vector_load %arg10[%get3A_647, %get3A_648] {strides = array<i32>} : memref<256x128xf32, #tpu.memory_space<vmem>>, vector<1x16xf32>,
      %get3A_650 = vector.shape_cast %get3A_649 : vector<1x16xf32> to vector<16xf32>
      %get3A_651 = arith.index_cast %add3A_613 : i32 to index
      %get3A_652 = arith.constant 112 : index
      %get3A_653 = tpu.vector_load %arg10[%get3A_651, %get3A_652] {strides = array<i32>} : memref<256x128xf32, #tpu.memory_space<vmem>>, vector<1x16xf32>,
      %get3A_654 = vector.shape_cast %get3A_653 : vector<1x16xf32> to vector<16xf32>
      %get3A_655 = arith.index_cast %add3A_615 : i32 to index
      %get3A_656 = arith.constant 0 : index
      %get3A_657 = tpu.vector_load %arg11[%get3A_655, %get3A_656] {strides = array<i32>} : memref<64x128xf32, #tpu.memory_space<vmem>>, vector<1x16xf32>,
      %get3A_658 = vector.shape_cast %get3A_657 : vector<1x16xf32> to vector<16xf32>
      %get3A_659 = arith.index_cast %add3A_615 : i32 to index
      %get3A_660 = arith.constant 16 : index
      %get3A_661 = tpu.vector_load %arg11[%get3A_659, %get3A_660] {strides = array<i32>} : memref<64x128xf32, #tpu.memory_space<vmem>>, vector<1x16xf32>,
      %get3A_662 = vector.shape_cast %get3A_661 : vector<1x16xf32> to vector<16xf32>
      %get3A_663 = arith.index_cast %add3A_615 : i32 to index
      %get3A_664 = arith.constant 32 : index
      %get3A_665 = tpu.vector_load %arg11[%get3A_663, %get3A_664] {strides = array<i32>} : memref<64x128xf32, #tpu.memory_space<vmem>>, vector<1x16xf32>,
      %get3A_666 = vector.shape_cast %get3A_665 : vector<1x16xf32> to vector<16xf32>
      %get3A_667 = arith.index_cast %add3A_615 : i32 to index
      %get3A_668 = arith.constant 48 : index
      %get3A_669 = tpu.vector_load %arg11[%get3A_667, %get3A_668] {strides = array<i32>} : memref<64x128xf32, #tpu.memory_space<vmem>>, vector<1x16xf32>,
      %get3A_670 = vector.shape_cast %get3A_669 : vector<1x16xf32> to vector<16xf32>
      %get3A_671 = arith.index_cast %add3A_615 : i32 to index
      %get3A_672 = arith.constant 64 : index
      %get3A_673 = tpu.vector_load %arg11[%get3A_671, %get3A_672] {strides = array<i32>} : memref<64x128xf32, #tpu.memory_space<vmem>>, vector<1x16xf32>,
      %get3A_674 = vector.shape_cast %get3A_673 : vector<1x16xf32> to vector<16xf32>
      %get3A_675 = arith.index_cast %add3A_615 : i32 to index
      %get3A_676 = arith.constant 80 : index
      %get3A_677 = tpu.vector_load %arg11[%get3A_675, %get3A_676] {strides = array<i32>} : memref<64x128xf32, #tpu.memory_space<vmem>>, vector<1x16xf32>,
      %get3A_678 = vector.shape_cast %get3A_677 : vector<1x16xf32> to vector<16xf32>
      %get3A_679 = arith.index_cast %add3A_615 : i32 to index
      %get3A_680 = arith.constant 96 : index
      %get3A_681 = tpu.vector_load %arg11[%get3A_679, %get3A_680] {strides = array<i32>} : memref<64x128xf32, #tpu.memory_space<vmem>>, vector<1x16xf32>,
      %get3A_682 = vector.shape_cast %get3A_681 : vector<1x16xf32> to vector<16xf32>
      %get3A_683 = arith.index_cast %add3A_615 : i32 to index
      %get3A_684 = arith.constant 112 : index
      %get3A_685 = tpu.vector_load %arg11[%get3A_683, %get3A_684] {strides = array<i32>} : memref<64x128xf32, #tpu.memory_space<vmem>>, vector<1x16xf32>,
      %get3A_686 = vector.shape_cast %get3A_685 : vector<1x16xf32> to vector<16xf32>
      %add3A_687 = arith.addf %get3A_626, %get3A_658 : vector<16xf32>
      %mul3A_688 = arith.mulf %gather3A_622, %sub3A : vector<16xf32>
      %add3A_689 = arith.addf %get3A_278, %mul3A_688 : vector<16xf32>
      %add3A_690 = arith.addf %add3A_687, %add3A_689 : vector<16xf32>
      %swap3A = arith.index_cast %add3A_613 : i32 to index
      %swap3A_691 = arith.constant 0 : index
      %swap3A_692 = tpu.vector_load %arg10[%swap3A, %swap3A_691] {strides = array<i32>} : memref<256x128xf32, #tpu.memory_space<vmem>>, vector<1x16xf32>,
      %swap3A_693 = vector.shape_cast %swap3A_692 : vector<1x16xf32> to vector<16xf32>
      %swap3A_694 = vector.shape_cast %add3A_690 : vector<16xf32> to vector<1x16xf32>
      tpu.vector_store %arg10[%swap3A, %swap3A_691], %swap3A_694 {strides = array<i32>} : memref<256x128xf32, #tpu.memory_space<vmem>>, vector<1x16xf32>,
      %add3A_695 = arith.addf %get3A_630, %get3A_662 : vector<16xf32>
      %mul3A_696 = arith.mulf %gather3A_622, %sub3A_324 : vector<16xf32>
      %add3A_697 = arith.addf %get3A_283, %mul3A_696 : vector<16xf32>
      %add3A_698 = arith.addf %add3A_695, %add3A_697 : vector<16xf32>
      %swap3A_699 = arith.index_cast %add3A_613 : i32 to index
      %swap3A_700 = arith.constant 16 : index
      %swap3A_701 = tpu.vector_load %arg10[%swap3A_699, %swap3A_700] {strides = array<i32>} : memref<256x128xf32, #tpu.memory_space<vmem>>, vector<1x16xf32>,
      %swap3A_702 = vector.shape_cast %swap3A_701 : vector<1x16xf32> to vector<16xf32>
      %swap3A_703 = vector.shape_cast %add3A_698 : vector<16xf32> to vector<1x16xf32>
      tpu.vector_store %arg10[%swap3A_699, %swap3A_700], %swap3A_703 {strides = array<i32>} : memref<256x128xf32, #tpu.memory_space<vmem>>, vector<1x16xf32>,
      %add3A_704 = arith.addf %get3A_634, %get3A_666 : vector<16xf32>
      %mul3A_705 = arith.mulf %gather3A_622, %sub3A_330 : vector<16xf32>
      %add3A_706 = arith.addf %get3A_288, %mul3A_705 : vector<16xf32>
      %add3A_707 = arith.addf %add3A_704, %add3A_706 : vector<16xf32>
      %swap3A_708 = arith.index_cast %add3A_613 : i32 to index
      %swap3A_709 = arith.constant 32 : index
      %swap3A_710 = tpu.vector_load %arg10[%swap3A_708, %swap3A_709] {strides = array<i32>} : memref<256x128xf32, #tpu.memory_space<vmem>>, vector<1x16xf32>,
      %swap3A_711 = vector.shape_cast %swap3A_710 : vector<1x16xf32> to vector<16xf32>
      %swap3A_712 = vector.shape_cast %add3A_707 : vector<16xf32> to vector<1x16xf32>
      tpu.vector_store %arg10[%swap3A_708, %swap3A_709], %swap3A_712 {strides = array<i32>} : memref<256x128xf32, #tpu.memory_space<vmem>>, vector<1x16xf32>,
      %add3A_713 = arith.addf %get3A_638, %get3A_670 : vector<16xf32>
      %mul3A_714 = arith.mulf %gather3A_622, %sub3A_336 : vector<16xf32>
      %add3A_715 = arith.addf %get3A_293, %mul3A_714 : vector<16xf32>
      %add3A_716 = arith.addf %add3A_713, %add3A_715 : vector<16xf32>
      %swap3A_717 = arith.index_cast %add3A_613 : i32 to index
      %swap3A_718 = arith.constant 48 : index
      %swap3A_719 = tpu.vector_load %arg10[%swap3A_717, %swap3A_718] {strides = array<i32>} : memref<256x128xf32, #tpu.memory_space<vmem>>, vector<1x16xf32>,
      %swap3A_720 = vector.shape_cast %swap3A_719 : vector<1x16xf32> to vector<16xf32>
      %swap3A_721 = vector.shape_cast %add3A_716 : vector<16xf32> to vector<1x16xf32>
      tpu.vector_store %arg10[%swap3A_717, %swap3A_718], %swap3A_721 {strides = array<i32>} : memref<256x128xf32, #tpu.memory_space<vmem>>, vector<1x16xf32>,
      %add3A_722 = arith.addf %get3A_642, %get3A_674 : vector<16xf32>
      %mul3A_723 = arith.mulf %gather3A_622, %sub3A_342 : vector<16xf32>
      %add3A_724 = arith.addf %get3A_298, %mul3A_723 : vector<16xf32>
      %add3A_725 = arith.addf %add3A_722, %add3A_724 : vector<16xf32>
      %swap3A_726 = arith.index_cast %add3A_613 : i32 to index
      %swap3A_727 = arith.constant 64 : index
      %swap3A_728 = tpu.vector_load %arg10[%swap3A_726, %swap3A_727] {strides = array<i32>} : memref<256x128xf32, #tpu.memory_space<vmem>>, vector<1x16xf32>,
      %swap3A_729 = vector.shape_cast %swap3A_728 : vector<1x16xf32> to vector<16xf32>
      %swap3A_730 = vector.shape_cast %add3A_725 : vector<16xf32> to vector<1x16xf32>
      tpu.vector_store %arg10[%swap3A_726, %swap3A_727], %swap3A_730 {strides = array<i32>} : memref<256x128xf32, #tpu.memory_space<vmem>>, vector<1x16xf32>,
      %add3A_731 = arith.addf %get3A_646, %get3A_678 : vector<16xf32>
      %mul3A_732 = arith.mulf %gather3A_622, %sub3A_348 : vector<16xf32>
      %add3A_733 = arith.addf %get3A_303, %mul3A_732 : vector<16xf32>
      %add3A_734 = arith.addf %add3A_731, %add3A_733 : vector<16xf32>
      %swap3A_735 = arith.index_cast %add3A_613 : i32 to index
      %swap3A_736 = arith.constant 80 : index
      %swap3A_737 = tpu.vector_load %arg10[%swap3A_735, %swap3A_736] {strides = array<i32>} : memref<256x128xf32, #tpu.memory_space<vmem>>, vector<1x16xf32>,
      %swap3A_738 = vector.shape_cast %swap3A_737 : vector<1x16xf32> to vector<16xf32>
      %swap3A_739 = vector.shape_cast %add3A_734 : vector<16xf32> to vector<1x16xf32>
      tpu.vector_store %arg10[%swap3A_735, %swap3A_736], %swap3A_739 {strides = array<i32>} : memref<256x128xf32, #tpu.memory_space<vmem>>, vector<1x16xf32>,
      %add3A_740 = arith.addf %get3A_650, %get3A_682 : vector<16xf32>
      %mul3A_741 = arith.mulf %gather3A_622, %sub3A_354 : vector<16xf32>
      %add3A_742 = arith.addf %get3A_308, %mul3A_741 : vector<16xf32>
      %add3A_743 = arith.addf %add3A_740, %add3A_742 : vector<16xf32>
      %swap3A_744 = arith.index_cast %add3A_613 : i32 to index
      %swap3A_745 = arith.constant 96 : index
      %swap3A_746 = tpu.vector_load %arg10[%swap3A_744, %swap3A_745] {strides = array<i32>} : memref<256x128xf32, #tpu.memory_space<vmem>>, vector<1x16xf32>,
      %swap3A_747 = vector.shape_cast %swap3A_746 : vector<1x16xf32> to vector<16xf32>
      %swap3A_748 = vector.shape_cast %add3A_743 : vector<16xf32> to vector<1x16xf32>
      tpu.vector_store %arg10[%swap3A_744, %swap3A_745], %swap3A_748 {strides = array<i32>} : memref<256x128xf32, #tpu.memory_space<vmem>>, vector<1x16xf32>,
      %add3A_749 = arith.addf %get3A_654, %get3A_686 : vector<16xf32>
      %mul3A_750 = arith.mulf %gather3A_622, %sub3A_360 : vector<16xf32>
      %add3A_751 = arith.addf %get3A_313, %mul3A_750 : vector<16xf32>
      %add3A_752 = arith.addf %add3A_749, %add3A_751 : vector<16xf32>
      %swap3A_753 = arith.index_cast %add3A_613 : i32 to index
      %swap3A_754 = arith.constant 112 : index
      %swap3A_755 = tpu.vector_load %arg10[%swap3A_753, %swap3A_754] {strides = array<i32>} : memref<256x128xf32, #tpu.memory_space<vmem>>, vector<1x16xf32>,
      %swap3A_756 = vector.shape_cast %swap3A_755 : vector<1x16xf32> to vector<16xf32>
      %swap3A_757 = vector.shape_cast %add3A_752 : vector<16xf32> to vector<1x16xf32>
      tpu.vector_store %arg10[%swap3A_753, %swap3A_754], %swap3A_757 {strides = array<i32>} : memref<256x128xf32, #tpu.memory_space<vmem>>, vector<1x16xf32>,
    }
    %scan3A_386 = arith.constant 16 : i32
    %dma_wait3A_387 = arith.constant 0 : i32
    %dma_wait3A_388 = arith.constant 16 : i32
    %dma_wait3A_389 = arith.constant 0 : i32
    %dma_wait3A_390 = tpu.memref_slice %arg10[%dma_wait3A_388, %dma_wait3A_389] : memref<256x128xf32, #tpu.memory_space<vmem>> -> memref<16x128xf32, #tpu.memory_space<vmem>>
    %dma_wait3A_391 = arith.constant 0 : i32
    %dma_wait3A_392 = tpu.memref_slice %arg8[%dma_wait3A_387, %dma_wait3A_391] : memref<4x64xi32, #tpu.memory_space<vmem>> -> memref<1x64xi32, #tpu.memory_space<vmem>>
    %dma_wait3A_393 = tpu.memref_squeeze %dma_wait3A_392 : memref<1x64xi32, #tpu.memory_space<vmem>> -> memref<64xi32, #tpu.memory_space<vmem>>
    %dma_wait3A_394 = arith.constant 16 : i32
    %dma_wait3A_395 = tpu.memref_slice %dma_wait3A_393[%dma_wait3A_394] : memref<64xi32, #tpu.memory_space<vmem>> -> memref<16xi32, #tpu.memory_space<vmem>>
    %dma_wait3A_396 = arith.constant 0 : i32
    %dma_wait3A_397 = arith.constant 0 : i32
    %dma_wait3A_398 = tpu.memref_slice %arg4[%dma_wait3A_396, %dma_wait3A_397] : memref<100000x128xf32, #tpu.memory_space<hbm>> -> memref<100000x128xf32, #tpu.memory_space<hbm>>
    tpu.wait_indirect_dma semaphore(%arg18 : memref<!tpu.dma_semaphore, #tpu.memory_space<semaphore_mem>>) src(%dma_wait3A_398 : memref<100000x128xf32, #tpu.memory_space<hbm>>) dst(%dma_wait3A_390 : memref<16x128xf32, #tpu.memory_space<vmem>>)
    %get3A_399 = arith.constant 0 : i32
    %get3A_400 = arith.index_cast %get3A_399 : i32 to index
    %get3A_401 = arith.constant 16 : index
    %get3A_402 = tpu.vector_load %arg9[%get3A_400, %get3A_401] {strides = array<i32>} : memref<4x64xi32, #tpu.memory_space<vmem>>, vector<1x16xi32>,
    %get3A_403 = vector.shape_cast %get3A_402 : vector<1x16xi32> to vector<16xi32>
    %convert_element_type3A_404 = arith.sitofp %get3A_403 : vector<16xi32> to vector<16xf32>
    %scan3A_405 = arith.constant 0 : i32
    %scan3A_406 = arith.constant 0 : i32
    %scan3A_407 = arith.constant 16 : i32
    %scan3A_408 = arith.addi %scan3A_406, %scan3A_407 : i32
    %scan3A_409 = arith.constant 1 : i32
    scf.for %scan3A_611 = %scan3A_406 to %scan3A_408 step %scan3A_409  : i32 {
      %add3A_612 = arith.constant 16 : i32
      %add3A_613 = arith.addi %add3A_612, %scan3A_611 : i32
      %add3A_614 = arith.constant 16 : i32
      %add3A_615 = arith.addi %add3A_614, %scan3A_611 : i32
      %broadcast_in_dim3A = vector.broadcast %scan3A_611 : i32 to vector<16xi32>
      %lt3A = arith.constant 0 : i32
      %lt3A_616 = vector.broadcast %lt3A : i32 to vector<16xi32>
      %lt3A_617 = arith.cmpi slt, %broadcast_in_dim3A, %lt3A_616 : vector<16xi32>
      %add3A_618 = arith.constant 16 : i32
      %add3A_619 = vector.broadcast %add3A_618 : i32 to vector<16xi32>
      %add3A_620 = arith.addi %broadcast_in_dim3A, %add3A_619 : vector<16xi32>
      %select_n3A = arith.select %lt3A_617, %add3A_620, %broadcast_in_dim3A : vector<16xi1>, vector<16xi32>
      %broadcast_in_dim3A_621 = vector.shape_cast %select_n3A : vector<16xi32> to vector<16x1xi32>
      %gather3A = vector.shape_cast %broadcast_in_dim3A_621 : vector<16x1xi32> to vector<16xi32>
      %gather3A_622 = tpu.dynamic_gather %convert_element_type3A_404[%gather3A] in [0] : vector<16xf32>, vector<16xi32> -> vector<16xf32>
      %get3A_623 = arith.index_cast %add3A_613 : i32 to index
      %get3A_624 = arith.constant 0 : index
      %get3A_625 = tpu.vector_load %arg10[%get3A_623, %get3A_624] {strides = array<i32>} : memref<256x128xf32, #tpu.memory_space<vmem>>, vector<1x16xf32>,
      %get3A_626 = vector.shape_cast %get3A_625 : vector<1x16xf32> to vector<16xf32>
      %get3A_627 = arith.index_cast %add3A_613 : i32 to index
      %get3A_628 = arith.constant 16 : index
      %get3A_629 = tpu.vector_load %arg10[%get3A_627, %get3A_628] {strides = array<i32>} : memref<256x128xf32, #tpu.memory_space<vmem>>, vector<1x16xf32>,
      %get3A_630 = vector.shape_cast %get3A_629 : vector<1x16xf32> to vector<16xf32>
      %get3A_631 = arith.index_cast %add3A_613 : i32 to index
      %get3A_632 = arith.constant 32 : index
      %get3A_633 = tpu.vector_load %arg10[%get3A_631, %get3A_632] {strides = array<i32>} : memref<256x128xf32, #tpu.memory_space<vmem>>, vector<1x16xf32>,
      %get3A_634 = vector.shape_cast %get3A_633 : vector<1x16xf32> to vector<16xf32>
      %get3A_635 = arith.index_cast %add3A_613 : i32 to index
      %get3A_636 = arith.constant 48 : index
      %get3A_637 = tpu.vector_load %arg10[%get3A_635, %get3A_636] {strides = array<i32>} : memref<256x128xf32, #tpu.memory_space<vmem>>, vector<1x16xf32>,
      %get3A_638 = vector.shape_cast %get3A_637 : vector<1x16xf32> to vector<16xf32>
      %get3A_639 = arith.index_cast %add3A_613 : i32 to index
      %get3A_640 = arith.constant 64 : index
      %get3A_641 = tpu.vector_load %arg10[%get3A_639, %get3A_640] {strides = array<i32>} : memref<256x128xf32, #tpu.memory_space<vmem>>, vector<1x16xf32>,
      %get3A_642 = vector.shape_cast %get3A_641 : vector<1x16xf32> to vector<16xf32>
      %get3A_643 = arith.index_cast %add3A_613 : i32 to index
      %get3A_644 = arith.constant 80 : index
      %get3A_645 = tpu.vector_load %arg10[%get3A_643, %get3A_644] {strides = array<i32>} : memref<256x128xf32, #tpu.memory_space<vmem>>, vector<1x16xf32>,
      %get3A_646 = vector.shape_cast %get3A_645 : vector<1x16xf32> to vector<16xf32>
      %get3A_647 = arith.index_cast %add3A_613 : i32 to index
      %get3A_648 = arith.constant 96 : index
      %get3A_649 = tpu.vector_load %arg10[%get3A_647, %get3A_648] {strides = array<i32>} : memref<256x128xf32, #tpu.memory_space<vmem>>, vector<1x16xf32>,
      %get3A_650 = vector.shape_cast %get3A_649 : vector<1x16xf32> to vector<16xf32>
      %get3A_651 = arith.index_cast %add3A_613 : i32 to index
      %get3A_652 = arith.constant 112 : index
      %get3A_653 = tpu.vector_load %arg10[%get3A_651, %get3A_652] {strides = array<i32>} : memref<256x128xf32, #tpu.memory_space<vmem>>, vector<1x16xf32>,
      %get3A_654 = vector.shape_cast %get3A_653 : vector<1x16xf32> to vector<16xf32>
      %get3A_655 = arith.index_cast %add3A_615 : i32 to index
      %get3A_656 = arith.constant 0 : index
      %get3A_657 = tpu.vector_load %arg11[%get3A_655, %get3A_656] {strides = array<i32>} : memref<64x128xf32, #tpu.memory_space<vmem>>, vector<1x16xf32>,
      %get3A_658 = vector.shape_cast %get3A_657 : vector<1x16xf32> to vector<16xf32>
      %get3A_659 = arith.index_cast %add3A_615 : i32 to index
      %get3A_660 = arith.constant 16 : index
      %get3A_661 = tpu.vector_load %arg11[%get3A_659, %get3A_660] {strides = array<i32>} : memref<64x128xf32, #tpu.memory_space<vmem>>, vector<1x16xf32>,
      %get3A_662 = vector.shape_cast %get3A_661 : vector<1x16xf32> to vector<16xf32>
      %get3A_663 = arith.index_cast %add3A_615 : i32 to index
      %get3A_664 = arith.constant 32 : index
      %get3A_665 = tpu.vector_load %arg11[%get3A_663, %get3A_664] {strides = array<i32>} : memref<64x128xf32, #tpu.memory_space<vmem>>, vector<1x16xf32>,
      %get3A_666 = vector.shape_cast %get3A_665 : vector<1x16xf32> to vector<16xf32>
      %get3A_667 = arith.index_cast %add3A_615 : i32 to index
      %get3A_668 = arith.constant 48 : index
      %get3A_669 = tpu.vector_load %arg11[%get3A_667, %get3A_668] {strides = array<i32>} : memref<64x128xf32, #tpu.memory_space<vmem>>, vector<1x16xf32>,
      %get3A_670 = vector.shape_cast %get3A_669 : vector<1x16xf32> to vector<16xf32>
      %get3A_671 = arith.index_cast %add3A_615 : i32 to index
      %get3A_672 = arith.constant 64 : index
      %get3A_673 = tpu.vector_load %arg11[%get3A_671, %get3A_672] {strides = array<i32>} : memref<64x128xf32, #tpu.memory_space<vmem>>, vector<1x16xf32>,
      %get3A_674 = vector.shape_cast %get3A_673 : vector<1x16xf32> to vector<16xf32>
      %get3A_675 = arith.index_cast %add3A_615 : i32 to index
      %get3A_676 = arith.constant 80 : index
      %get3A_677 = tpu.vector_load %arg11[%get3A_675, %get3A_676] {strides = array<i32>} : memref<64x128xf32, #tpu.memory_space<vmem>>, vector<1x16xf32>,
      %get3A_678 = vector.shape_cast %get3A_677 : vector<1x16xf32> to vector<16xf32>
      %get3A_679 = arith.index_cast %add3A_615 : i32 to index
      %get3A_680 = arith.constant 96 : index
      %get3A_681 = tpu.vector_load %arg11[%get3A_679, %get3A_680] {strides = array<i32>} : memref<64x128xf32, #tpu.memory_space<vmem>>, vector<1x16xf32>,
      %get3A_682 = vector.shape_cast %get3A_681 : vector<1x16xf32> to vector<16xf32>
      %get3A_683 = arith.index_cast %add3A_615 : i32 to index
      %get3A_684 = arith.constant 112 : index
      %get3A_685 = tpu.vector_load %arg11[%get3A_683, %get3A_684] {strides = array<i32>} : memref<64x128xf32, #tpu.memory_space<vmem>>, vector<1x16xf32>,
      %get3A_686 = vector.shape_cast %get3A_685 : vector<1x16xf32> to vector<16xf32>
      %add3A_687 = arith.addf %get3A_626, %get3A_658 : vector<16xf32>
      %mul3A_688 = arith.mulf %gather3A_622, %sub3A : vector<16xf32>
      %add3A_689 = arith.addf %get3A_278, %mul3A_688 : vector<16xf32>
      %add3A_690 = arith.addf %add3A_687, %add3A_689 : vector<16xf32>
      %swap3A = arith.index_cast %add3A_613 : i32 to index
      %swap3A_691 = arith.constant 0 : index
      %swap3A_692 = tpu.vector_load %arg10[%swap3A, %swap3A_691] {strides = array<i32>} : memref<256x128xf32, #tpu.memory_space<vmem>>, vector<1x16xf32>,
      %swap3A_693 = vector.shape_cast %swap3A_692 : vector<1x16xf32> to vector<16xf32>
      %swap3A_694 = vector.shape_cast %add3A_690 : vector<16xf32> to vector<1x16xf32>
      tpu.vector_store %arg10[%swap3A, %swap3A_691], %swap3A_694 {strides = array<i32>} : memref<256x128xf32, #tpu.memory_space<vmem>>, vector<1x16xf32>,
      %add3A_695 = arith.addf %get3A_630, %get3A_662 : vector<16xf32>
      %mul3A_696 = arith.mulf %gather3A_622, %sub3A_324 : vector<16xf32>
      %add3A_697 = arith.addf %get3A_283, %mul3A_696 : vector<16xf32>
      %add3A_698 = arith.addf %add3A_695, %add3A_697 : vector<16xf32>
      %swap3A_699 = arith.index_cast %add3A_613 : i32 to index
      %swap3A_700 = arith.constant 16 : index
      %swap3A_701 = tpu.vector_load %arg10[%swap3A_699, %swap3A_700] {strides = array<i32>} : memref<256x128xf32, #tpu.memory_space<vmem>>, vector<1x16xf32>,
      %swap3A_702 = vector.shape_cast %swap3A_701 : vector<1x16xf32> to vector<16xf32>
      %swap3A_703 = vector.shape_cast %add3A_698 : vector<16xf32> to vector<1x16xf32>
      tpu.vector_store %arg10[%swap3A_699, %swap3A_700], %swap3A_703 {strides = array<i32>} : memref<256x128xf32, #tpu.memory_space<vmem>>, vector<1x16xf32>,
      %add3A_704 = arith.addf %get3A_634, %get3A_666 : vector<16xf32>
      %mul3A_705 = arith.mulf %gather3A_622, %sub3A_330 : vector<16xf32>
      %add3A_706 = arith.addf %get3A_288, %mul3A_705 : vector<16xf32>
      %add3A_707 = arith.addf %add3A_704, %add3A_706 : vector<16xf32>
      %swap3A_708 = arith.index_cast %add3A_613 : i32 to index
      %swap3A_709 = arith.constant 32 : index
      %swap3A_710 = tpu.vector_load %arg10[%swap3A_708, %swap3A_709] {strides = array<i32>} : memref<256x128xf32, #tpu.memory_space<vmem>>, vector<1x16xf32>,
      %swap3A_711 = vector.shape_cast %swap3A_710 : vector<1x16xf32> to vector<16xf32>
      %swap3A_712 = vector.shape_cast %add3A_707 : vector<16xf32> to vector<1x16xf32>
      tpu.vector_store %arg10[%swap3A_708, %swap3A_709], %swap3A_712 {strides = array<i32>} : memref<256x128xf32, #tpu.memory_space<vmem>>, vector<1x16xf32>,
      %add3A_713 = arith.addf %get3A_638, %get3A_670 : vector<16xf32>
      %mul3A_714 = arith.mulf %gather3A_622, %sub3A_336 : vector<16xf32>
      %add3A_715 = arith.addf %get3A_293, %mul3A_714 : vector<16xf32>
      %add3A_716 = arith.addf %add3A_713, %add3A_715 : vector<16xf32>
      %swap3A_717 = arith.index_cast %add3A_613 : i32 to index
      %swap3A_718 = arith.constant 48 : index
      %swap3A_719 = tpu.vector_load %arg10[%swap3A_717, %swap3A_718] {strides = array<i32>} : memref<256x128xf32, #tpu.memory_space<vmem>>, vector<1x16xf32>,
      %swap3A_720 = vector.shape_cast %swap3A_719 : vector<1x16xf32> to vector<16xf32>
      %swap3A_721 = vector.shape_cast %add3A_716 : vector<16xf32> to vector<1x16xf32>
      tpu.vector_store %arg10[%swap3A_717, %swap3A_718], %swap3A_721 {strides = array<i32>} : memref<256x128xf32, #tpu.memory_space<vmem>>, vector<1x16xf32>,
      %add3A_722 = arith.addf %get3A_642, %get3A_674 : vector<16xf32>
      %mul3A_723 = arith.mulf %gather3A_622, %sub3A_342 : vector<16xf32>
      %add3A_724 = arith.addf %get3A_298, %mul3A_723 : vector<16xf32>
      %add3A_725 = arith.addf %add3A_722, %add3A_724 : vector<16xf32>
      %swap3A_726 = arith.index_cast %add3A_613 : i32 to index
      %swap3A_727 = arith.constant 64 : index
      %swap3A_728 = tpu.vector_load %arg10[%swap3A_726, %swap3A_727] {strides = array<i32>} : memref<256x128xf32, #tpu.memory_space<vmem>>, vector<1x16xf32>,
      %swap3A_729 = vector.shape_cast %swap3A_728 : vector<1x16xf32> to vector<16xf32>
      %swap3A_730 = vector.shape_cast %add3A_725 : vector<16xf32> to vector<1x16xf32>
      tpu.vector_store %arg10[%swap3A_726, %swap3A_727], %swap3A_730 {strides = array<i32>} : memref<256x128xf32, #tpu.memory_space<vmem>>, vector<1x16xf32>,
      %add3A_731 = arith.addf %get3A_646, %get3A_678 : vector<16xf32>
      %mul3A_732 = arith.mulf %gather3A_622, %sub3A_348 : vector<16xf32>
      %add3A_733 = arith.addf %get3A_303, %mul3A_732 : vector<16xf32>
      %add3A_734 = arith.addf %add3A_731, %add3A_733 : vector<16xf32>
      %swap3A_735 = arith.index_cast %add3A_613 : i32 to index
      %swap3A_736 = arith.constant 80 : index
      %swap3A_737 = tpu.vector_load %arg10[%swap3A_735, %swap3A_736] {strides = array<i32>} : memref<256x128xf32, #tpu.memory_space<vmem>>, vector<1x16xf32>,
      %swap3A_738 = vector.shape_cast %swap3A_737 : vector<1x16xf32> to vector<16xf32>
      %swap3A_739 = vector.shape_cast %add3A_734 : vector<16xf32> to vector<1x16xf32>
      tpu.vector_store %arg10[%swap3A_735, %swap3A_736], %swap3A_739 {strides = array<i32>} : memref<256x128xf32, #tpu.memory_space<vmem>>, vector<1x16xf32>,
      %add3A_740 = arith.addf %get3A_650, %get3A_682 : vector<16xf32>
      %mul3A_741 = arith.mulf %gather3A_622, %sub3A_354 : vector<16xf32>
      %add3A_742 = arith.addf %get3A_308, %mul3A_741 : vector<16xf32>
      %add3A_743 = arith.addf %add3A_740, %add3A_742 : vector<16xf32>
      %swap3A_744 = arith.index_cast %add3A_613 : i32 to index
      %swap3A_745 = arith.constant 96 : index
      %swap3A_746 = tpu.vector_load %arg10[%swap3A_744, %swap3A_745] {strides = array<i32>} : memref<256x128xf32, #tpu.memory_space<vmem>>, vector<1x16xf32>,
      %swap3A_747 = vector.shape_cast %swap3A_746 : vector<1x16xf32> to vector<16xf32>
      %swap3A_748 = vector.shape_cast %add3A_743 : vector<16xf32> to vector<1x16xf32>
      tpu.vector_store %arg10[%swap3A_744, %swap3A_745], %swap3A_748 {strides = array<i32>} : memref<256x128xf32, #tpu.memory_space<vmem>>, vector<1x16xf32>,
      %add3A_749 = arith.addf %get3A_654, %get3A_686 : vector<16xf32>
      %mul3A_750 = arith.mulf %gather3A_622, %sub3A_360 : vector<16xf32>
      %add3A_751 = arith.addf %get3A_313, %mul3A_750 : vector<16xf32>
      %add3A_752 = arith.addf %add3A_749, %add3A_751 : vector<16xf32>
      %swap3A_753 = arith.index_cast %add3A_613 : i32 to index
      %swap3A_754 = arith.constant 112 : index
      %swap3A_755 = tpu.vector_load %arg10[%swap3A_753, %swap3A_754] {strides = array<i32>} : memref<256x128xf32, #tpu.memory_space<vmem>>, vector<1x16xf32>,
      %swap3A_756 = vector.shape_cast %swap3A_755 : vector<1x16xf32> to vector<16xf32>
      %swap3A_757 = vector.shape_cast %add3A_752 : vector<16xf32> to vector<1x16xf32>
      tpu.vector_store %arg10[%swap3A_753, %swap3A_754], %swap3A_757 {strides = array<i32>} : memref<256x128xf32, #tpu.memory_space<vmem>>, vector<1x16xf32>,
    }
    %scan3A_410 = arith.constant 16 : i32
    %dma_wait3A_411 = arith.constant 0 : i32
    %dma_wait3A_412 = arith.constant 32 : i32
    %dma_wait3A_413 = arith.constant 0 : i32
    %dma_wait3A_414 = tpu.memref_slice %arg10[%dma_wait3A_412, %dma_wait3A_413] : memref<256x128xf32, #tpu.memory_space<vmem>> -> memref<16x128xf32, #tpu.memory_space<vmem>>
    %dma_wait3A_415 = arith.constant 0 : i32
    %dma_wait3A_416 = tpu.memref_slice %arg8[%dma_wait3A_411, %dma_wait3A_415] : memref<4x64xi32, #tpu.memory_space<vmem>> -> memref<1x64xi32, #tpu.memory_space<vmem>>
    %dma_wait3A_417 = tpu.memref_squeeze %dma_wait3A_416 : memref<1x64xi32, #tpu.memory_space<vmem>> -> memref<64xi32, #tpu.memory_space<vmem>>
    %dma_wait3A_418 = arith.constant 32 : i32
    %dma_wait3A_419 = tpu.memref_slice %dma_wait3A_417[%dma_wait3A_418] : memref<64xi32, #tpu.memory_space<vmem>> -> memref<16xi32, #tpu.memory_space<vmem>>
    %dma_wait3A_420 = arith.constant 0 : i32
    %dma_wait3A_421 = arith.constant 0 : i32
    %dma_wait3A_422 = tpu.memref_slice %arg4[%dma_wait3A_420, %dma_wait3A_421] : memref<100000x128xf32, #tpu.memory_space<hbm>> -> memref<100000x128xf32, #tpu.memory_space<hbm>>
    tpu.wait_indirect_dma semaphore(%arg19 : memref<!tpu.dma_semaphore, #tpu.memory_space<semaphore_mem>>) src(%dma_wait3A_422 : memref<100000x128xf32, #tpu.memory_space<hbm>>) dst(%dma_wait3A_414 : memref<16x128xf32, #tpu.memory_space<vmem>>)
    %get3A_423 = arith.constant 0 : i32
    %get3A_424 = arith.index_cast %get3A_423 : i32 to index
    %get3A_425 = arith.constant 32 : index
    %get3A_426 = tpu.vector_load %arg9[%get3A_424, %get3A_425] {strides = array<i32>} : memref<4x64xi32, #tpu.memory_space<vmem>>, vector<1x16xi32>,
    %get3A_427 = vector.shape_cast %get3A_426 : vector<1x16xi32> to vector<16xi32>
    %convert_element_type3A_428 = arith.sitofp %get3A_427 : vector<16xi32> to vector<16xf32>
    %scan3A_429 = arith.constant 0 : i32
    %scan3A_430 = arith.constant 0 : i32
    %scan3A_431 = arith.constant 16 : i32
    %scan3A_432 = arith.addi %scan3A_430, %scan3A_431 : i32
    %scan3A_433 = arith.constant 1 : i32
    scf.for %scan3A_611 = %scan3A_430 to %scan3A_432 step %scan3A_433  : i32 {
      %add3A_612 = arith.constant 32 : i32
      %add3A_613 = arith.addi %add3A_612, %scan3A_611 : i32
      %add3A_614 = arith.constant 32 : i32
      %add3A_615 = arith.addi %add3A_614, %scan3A_611 : i32
      %broadcast_in_dim3A = vector.broadcast %scan3A_611 : i32 to vector<16xi32>
      %lt3A = arith.constant 0 : i32
      %lt3A_616 = vector.broadcast %lt3A : i32 to vector<16xi32>
      %lt3A_617 = arith.cmpi slt, %broadcast_in_dim3A, %lt3A_616 : vector<16xi32>
      %add3A_618 = arith.constant 16 : i32
      %add3A_619 = vector.broadcast %add3A_618 : i32 to vector<16xi32>
      %add3A_620 = arith.addi %broadcast_in_dim3A, %add3A_619 : vector<16xi32>
      %select_n3A = arith.select %lt3A_617, %add3A_620, %broadcast_in_dim3A : vector<16xi1>, vector<16xi32>
      %broadcast_in_dim3A_621 = vector.shape_cast %select_n3A : vector<16xi32> to vector<16x1xi32>
      %gather3A = vector.shape_cast %broadcast_in_dim3A_621 : vector<16x1xi32> to vector<16xi32>
      %gather3A_622 = tpu.dynamic_gather %convert_element_type3A_428[%gather3A] in [0] : vector<16xf32>, vector<16xi32> -> vector<16xf32>
      %get3A_623 = arith.index_cast %add3A_613 : i32 to index
      %get3A_624 = arith.constant 0 : index
      %get3A_625 = tpu.vector_load %arg10[%get3A_623, %get3A_624] {strides = array<i32>} : memref<256x128xf32, #tpu.memory_space<vmem>>, vector<1x16xf32>,
      %get3A_626 = vector.shape_cast %get3A_625 : vector<1x16xf32> to vector<16xf32>
      %get3A_627 = arith.index_cast %add3A_613 : i32 to index
      %get3A_628 = arith.constant 16 : index
      %get3A_629 = tpu.vector_load %arg10[%get3A_627, %get3A_628] {strides = array<i32>} : memref<256x128xf32, #tpu.memory_space<vmem>>, vector<1x16xf32>,
      %get3A_630 = vector.shape_cast %get3A_629 : vector<1x16xf32> to vector<16xf32>
      %get3A_631 = arith.index_cast %add3A_613 : i32 to index
      %get3A_632 = arith.constant 32 : index
      %get3A_633 = tpu.vector_load %arg10[%get3A_631, %get3A_632] {strides = array<i32>} : memref<256x128xf32, #tpu.memory_space<vmem>>, vector<1x16xf32>,
      %get3A_634 = vector.shape_cast %get3A_633 : vector<1x16xf32> to vector<16xf32>
      %get3A_635 = arith.index_cast %add3A_613 : i32 to index
      %get3A_636 = arith.constant 48 : index
      %get3A_637 = tpu.vector_load %arg10[%get3A_635, %get3A_636] {strides = array<i32>} : memref<256x128xf32, #tpu.memory_space<vmem>>, vector<1x16xf32>,
      %get3A_638 = vector.shape_cast %get3A_637 : vector<1x16xf32> to vector<16xf32>
      %get3A_639 = arith.index_cast %add3A_613 : i32 to index
      %get3A_640 = arith.constant 64 : index
      %get3A_641 = tpu.vector_load %arg10[%get3A_639, %get3A_640] {strides = array<i32>} : memref<256x128xf32, #tpu.memory_space<vmem>>, vector<1x16xf32>,
      %get3A_642 = vector.shape_cast %get3A_641 : vector<1x16xf32> to vector<16xf32>
      %get3A_643 = arith.index_cast %add3A_613 : i32 to index
      %get3A_644 = arith.constant 80 : index
      %get3A_645 = tpu.vector_load %arg10[%get3A_643, %get3A_644] {strides = array<i32>} : memref<256x128xf32, #tpu.memory_space<vmem>>, vector<1x16xf32>,
      %get3A_646 = vector.shape_cast %get3A_645 : vector<1x16xf32> to vector<16xf32>
      %get3A_647 = arith.index_cast %add3A_613 : i32 to index
      %get3A_648 = arith.constant 96 : index
      %get3A_649 = tpu.vector_load %arg10[%get3A_647, %get3A_648] {strides = array<i32>} : memref<256x128xf32, #tpu.memory_space<vmem>>, vector<1x16xf32>,
      %get3A_650 = vector.shape_cast %get3A_649 : vector<1x16xf32> to vector<16xf32>
      %get3A_651 = arith.index_cast %add3A_613 : i32 to index
      %get3A_652 = arith.constant 112 : index
      %get3A_653 = tpu.vector_load %arg10[%get3A_651, %get3A_652] {strides = array<i32>} : memref<256x128xf32, #tpu.memory_space<vmem>>, vector<1x16xf32>,
      %get3A_654 = vector.shape_cast %get3A_653 : vector<1x16xf32> to vector<16xf32>
      %get3A_655 = arith.index_cast %add3A_615 : i32 to index
      %get3A_656 = arith.constant 0 : index
      %get3A_657 = tpu.vector_load %arg11[%get3A_655, %get3A_656] {strides = array<i32>} : memref<64x128xf32, #tpu.memory_space<vmem>>, vector<1x16xf32>,
      %get3A_658 = vector.shape_cast %get3A_657 : vector<1x16xf32> to vector<16xf32>
      %get3A_659 = arith.index_cast %add3A_615 : i32 to index
      %get3A_660 = arith.constant 16 : index
      %get3A_661 = tpu.vector_load %arg11[%get3A_659, %get3A_660] {strides = array<i32>} : memref<64x128xf32, #tpu.memory_space<vmem>>, vector<1x16xf32>,
      %get3A_662 = vector.shape_cast %get3A_661 : vector<1x16xf32> to vector<16xf32>
      %get3A_663 = arith.index_cast %add3A_615 : i32 to index
      %get3A_664 = arith.constant 32 : index
      %get3A_665 = tpu.vector_load %arg11[%get3A_663, %get3A_664] {strides = array<i32>} : memref<64x128xf32, #tpu.memory_space<vmem>>, vector<1x16xf32>,
      %get3A_666 = vector.shape_cast %get3A_665 : vector<1x16xf32> to vector<16xf32>
      %get3A_667 = arith.index_cast %add3A_615 : i32 to index
      %get3A_668 = arith.constant 48 : index
      %get3A_669 = tpu.vector_load %arg11[%get3A_667, %get3A_668] {strides = array<i32>} : memref<64x128xf32, #tpu.memory_space<vmem>>, vector<1x16xf32>,
      %get3A_670 = vector.shape_cast %get3A_669 : vector<1x16xf32> to vector<16xf32>
      %get3A_671 = arith.index_cast %add3A_615 : i32 to index
      %get3A_672 = arith.constant 64 : index
      %get3A_673 = tpu.vector_load %arg11[%get3A_671, %get3A_672] {strides = array<i32>} : memref<64x128xf32, #tpu.memory_space<vmem>>, vector<1x16xf32>,
      %get3A_674 = vector.shape_cast %get3A_673 : vector<1x16xf32> to vector<16xf32>
      %get3A_675 = arith.index_cast %add3A_615 : i32 to index
      %get3A_676 = arith.constant 80 : index
      %get3A_677 = tpu.vector_load %arg11[%get3A_675, %get3A_676] {strides = array<i32>} : memref<64x128xf32, #tpu.memory_space<vmem>>, vector<1x16xf32>,
      %get3A_678 = vector.shape_cast %get3A_677 : vector<1x16xf32> to vector<16xf32>
      %get3A_679 = arith.index_cast %add3A_615 : i32 to index
      %get3A_680 = arith.constant 96 : index
      %get3A_681 = tpu.vector_load %arg11[%get3A_679, %get3A_680] {strides = array<i32>} : memref<64x128xf32, #tpu.memory_space<vmem>>, vector<1x16xf32>,
      %get3A_682 = vector.shape_cast %get3A_681 : vector<1x16xf32> to vector<16xf32>
      %get3A_683 = arith.index_cast %add3A_615 : i32 to index
      %get3A_684 = arith.constant 112 : index
      %get3A_685 = tpu.vector_load %arg11[%get3A_683, %get3A_684] {strides = array<i32>} : memref<64x128xf32, #tpu.memory_space<vmem>>, vector<1x16xf32>,
      %get3A_686 = vector.shape_cast %get3A_685 : vector<1x16xf32> to vector<16xf32>
      %add3A_687 = arith.addf %get3A_626, %get3A_658 : vector<16xf32>
      %mul3A_688 = arith.mulf %gather3A_622, %sub3A : vector<16xf32>
      %add3A_689 = arith.addf %get3A_278, %mul3A_688 : vector<16xf32>
      %add3A_690 = arith.addf %add3A_687, %add3A_689 : vector<16xf32>
      %swap3A = arith.index_cast %add3A_613 : i32 to index
      %swap3A_691 = arith.constant 0 : index
      %swap3A_692 = tpu.vector_load %arg10[%swap3A, %swap3A_691] {strides = array<i32>} : memref<256x128xf32, #tpu.memory_space<vmem>>, vector<1x16xf32>,
      %swap3A_693 = vector.shape_cast %swap3A_692 : vector<1x16xf32> to vector<16xf32>
      %swap3A_694 = vector.shape_cast %add3A_690 : vector<16xf32> to vector<1x16xf32>
      tpu.vector_store %arg10[%swap3A, %swap3A_691], %swap3A_694 {strides = array<i32>} : memref<256x128xf32, #tpu.memory_space<vmem>>, vector<1x16xf32>,
      %add3A_695 = arith.addf %get3A_630, %get3A_662 : vector<16xf32>
      %mul3A_696 = arith.mulf %gather3A_622, %sub3A_324 : vector<16xf32>
      %add3A_697 = arith.addf %get3A_283, %mul3A_696 : vector<16xf32>
      %add3A_698 = arith.addf %add3A_695, %add3A_697 : vector<16xf32>
      %swap3A_699 = arith.index_cast %add3A_613 : i32 to index
      %swap3A_700 = arith.constant 16 : index
      %swap3A_701 = tpu.vector_load %arg10[%swap3A_699, %swap3A_700] {strides = array<i32>} : memref<256x128xf32, #tpu.memory_space<vmem>>, vector<1x16xf32>,
      %swap3A_702 = vector.shape_cast %swap3A_701 : vector<1x16xf32> to vector<16xf32>
      %swap3A_703 = vector.shape_cast %add3A_698 : vector<16xf32> to vector<1x16xf32>
      tpu.vector_store %arg10[%swap3A_699, %swap3A_700], %swap3A_703 {strides = array<i32>} : memref<256x128xf32, #tpu.memory_space<vmem>>, vector<1x16xf32>,
      %add3A_704 = arith.addf %get3A_634, %get3A_666 : vector<16xf32>
      %mul3A_705 = arith.mulf %gather3A_622, %sub3A_330 : vector<16xf32>
      %add3A_706 = arith.addf %get3A_288, %mul3A_705 : vector<16xf32>
      %add3A_707 = arith.addf %add3A_704, %add3A_706 : vector<16xf32>
      %swap3A_708 = arith.index_cast %add3A_613 : i32 to index
      %swap3A_709 = arith.constant 32 : index
      %swap3A_710 = tpu.vector_load %arg10[%swap3A_708, %swap3A_709] {strides = array<i32>} : memref<256x128xf32, #tpu.memory_space<vmem>>, vector<1x16xf32>,
      %swap3A_711 = vector.shape_cast %swap3A_710 : vector<1x16xf32> to vector<16xf32>
      %swap3A_712 = vector.shape_cast %add3A_707 : vector<16xf32> to vector<1x16xf32>
      tpu.vector_store %arg10[%swap3A_708, %swap3A_709], %swap3A_712 {strides = array<i32>} : memref<256x128xf32, #tpu.memory_space<vmem>>, vector<1x16xf32>,
      %add3A_713 = arith.addf %get3A_638, %get3A_670 : vector<16xf32>
      %mul3A_714 = arith.mulf %gather3A_622, %sub3A_336 : vector<16xf32>
      %add3A_715 = arith.addf %get3A_293, %mul3A_714 : vector<16xf32>
      %add3A_716 = arith.addf %add3A_713, %add3A_715 : vector<16xf32>
      %swap3A_717 = arith.index_cast %add3A_613 : i32 to index
      %swap3A_718 = arith.constant 48 : index
      %swap3A_719 = tpu.vector_load %arg10[%swap3A_717, %swap3A_718] {strides = array<i32>} : memref<256x128xf32, #tpu.memory_space<vmem>>, vector<1x16xf32>,
      %swap3A_720 = vector.shape_cast %swap3A_719 : vector<1x16xf32> to vector<16xf32>
      %swap3A_721 = vector.shape_cast %add3A_716 : vector<16xf32> to vector<1x16xf32>
      tpu.vector_store %arg10[%swap3A_717, %swap3A_718], %swap3A_721 {strides = array<i32>} : memref<256x128xf32, #tpu.memory_space<vmem>>, vector<1x16xf32>,
      %add3A_722 = arith.addf %get3A_642, %get3A_674 : vector<16xf32>
      %mul3A_723 = arith.mulf %gather3A_622, %sub3A_342 : vector<16xf32>
      %add3A_724 = arith.addf %get3A_298, %mul3A_723 : vector<16xf32>
      %add3A_725 = arith.addf %add3A_722, %add3A_724 : vector<16xf32>
      %swap3A_726 = arith.index_cast %add3A_613 : i32 to index
      %swap3A_727 = arith.constant 64 : index
      %swap3A_728 = tpu.vector_load %arg10[%swap3A_726, %swap3A_727] {strides = array<i32>} : memref<256x128xf32, #tpu.memory_space<vmem>>, vector<1x16xf32>,
      %swap3A_729 = vector.shape_cast %swap3A_728 : vector<1x16xf32> to vector<16xf32>
      %swap3A_730 = vector.shape_cast %add3A_725 : vector<16xf32> to vector<1x16xf32>
      tpu.vector_store %arg10[%swap3A_726, %swap3A_727], %swap3A_730 {strides = array<i32>} : memref<256x128xf32, #tpu.memory_space<vmem>>, vector<1x16xf32>,
      %add3A_731 = arith.addf %get3A_646, %get3A_678 : vector<16xf32>
      %mul3A_732 = arith.mulf %gather3A_622, %sub3A_348 : vector<16xf32>
      %add3A_733 = arith.addf %get3A_303, %mul3A_732 : vector<16xf32>
      %add3A_734 = arith.addf %add3A_731, %add3A_733 : vector<16xf32>
      %swap3A_735 = arith.index_cast %add3A_613 : i32 to index
      %swap3A_736 = arith.constant 80 : index
      %swap3A_737 = tpu.vector_load %arg10[%swap3A_735, %swap3A_736] {strides = array<i32>} : memref<256x128xf32, #tpu.memory_space<vmem>>, vector<1x16xf32>,
      %swap3A_738 = vector.shape_cast %swap3A_737 : vector<1x16xf32> to vector<16xf32>
      %swap3A_739 = vector.shape_cast %add3A_734 : vector<16xf32> to vector<1x16xf32>
      tpu.vector_store %arg10[%swap3A_735, %swap3A_736], %swap3A_739 {strides = array<i32>} : memref<256x128xf32, #tpu.memory_space<vmem>>, vector<1x16xf32>,
      %add3A_740 = arith.addf %get3A_650, %get3A_682 : vector<16xf32>
      %mul3A_741 = arith.mulf %gather3A_622, %sub3A_354 : vector<16xf32>
      %add3A_742 = arith.addf %get3A_308, %mul3A_741 : vector<16xf32>
      %add3A_743 = arith.addf %add3A_740, %add3A_742 : vector<16xf32>
      %swap3A_744 = arith.index_cast %add3A_613 : i32 to index
      %swap3A_745 = arith.constant 96 : index
      %swap3A_746 = tpu.vector_load %arg10[%swap3A_744, %swap3A_745] {strides = array<i32>} : memref<256x128xf32, #tpu.memory_space<vmem>>, vector<1x16xf32>,
      %swap3A_747 = vector.shape_cast %swap3A_746 : vector<1x16xf32> to vector<16xf32>
      %swap3A_748 = vector.shape_cast %add3A_743 : vector<16xf32> to vector<1x16xf32>
      tpu.vector_store %arg10[%swap3A_744, %swap3A_745], %swap3A_748 {strides = array<i32>} : memref<256x128xf32, #tpu.memory_space<vmem>>, vector<1x16xf32>,
      %add3A_749 = arith.addf %get3A_654, %get3A_686 : vector<16xf32>
      %mul3A_750 = arith.mulf %gather3A_622, %sub3A_360 : vector<16xf32>
      %add3A_751 = arith.addf %get3A_313, %mul3A_750 : vector<16xf32>
      %add3A_752 = arith.addf %add3A_749, %add3A_751 : vector<16xf32>
      %swap3A_753 = arith.index_cast %add3A_613 : i32 to index
      %swap3A_754 = arith.constant 112 : index
      %swap3A_755 = tpu.vector_load %arg10[%swap3A_753, %swap3A_754] {strides = array<i32>} : memref<256x128xf32, #tpu.memory_space<vmem>>, vector<1x16xf32>,
      %swap3A_756 = vector.shape_cast %swap3A_755 : vector<1x16xf32> to vector<16xf32>
      %swap3A_757 = vector.shape_cast %add3A_752 : vector<16xf32> to vector<1x16xf32>
      tpu.vector_store %arg10[%swap3A_753, %swap3A_754], %swap3A_757 {strides = array<i32>} : memref<256x128xf32, #tpu.memory_space<vmem>>, vector<1x16xf32>,
    }
    %scan3A_434 = arith.constant 16 : i32
    %dma_wait3A_435 = arith.constant 0 : i32
    %dma_wait3A_436 = arith.constant 48 : i32
    %dma_wait3A_437 = arith.constant 0 : i32
    %dma_wait3A_438 = tpu.memref_slice %arg10[%dma_wait3A_436, %dma_wait3A_437] : memref<256x128xf32, #tpu.memory_space<vmem>> -> memref<16x128xf32, #tpu.memory_space<vmem>>
    %dma_wait3A_439 = arith.constant 0 : i32
    %dma_wait3A_440 = tpu.memref_slice %arg8[%dma_wait3A_435, %dma_wait3A_439] : memref<4x64xi32, #tpu.memory_space<vmem>> -> memref<1x64xi32, #tpu.memory_space<vmem>>
    %dma_wait3A_441 = tpu.memref_squeeze %dma_wait3A_440 : memref<1x64xi32, #tpu.memory_space<vmem>> -> memref<64xi32, #tpu.memory_space<vmem>>
    %dma_wait3A_442 = arith.constant 48 : i32
    %dma_wait3A_443 = tpu.memref_slice %dma_wait3A_441[%dma_wait3A_442] : memref<64xi32, #tpu.memory_space<vmem>> -> memref<16xi32, #tpu.memory_space<vmem>>
    %dma_wait3A_444 = arith.constant 0 : i32
    %dma_wait3A_445 = arith.constant 0 : i32
    %dma_wait3A_446 = tpu.memref_slice %arg4[%dma_wait3A_444, %dma_wait3A_445] : memref<100000x128xf32, #tpu.memory_space<hbm>> -> memref<100000x128xf32, #tpu.memory_space<hbm>>
    tpu.wait_indirect_dma semaphore(%arg20 : memref<!tpu.dma_semaphore, #tpu.memory_space<semaphore_mem>>) src(%dma_wait3A_446 : memref<100000x128xf32, #tpu.memory_space<hbm>>) dst(%dma_wait3A_438 : memref<16x128xf32, #tpu.memory_space<vmem>>)
    %get3A_447 = arith.constant 0 : i32
    %get3A_448 = arith.index_cast %get3A_447 : i32 to index
    %get3A_449 = arith.constant 48 : index
    %get3A_450 = tpu.vector_load %arg9[%get3A_448, %get3A_449] {strides = array<i32>} : memref<4x64xi32, #tpu.memory_space<vmem>>, vector<1x16xi32>,
    %get3A_451 = vector.shape_cast %get3A_450 : vector<1x16xi32> to vector<16xi32>
    %convert_element_type3A_452 = arith.sitofp %get3A_451 : vector<16xi32> to vector<16xf32>
    %scan3A_453 = arith.constant 0 : i32
    %scan3A_454 = arith.constant 0 : i32
    %scan3A_455 = arith.constant 16 : i32
    %scan3A_456 = arith.addi %scan3A_454, %scan3A_455 : i32
    %scan3A_457 = arith.constant 1 : i32
    scf.for %scan3A_611 = %scan3A_454 to %scan3A_456 step %scan3A_457  : i32 {
      %add3A_612 = arith.constant 48 : i32
      %add3A_613 = arith.addi %add3A_612, %scan3A_611 : i32
      %add3A_614 = arith.constant 48 : i32
      %add3A_615 = arith.addi %add3A_614, %scan3A_611 : i32
      %broadcast_in_dim3A = vector.broadcast %scan3A_611 : i32 to vector<16xi32>
      %lt3A = arith.constant 0 : i32
      %lt3A_616 = vector.broadcast %lt3A : i32 to vector<16xi32>
      %lt3A_617 = arith.cmpi slt, %broadcast_in_dim3A, %lt3A_616 : vector<16xi32>
      %add3A_618 = arith.constant 16 : i32
      %add3A_619 = vector.broadcast %add3A_618 : i32 to vector<16xi32>
      %add3A_620 = arith.addi %broadcast_in_dim3A, %add3A_619 : vector<16xi32>
      %select_n3A = arith.select %lt3A_617, %add3A_620, %broadcast_in_dim3A : vector<16xi1>, vector<16xi32>
      %broadcast_in_dim3A_621 = vector.shape_cast %select_n3A : vector<16xi32> to vector<16x1xi32>
      %gather3A = vector.shape_cast %broadcast_in_dim3A_621 : vector<16x1xi32> to vector<16xi32>
      %gather3A_622 = tpu.dynamic_gather %convert_element_type3A_452[%gather3A] in [0] : vector<16xf32>, vector<16xi32> -> vector<16xf32>
      %get3A_623 = arith.index_cast %add3A_613 : i32 to index
      %get3A_624 = arith.constant 0 : index
      %get3A_625 = tpu.vector_load %arg10[%get3A_623, %get3A_624] {strides = array<i32>} : memref<256x128xf32, #tpu.memory_space<vmem>>, vector<1x16xf32>,
      %get3A_626 = vector.shape_cast %get3A_625 : vector<1x16xf32> to vector<16xf32>
      %get3A_627 = arith.index_cast %add3A_613 : i32 to index
      %get3A_628 = arith.constant 16 : index
      %get3A_629 = tpu.vector_load %arg10[%get3A_627, %get3A_628] {strides = array<i32>} : memref<256x128xf32, #tpu.memory_space<vmem>>, vector<1x16xf32>,
      %get3A_630 = vector.shape_cast %get3A_629 : vector<1x16xf32> to vector<16xf32>
      %get3A_631 = arith.index_cast %add3A_613 : i32 to index
      %get3A_632 = arith.constant 32 : index
      %get3A_633 = tpu.vector_load %arg10[%get3A_631, %get3A_632] {strides = array<i32>} : memref<256x128xf32, #tpu.memory_space<vmem>>, vector<1x16xf32>,
      %get3A_634 = vector.shape_cast %get3A_633 : vector<1x16xf32> to vector<16xf32>
      %get3A_635 = arith.index_cast %add3A_613 : i32 to index
      %get3A_636 = arith.constant 48 : index
      %get3A_637 = tpu.vector_load %arg10[%get3A_635, %get3A_636] {strides = array<i32>} : memref<256x128xf32, #tpu.memory_space<vmem>>, vector<1x16xf32>,
      %get3A_638 = vector.shape_cast %get3A_637 : vector<1x16xf32> to vector<16xf32>
      %get3A_639 = arith.index_cast %add3A_613 : i32 to index
      %get3A_640 = arith.constant 64 : index
      %get3A_641 = tpu.vector_load %arg10[%get3A_639, %get3A_640] {strides = array<i32>} : memref<256x128xf32, #tpu.memory_space<vmem>>, vector<1x16xf32>,
      %get3A_642 = vector.shape_cast %get3A_641 : vector<1x16xf32> to vector<16xf32>
      %get3A_643 = arith.index_cast %add3A_613 : i32 to index
      %get3A_644 = arith.constant 80 : index
      %get3A_645 = tpu.vector_load %arg10[%get3A_643, %get3A_644] {strides = array<i32>} : memref<256x128xf32, #tpu.memory_space<vmem>>, vector<1x16xf32>,
      %get3A_646 = vector.shape_cast %get3A_645 : vector<1x16xf32> to vector<16xf32>
      %get3A_647 = arith.index_cast %add3A_613 : i32 to index
      %get3A_648 = arith.constant 96 : index
      %get3A_649 = tpu.vector_load %arg10[%get3A_647, %get3A_648] {strides = array<i32>} : memref<256x128xf32, #tpu.memory_space<vmem>>, vector<1x16xf32>,
      %get3A_650 = vector.shape_cast %get3A_649 : vector<1x16xf32> to vector<16xf32>
      %get3A_651 = arith.index_cast %add3A_613 : i32 to index
      %get3A_652 = arith.constant 112 : index
      %get3A_653 = tpu.vector_load %arg10[%get3A_651, %get3A_652] {strides = array<i32>} : memref<256x128xf32, #tpu.memory_space<vmem>>, vector<1x16xf32>,
      %get3A_654 = vector.shape_cast %get3A_653 : vector<1x16xf32> to vector<16xf32>
      %get3A_655 = arith.index_cast %add3A_615 : i32 to index
      %get3A_656 = arith.constant 0 : index
      %get3A_657 = tpu.vector_load %arg11[%get3A_655, %get3A_656] {strides = array<i32>} : memref<64x128xf32, #tpu.memory_space<vmem>>, vector<1x16xf32>,
      %get3A_658 = vector.shape_cast %get3A_657 : vector<1x16xf32> to vector<16xf32>
      %get3A_659 = arith.index_cast %add3A_615 : i32 to index
      %get3A_660 = arith.constant 16 : index
      %get3A_661 = tpu.vector_load %arg11[%get3A_659, %get3A_660] {strides = array<i32>} : memref<64x128xf32, #tpu.memory_space<vmem>>, vector<1x16xf32>,
      %get3A_662 = vector.shape_cast %get3A_661 : vector<1x16xf32> to vector<16xf32>
      %get3A_663 = arith.index_cast %add3A_615 : i32 to index
      %get3A_664 = arith.constant 32 : index
      %get3A_665 = tpu.vector_load %arg11[%get3A_663, %get3A_664] {strides = array<i32>} : memref<64x128xf32, #tpu.memory_space<vmem>>, vector<1x16xf32>,
      %get3A_666 = vector.shape_cast %get3A_665 : vector<1x16xf32> to vector<16xf32>
      %get3A_667 = arith.index_cast %add3A_615 : i32 to index
      %get3A_668 = arith.constant 48 : index
      %get3A_669 = tpu.vector_load %arg11[%get3A_667, %get3A_668] {strides = array<i32>} : memref<64x128xf32, #tpu.memory_space<vmem>>, vector<1x16xf32>,
      %get3A_670 = vector.shape_cast %get3A_669 : vector<1x16xf32> to vector<16xf32>
      %get3A_671 = arith.index_cast %add3A_615 : i32 to index
      %get3A_672 = arith.constant 64 : index
      %get3A_673 = tpu.vector_load %arg11[%get3A_671, %get3A_672] {strides = array<i32>} : memref<64x128xf32, #tpu.memory_space<vmem>>, vector<1x16xf32>,
      %get3A_674 = vector.shape_cast %get3A_673 : vector<1x16xf32> to vector<16xf32>
      %get3A_675 = arith.index_cast %add3A_615 : i32 to index
      %get3A_676 = arith.constant 80 : index
      %get3A_677 = tpu.vector_load %arg11[%get3A_675, %get3A_676] {strides = array<i32>} : memref<64x128xf32, #tpu.memory_space<vmem>>, vector<1x16xf32>,
      %get3A_678 = vector.shape_cast %get3A_677 : vector<1x16xf32> to vector<16xf32>
      %get3A_679 = arith.index_cast %add3A_615 : i32 to index
      %get3A_680 = arith.constant 96 : index
      %get3A_681 = tpu.vector_load %arg11[%get3A_679, %get3A_680] {strides = array<i32>} : memref<64x128xf32, #tpu.memory_space<vmem>>, vector<1x16xf32>,
      %get3A_682 = vector.shape_cast %get3A_681 : vector<1x16xf32> to vector<16xf32>
      %get3A_683 = arith.index_cast %add3A_615 : i32 to index
      %get3A_684 = arith.constant 112 : index
      %get3A_685 = tpu.vector_load %arg11[%get3A_683, %get3A_684] {strides = array<i32>} : memref<64x128xf32, #tpu.memory_space<vmem>>, vector<1x16xf32>,
      %get3A_686 = vector.shape_cast %get3A_685 : vector<1x16xf32> to vector<16xf32>
      %add3A_687 = arith.addf %get3A_626, %get3A_658 : vector<16xf32>
      %mul3A_688 = arith.mulf %gather3A_622, %sub3A : vector<16xf32>
      %add3A_689 = arith.addf %get3A_278, %mul3A_688 : vector<16xf32>
      %add3A_690 = arith.addf %add3A_687, %add3A_689 : vector<16xf32>
      %swap3A = arith.index_cast %add3A_613 : i32 to index
      %swap3A_691 = arith.constant 0 : index
      %swap3A_692 = tpu.vector_load %arg10[%swap3A, %swap3A_691] {strides = array<i32>} : memref<256x128xf32, #tpu.memory_space<vmem>>, vector<1x16xf32>,
      %swap3A_693 = vector.shape_cast %swap3A_692 : vector<1x16xf32> to vector<16xf32>
      %swap3A_694 = vector.shape_cast %add3A_690 : vector<16xf32> to vector<1x16xf32>
      tpu.vector_store %arg10[%swap3A, %swap3A_691], %swap3A_694 {strides = array<i32>} : memref<256x128xf32, #tpu.memory_space<vmem>>, vector<1x16xf32>,
      %add3A_695 = arith.addf %get3A_630, %get3A_662 : vector<16xf32>
      %mul3A_696 = arith.mulf %gather3A_622, %sub3A_324 : vector<16xf32>
      %add3A_697 = arith.addf %get3A_283, %mul3A_696 : vector<16xf32>
      %add3A_698 = arith.addf %add3A_695, %add3A_697 : vector<16xf32>
      %swap3A_699 = arith.index_cast %add3A_613 : i32 to index
      %swap3A_700 = arith.constant 16 : index
      %swap3A_701 = tpu.vector_load %arg10[%swap3A_699, %swap3A_700] {strides = array<i32>} : memref<256x128xf32, #tpu.memory_space<vmem>>, vector<1x16xf32>,
      %swap3A_702 = vector.shape_cast %swap3A_701 : vector<1x16xf32> to vector<16xf32>
      %swap3A_703 = vector.shape_cast %add3A_698 : vector<16xf32> to vector<1x16xf32>
      tpu.vector_store %arg10[%swap3A_699, %swap3A_700], %swap3A_703 {strides = array<i32>} : memref<256x128xf32, #tpu.memory_space<vmem>>, vector<1x16xf32>,
      %add3A_704 = arith.addf %get3A_634, %get3A_666 : vector<16xf32>
      %mul3A_705 = arith.mulf %gather3A_622, %sub3A_330 : vector<16xf32>
      %add3A_706 = arith.addf %get3A_288, %mul3A_705 : vector<16xf32>
      %add3A_707 = arith.addf %add3A_704, %add3A_706 : vector<16xf32>
      %swap3A_708 = arith.index_cast %add3A_613 : i32 to index
      %swap3A_709 = arith.constant 32 : index
      %swap3A_710 = tpu.vector_load %arg10[%swap3A_708, %swap3A_709] {strides = array<i32>} : memref<256x128xf32, #tpu.memory_space<vmem>>, vector<1x16xf32>,
      %swap3A_711 = vector.shape_cast %swap3A_710 : vector<1x16xf32> to vector<16xf32>
      %swap3A_712 = vector.shape_cast %add3A_707 : vector<16xf32> to vector<1x16xf32>
      tpu.vector_store %arg10[%swap3A_708, %swap3A_709], %swap3A_712 {strides = array<i32>} : memref<256x128xf32, #tpu.memory_space<vmem>>, vector<1x16xf32>,
      %add3A_713 = arith.addf %get3A_638, %get3A_670 : vector<16xf32>
      %mul3A_714 = arith.mulf %gather3A_622, %sub3A_336 : vector<16xf32>
      %add3A_715 = arith.addf %get3A_293, %mul3A_714 : vector<16xf32>
      %add3A_716 = arith.addf %add3A_713, %add3A_715 : vector<16xf32>
      %swap3A_717 = arith.index_cast %add3A_613 : i32 to index
      %swap3A_718 = arith.constant 48 : index
      %swap3A_719 = tpu.vector_load %arg10[%swap3A_717, %swap3A_718] {strides = array<i32>} : memref<256x128xf32, #tpu.memory_space<vmem>>, vector<1x16xf32>,
      %swap3A_720 = vector.shape_cast %swap3A_719 : vector<1x16xf32> to vector<16xf32>
      %swap3A_721 = vector.shape_cast %add3A_716 : vector<16xf32> to vector<1x16xf32>
      tpu.vector_store %arg10[%swap3A_717, %swap3A_718], %swap3A_721 {strides = array<i32>} : memref<256x128xf32, #tpu.memory_space<vmem>>, vector<1x16xf32>,
      %add3A_722 = arith.addf %get3A_642, %get3A_674 : vector<16xf32>
      %mul3A_723 = arith.mulf %gather3A_622, %sub3A_342 : vector<16xf32>
      %add3A_724 = arith.addf %get3A_298, %mul3A_723 : vector<16xf32>
      %add3A_725 = arith.addf %add3A_722, %add3A_724 : vector<16xf32>
      %swap3A_726 = arith.index_cast %add3A_613 : i32 to index
      %swap3A_727 = arith.constant 64 : index
      %swap3A_728 = tpu.vector_load %arg10[%swap3A_726, %swap3A_727] {strides = array<i32>} : memref<256x128xf32, #tpu.memory_space<vmem>>, vector<1x16xf32>,
      %swap3A_729 = vector.shape_cast %swap3A_728 : vector<1x16xf32> to vector<16xf32>
      %swap3A_730 = vector.shape_cast %add3A_725 : vector<16xf32> to vector<1x16xf32>
      tpu.vector_store %arg10[%swap3A_726, %swap3A_727], %swap3A_730 {strides = array<i32>} : memref<256x128xf32, #tpu.memory_space<vmem>>, vector<1x16xf32>,
      %add3A_731 = arith.addf %get3A_646, %get3A_678 : vector<16xf32>
      %mul3A_732 = arith.mulf %gather3A_622, %sub3A_348 : vector<16xf32>
      %add3A_733 = arith.addf %get3A_303, %mul3A_732 : vector<16xf32>
      %add3A_734 = arith.addf %add3A_731, %add3A_733 : vector<16xf32>
      %swap3A_735 = arith.index_cast %add3A_613 : i32 to index
      %swap3A_736 = arith.constant 80 : index
      %swap3A_737 = tpu.vector_load %arg10[%swap3A_735, %swap3A_736] {strides = array<i32>} : memref<256x128xf32, #tpu.memory_space<vmem>>, vector<1x16xf32>,
      %swap3A_738 = vector.shape_cast %swap3A_737 : vector<1x16xf32> to vector<16xf32>
      %swap3A_739 = vector.shape_cast %add3A_734 : vector<16xf32> to vector<1x16xf32>
      tpu.vector_store %arg10[%swap3A_735, %swap3A_736], %swap3A_739 {strides = array<i32>} : memref<256x128xf32, #tpu.memory_space<vmem>>, vector<1x16xf32>,
      %add3A_740 = arith.addf %get3A_650, %get3A_682 : vector<16xf32>
      %mul3A_741 = arith.mulf %gather3A_622, %sub3A_354 : vector<16xf32>
      %add3A_742 = arith.addf %get3A_308, %mul3A_741 : vector<16xf32>
      %add3A_743 = arith.addf %add3A_740, %add3A_742 : vector<16xf32>
      %swap3A_744 = arith.index_cast %add3A_613 : i32 to index
      %swap3A_745 = arith.constant 96 : index
      %swap3A_746 = tpu.vector_load %arg10[%swap3A_744, %swap3A_745] {strides = array<i32>} : memref<256x128xf32, #tpu.memory_space<vmem>>, vector<1x16xf32>,
      %swap3A_747 = vector.shape_cast %swap3A_746 : vector<1x16xf32> to vector<16xf32>
      %swap3A_748 = vector.shape_cast %add3A_743 : vector<16xf32> to vector<1x16xf32>
      tpu.vector_store %arg10[%swap3A_744, %swap3A_745], %swap3A_748 {strides = array<i32>} : memref<256x128xf32, #tpu.memory_space<vmem>>, vector<1x16xf32>,
      %add3A_749 = arith.addf %get3A_654, %get3A_686 : vector<16xf32>
      %mul3A_750 = arith.mulf %gather3A_622, %sub3A_360 : vector<16xf32>
      %add3A_751 = arith.addf %get3A_313, %mul3A_750 : vector<16xf32>
      %add3A_752 = arith.addf %add3A_749, %add3A_751 : vector<16xf32>
      %swap3A_753 = arith.index_cast %add3A_613 : i32 to index
      %swap3A_754 = arith.constant 112 : index
      %swap3A_755 = tpu.vector_load %arg10[%swap3A_753, %swap3A_754] {strides = array<i32>} : memref<256x128xf32, #tpu.memory_space<vmem>>, vector<1x16xf32>,
      %swap3A_756 = vector.shape_cast %swap3A_755 : vector<1x16xf32> to vector<16xf32>
      %swap3A_757 = vector.shape_cast %add3A_752 : vector<16xf32> to vector<1x16xf32>
      tpu.vector_store %arg10[%swap3A_753, %swap3A_754], %swap3A_757 {strides = array<i32>} : memref<256x128xf32, #tpu.memory_space<vmem>>, vector<1x16xf32>,
    }
    %scan3A_458 = arith.constant 16 : i32
    %dma_start3A_459 = arith.constant 0 : i32
    %dma_start3A_460 = arith.constant 0 : i32
    %dma_start3A_461 = arith.constant 0 : i32
    %dma_start3A_462 = tpu.memref_slice %arg10[%dma_start3A_460, %dma_start3A_461] : memref<256x128xf32, #tpu.memory_space<vmem>> -> memref<64x128xf32, #tpu.memory_space<vmem>>
    %dma_start3A_463 = arith.constant 0 : i32
    %dma_start3A_464 = tpu.memref_slice %arg7[%dma_start3A_459, %mul3A_2, %dma_start3A_463] : memref<4x2048x128xf32, #tpu.memory_space<hbm>> -> memref<1x64x128xf32, #tpu.memory_space<hbm>>
    %dma_start3A_465 = tpu.memref_squeeze %dma_start3A_464 : memref<1x64x128xf32, #tpu.memory_space<hbm>> -> memref<64x128xf32, #tpu.memory_space<hbm>>
    %dma_start3A_466 = arith.constant 0 : i32
    %dma_start3A_467 = tpu.memref_slice %arg7[%dma_start3A_459, %mul3A_2, %dma_start3A_466] : memref<4x2048x128xf32, #tpu.memory_space<hbm>> -> memref<1x64x128xf32, #tpu.memory_space<hbm>>
    %dma_start3A_468 = tpu.memref_squeeze %dma_start3A_467 : memref<1x64x128xf32, #tpu.memory_space<hbm>> -> memref<64x128xf32, #tpu.memory_space<hbm>>
    %dma_start3A_469 = arith.constant 0 : i32
    %dma_start3A_470 = arith.constant 0 : i32
    %dma_start3A_471 = tpu.memref_slice %arg10[%dma_start3A_469, %dma_start3A_470] : memref<256x128xf32, #tpu.memory_space<vmem>> -> memref<64x128xf32, #tpu.memory_space<vmem>>
    tpu.enqueue_dma source(%dma_start3A_471 : memref<64x128xf32, #tpu.memory_space<vmem>>) target(%dma_start3A_468 : memref<64x128xf32, #tpu.memory_space<hbm>>) target_semaphore(%arg25 : memref<!tpu.dma_semaphore, #tpu.memory_space<semaphore_mem>>)
    %dma_wait3A_472 = arith.constant 1 : i32
    %dma_wait3A_473 = arith.constant 64 : i32
    %dma_wait3A_474 = arith.constant 0 : i32
    %dma_wait3A_475 = tpu.memref_slice %arg10[%dma_wait3A_473, %dma_wait3A_474] : memref<256x128xf32, #tpu.memory_space<vmem>> -> memref<64x128xf32, #tpu.memory_space<vmem>>
    %dma_wait3A_476 = arith.constant 0 : i32
    %dma_wait3A_477 = tpu.memref_slice %arg8[%dma_wait3A_472, %dma_wait3A_476] : memref<4x64xi32, #tpu.memory_space<vmem>> -> memref<1x64xi32, #tpu.memory_space<vmem>>
    %dma_wait3A_478 = tpu.memref_squeeze %dma_wait3A_477 : memref<1x64xi32, #tpu.memory_space<vmem>> -> memref<64xi32, #tpu.memory_space<vmem>>
    %dma_wait3A_479 = arith.constant 0 : i32
    %dma_wait3A_480 = arith.constant 0 : i32
    %dma_wait3A_481 = tpu.memref_slice %arg4[%dma_wait3A_479, %dma_wait3A_480] : memref<100000x128xf32, #tpu.memory_space<hbm>> -> memref<100000x128xf32, #tpu.memory_space<hbm>>
    tpu.wait_indirect_dma semaphore(%arg14 : memref<!tpu.dma_semaphore, #tpu.memory_space<semaphore_mem>>) src(%dma_wait3A_481 : memref<100000x128xf32, #tpu.memory_space<hbm>>) dst(%dma_wait3A_475 : memref<64x128xf32, #tpu.memory_space<vmem>>)
    %scan3A_482 = arith.constant 0 : i32
    %scan3A_483 = arith.constant 0 : i32
    %scan3A_484 = arith.constant 4 : i32
    %scan3A_485 = arith.addi %scan3A_483, %scan3A_484 : i32
    %scan3A_486 = arith.constant 1 : i32
    scf.for %scan3A_611 = %scan3A_483 to %scan3A_485 step %scan3A_486  : i32 {
      %mul3A_612 = arith.constant 16 : i32
      %mul3A_613 = arith.muli %scan3A_611, %mul3A_612 : i32
      %get3A_614 = arith.constant 1 : i32
      %get3A_615 = arith.index_cast %get3A_614 : i32 to index
      %get3A_616 = arith.index_cast %mul3A_613 : i32 to index
      %get3A_617 = tpu.vector_load %arg9[%get3A_615, %get3A_616] {strides = array<i32>} : memref<4x64xi32, #tpu.memory_space<vmem>>, vector<1x16xi32>,
      %get3A_618 = vector.shape_cast %get3A_617 : vector<1x16xi32> to vector<16xi32>
      %convert_element_type3A_619 = arith.sitofp %get3A_618 : vector<16xi32> to vector<16xf32>
      %scan3A_620 = arith.constant 0 : i32
      %scan3A_621 = arith.constant 16 : i32
      %scan3A_622 = arith.addi %scan3A_620, %scan3A_621 : i32
      %scan3A_623 = arith.constant 1 : i32
      scf.for %scan3A_625 = %scan3A_620 to %scan3A_622 step %scan3A_623  : i32 {
        %mul3A_626 = arith.constant 16 : i32
        %mul3A_627 = arith.muli %scan3A_611, %mul3A_626 : i32
        %add3A_628 = arith.constant 64 : i32
        %add3A_629 = arith.addi %add3A_628, %mul3A_627 : i32
        %add3A_630 = arith.addi %add3A_629, %scan3A_625 : i32
        %mul3A_631 = arith.constant 16 : i32
        %mul3A_632 = arith.muli %scan3A_611, %mul3A_631 : i32
        %add3A_633 = arith.addi %mul3A_632, %scan3A_625 : i32
        %broadcast_in_dim3A = vector.broadcast %scan3A_625 : i32 to vector<16xi32>
        %lt3A = arith.constant 0 : i32
        %lt3A_634 = vector.broadcast %lt3A : i32 to vector<16xi32>
        %lt3A_635 = arith.cmpi slt, %broadcast_in_dim3A, %lt3A_634 : vector<16xi32>
        %add3A_636 = arith.constant 16 : i32
        %add3A_637 = vector.broadcast %add3A_636 : i32 to vector<16xi32>
        %add3A_638 = arith.addi %broadcast_in_dim3A, %add3A_637 : vector<16xi32>
        %select_n3A = arith.select %lt3A_635, %add3A_638, %broadcast_in_dim3A : vector<16xi1>, vector<16xi32>
        %broadcast_in_dim3A_639 = vector.shape_cast %select_n3A : vector<16xi32> to vector<16x1xi32>
        %gather3A = vector.shape_cast %broadcast_in_dim3A_639 : vector<16x1xi32> to vector<16xi32>
        %gather3A_640 = tpu.dynamic_gather %convert_element_type3A_619[%gather3A] in [0] : vector<16xf32>, vector<16xi32> -> vector<16xf32>
        %get3A_641 = arith.index_cast %add3A_630 : i32 to index
        %get3A_642 = arith.constant 0 : index
        %get3A_643 = tpu.vector_load %arg10[%get3A_641, %get3A_642] {strides = array<i32>} : memref<256x128xf32, #tpu.memory_space<vmem>>, vector<1x16xf32>,
        %get3A_644 = vector.shape_cast %get3A_643 : vector<1x16xf32> to vector<16xf32>
        %get3A_645 = arith.index_cast %add3A_630 : i32 to index
        %get3A_646 = arith.constant 16 : index
        %get3A_647 = tpu.vector_load %arg10[%get3A_645, %get3A_646] {strides = array<i32>} : memref<256x128xf32, #tpu.memory_space<vmem>>, vector<1x16xf32>,
        %get3A_648 = vector.shape_cast %get3A_647 : vector<1x16xf32> to vector<16xf32>
        %get3A_649 = arith.index_cast %add3A_630 : i32 to index
        %get3A_650 = arith.constant 32 : index
        %get3A_651 = tpu.vector_load %arg10[%get3A_649, %get3A_650] {strides = array<i32>} : memref<256x128xf32, #tpu.memory_space<vmem>>, vector<1x16xf32>,
        %get3A_652 = vector.shape_cast %get3A_651 : vector<1x16xf32> to vector<16xf32>
        %get3A_653 = arith.index_cast %add3A_630 : i32 to index
        %get3A_654 = arith.constant 48 : index
        %get3A_655 = tpu.vector_load %arg10[%get3A_653, %get3A_654] {strides = array<i32>} : memref<256x128xf32, #tpu.memory_space<vmem>>, vector<1x16xf32>,
        %get3A_656 = vector.shape_cast %get3A_655 : vector<1x16xf32> to vector<16xf32>
        %get3A_657 = arith.index_cast %add3A_630 : i32 to index
        %get3A_658 = arith.constant 64 : index
        %get3A_659 = tpu.vector_load %arg10[%get3A_657, %get3A_658] {strides = array<i32>} : memref<256x128xf32, #tpu.memory_space<vmem>>, vector<1x16xf32>,
        %get3A_660 = vector.shape_cast %get3A_659 : vector<1x16xf32> to vector<16xf32>
        %get3A_661 = arith.index_cast %add3A_630 : i32 to index
        %get3A_662 = arith.constant 80 : index
        %get3A_663 = tpu.vector_load %arg10[%get3A_661, %get3A_662] {strides = array<i32>} : memref<256x128xf32, #tpu.memory_space<vmem>>, vector<1x16xf32>,
        %get3A_664 = vector.shape_cast %get3A_663 : vector<1x16xf32> to vector<16xf32>
        %get3A_665 = arith.index_cast %add3A_630 : i32 to index
        %get3A_666 = arith.constant 96 : index
        %get3A_667 = tpu.vector_load %arg10[%get3A_665, %get3A_666] {strides = array<i32>} : memref<256x128xf32, #tpu.memory_space<vmem>>, vector<1x16xf32>,
        %get3A_668 = vector.shape_cast %get3A_667 : vector<1x16xf32> to vector<16xf32>
        %get3A_669 = arith.index_cast %add3A_630 : i32 to index
        %get3A_670 = arith.constant 112 : index
        %get3A_671 = tpu.vector_load %arg10[%get3A_669, %get3A_670] {strides = array<i32>} : memref<256x128xf32, #tpu.memory_space<vmem>>, vector<1x16xf32>,
        %get3A_672 = vector.shape_cast %get3A_671 : vector<1x16xf32> to vector<16xf32>
        %get3A_673 = arith.index_cast %add3A_633 : i32 to index
        %get3A_674 = arith.constant 0 : index
        %get3A_675 = tpu.vector_load %arg11[%get3A_673, %get3A_674] {strides = array<i32>} : memref<64x128xf32, #tpu.memory_space<vmem>>, vector<1x16xf32>,
        %get3A_676 = vector.shape_cast %get3A_675 : vector<1x16xf32> to vector<16xf32>
        %get3A_677 = arith.index_cast %add3A_633 : i32 to index
        %get3A_678 = arith.constant 16 : index
        %get3A_679 = tpu.vector_load %arg11[%get3A_677, %get3A_678] {strides = array<i32>} : memref<64x128xf32, #tpu.memory_space<vmem>>, vector<1x16xf32>,
        %get3A_680 = vector.shape_cast %get3A_679 : vector<1x16xf32> to vector<16xf32>
        %get3A_681 = arith.index_cast %add3A_633 : i32 to index
        %get3A_682 = arith.constant 32 : index
        %get3A_683 = tpu.vector_load %arg11[%get3A_681, %get3A_682] {strides = array<i32>} : memref<64x128xf32, #tpu.memory_space<vmem>>, vector<1x16xf32>,
        %get3A_684 = vector.shape_cast %get3A_683 : vector<1x16xf32> to vector<16xf32>
        %get3A_685 = arith.index_cast %add3A_633 : i32 to index
        %get3A_686 = arith.constant 48 : index
        %get3A_687 = tpu.vector_load %arg11[%get3A_685, %get3A_686] {strides = array<i32>} : memref<64x128xf32, #tpu.memory_space<vmem>>, vector<1x16xf32>,
        %get3A_688 = vector.shape_cast %get3A_687 : vector<1x16xf32> to vector<16xf32>
        %get3A_689 = arith.index_cast %add3A_633 : i32 to index
        %get3A_690 = arith.constant 64 : index
        %get3A_691 = tpu.vector_load %arg11[%get3A_689, %get3A_690] {strides = array<i32>} : memref<64x128xf32, #tpu.memory_space<vmem>>, vector<1x16xf32>,
        %get3A_692 = vector.shape_cast %get3A_691 : vector<1x16xf32> to vector<16xf32>
        %get3A_693 = arith.index_cast %add3A_633 : i32 to index
        %get3A_694 = arith.constant 80 : index
        %get3A_695 = tpu.vector_load %arg11[%get3A_693, %get3A_694] {strides = array<i32>} : memref<64x128xf32, #tpu.memory_space<vmem>>, vector<1x16xf32>,
        %get3A_696 = vector.shape_cast %get3A_695 : vector<1x16xf32> to vector<16xf32>
        %get3A_697 = arith.index_cast %add3A_633 : i32 to index
        %get3A_698 = arith.constant 96 : index
        %get3A_699 = tpu.vector_load %arg11[%get3A_697, %get3A_698] {strides = array<i32>} : memref<64x128xf32, #tpu.memory_space<vmem>>, vector<1x16xf32>,
        %get3A_700 = vector.shape_cast %get3A_699 : vector<1x16xf32> to vector<16xf32>
        %get3A_701 = arith.index_cast %add3A_633 : i32 to index
        %get3A_702 = arith.constant 112 : index
        %get3A_703 = tpu.vector_load %arg11[%get3A_701, %get3A_702] {strides = array<i32>} : memref<64x128xf32, #tpu.memory_space<vmem>>, vector<1x16xf32>,
        %get3A_704 = vector.shape_cast %get3A_703 : vector<1x16xf32> to vector<16xf32>
        %add3A_705 = arith.addf %get3A_644, %get3A_676 : vector<16xf32>
        %mul3A_706 = arith.mulf %gather3A_640, %sub3A : vector<16xf32>
        %add3A_707 = arith.addf %get3A_278, %mul3A_706 : vector<16xf32>
        %add3A_708 = arith.addf %add3A_705, %add3A_707 : vector<16xf32>
        %swap3A = arith.index_cast %add3A_630 : i32 to index
        %swap3A_709 = arith.constant 0 : index
        %swap3A_710 = tpu.vector_load %arg10[%swap3A, %swap3A_709] {strides = array<i32>} : memref<256x128xf32, #tpu.memory_space<vmem>>, vector<1x16xf32>,
        %swap3A_711 = vector.shape_cast %swap3A_710 : vector<1x16xf32> to vector<16xf32>
        %swap3A_712 = vector.shape_cast %add3A_708 : vector<16xf32> to vector<1x16xf32>
        tpu.vector_store %arg10[%swap3A, %swap3A_709], %swap3A_712 {strides = array<i32>} : memref<256x128xf32, #tpu.memory_space<vmem>>, vector<1x16xf32>,
        %add3A_713 = arith.addf %get3A_648, %get3A_680 : vector<16xf32>
        %mul3A_714 = arith.mulf %gather3A_640, %sub3A_324 : vector<16xf32>
        %add3A_715 = arith.addf %get3A_283, %mul3A_714 : vector<16xf32>
        %add3A_716 = arith.addf %add3A_713, %add3A_715 : vector<16xf32>
        %swap3A_717 = arith.index_cast %add3A_630 : i32 to index
        %swap3A_718 = arith.constant 16 : index
        %swap3A_719 = tpu.vector_load %arg10[%swap3A_717, %swap3A_718] {strides = array<i32>} : memref<256x128xf32, #tpu.memory_space<vmem>>, vector<1x16xf32>,
        %swap3A_720 = vector.shape_cast %swap3A_719 : vector<1x16xf32> to vector<16xf32>
        %swap3A_721 = vector.shape_cast %add3A_716 : vector<16xf32> to vector<1x16xf32>
        tpu.vector_store %arg10[%swap3A_717, %swap3A_718], %swap3A_721 {strides = array<i32>} : memref<256x128xf32, #tpu.memory_space<vmem>>, vector<1x16xf32>,
        %add3A_722 = arith.addf %get3A_652, %get3A_684 : vector<16xf32>
        %mul3A_723 = arith.mulf %gather3A_640, %sub3A_330 : vector<16xf32>
        %add3A_724 = arith.addf %get3A_288, %mul3A_723 : vector<16xf32>
        %add3A_725 = arith.addf %add3A_722, %add3A_724 : vector<16xf32>
        %swap3A_726 = arith.index_cast %add3A_630 : i32 to index
        %swap3A_727 = arith.constant 32 : index
        %swap3A_728 = tpu.vector_load %arg10[%swap3A_726, %swap3A_727] {strides = array<i32>} : memref<256x128xf32, #tpu.memory_space<vmem>>, vector<1x16xf32>,
        %swap3A_729 = vector.shape_cast %swap3A_728 : vector<1x16xf32> to vector<16xf32>
        %swap3A_730 = vector.shape_cast %add3A_725 : vector<16xf32> to vector<1x16xf32>
        tpu.vector_store %arg10[%swap3A_726, %swap3A_727], %swap3A_730 {strides = array<i32>} : memref<256x128xf32, #tpu.memory_space<vmem>>, vector<1x16xf32>,
        %add3A_731 = arith.addf %get3A_656, %get3A_688 : vector<16xf32>
        %mul3A_732 = arith.mulf %gather3A_640, %sub3A_336 : vector<16xf32>
        %add3A_733 = arith.addf %get3A_293, %mul3A_732 : vector<16xf32>
        %add3A_734 = arith.addf %add3A_731, %add3A_733 : vector<16xf32>
        %swap3A_735 = arith.index_cast %add3A_630 : i32 to index
        %swap3A_736 = arith.constant 48 : index
        %swap3A_737 = tpu.vector_load %arg10[%swap3A_735, %swap3A_736] {strides = array<i32>} : memref<256x128xf32, #tpu.memory_space<vmem>>, vector<1x16xf32>,
        %swap3A_738 = vector.shape_cast %swap3A_737 : vector<1x16xf32> to vector<16xf32>
        %swap3A_739 = vector.shape_cast %add3A_734 : vector<16xf32> to vector<1x16xf32>
        tpu.vector_store %arg10[%swap3A_735, %swap3A_736], %swap3A_739 {strides = array<i32>} : memref<256x128xf32, #tpu.memory_space<vmem>>, vector<1x16xf32>,
        %add3A_740 = arith.addf %get3A_660, %get3A_692 : vector<16xf32>
        %mul3A_741 = arith.mulf %gather3A_640, %sub3A_342 : vector<16xf32>
        %add3A_742 = arith.addf %get3A_298, %mul3A_741 : vector<16xf32>
        %add3A_743 = arith.addf %add3A_740, %add3A_742 : vector<16xf32>
        %swap3A_744 = arith.index_cast %add3A_630 : i32 to index
        %swap3A_745 = arith.constant 64 : index
        %swap3A_746 = tpu.vector_load %arg10[%swap3A_744, %swap3A_745] {strides = array<i32>} : memref<256x128xf32, #tpu.memory_space<vmem>>, vector<1x16xf32>,
        %swap3A_747 = vector.shape_cast %swap3A_746 : vector<1x16xf32> to vector<16xf32>
        %swap3A_748 = vector.shape_cast %add3A_743 : vector<16xf32> to vector<1x16xf32>
        tpu.vector_store %arg10[%swap3A_744, %swap3A_745], %swap3A_748 {strides = array<i32>} : memref<256x128xf32, #tpu.memory_space<vmem>>, vector<1x16xf32>,
        %add3A_749 = arith.addf %get3A_664, %get3A_696 : vector<16xf32>
        %mul3A_750 = arith.mulf %gather3A_640, %sub3A_348 : vector<16xf32>
        %add3A_751 = arith.addf %get3A_303, %mul3A_750 : vector<16xf32>
        %add3A_752 = arith.addf %add3A_749, %add3A_751 : vector<16xf32>
        %swap3A_753 = arith.index_cast %add3A_630 : i32 to index
        %swap3A_754 = arith.constant 80 : index
        %swap3A_755 = tpu.vector_load %arg10[%swap3A_753, %swap3A_754] {strides = array<i32>} : memref<256x128xf32, #tpu.memory_space<vmem>>, vector<1x16xf32>,
        %swap3A_756 = vector.shape_cast %swap3A_755 : vector<1x16xf32> to vector<16xf32>
        %swap3A_757 = vector.shape_cast %add3A_752 : vector<16xf32> to vector<1x16xf32>
        tpu.vector_store %arg10[%swap3A_753, %swap3A_754], %swap3A_757 {strides = array<i32>} : memref<256x128xf32, #tpu.memory_space<vmem>>, vector<1x16xf32>,
        %add3A_758 = arith.addf %get3A_668, %get3A_700 : vector<16xf32>
        %mul3A_759 = arith.mulf %gather3A_640, %sub3A_354 : vector<16xf32>
        %add3A_760 = arith.addf %get3A_308, %mul3A_759 : vector<16xf32>
        %add3A_761 = arith.addf %add3A_758, %add3A_760 : vector<16xf32>
        %swap3A_762 = arith.index_cast %add3A_630 : i32 to index
        %swap3A_763 = arith.constant 96 : index
        %swap3A_764 = tpu.vector_load %arg10[%swap3A_762, %swap3A_763] {strides = array<i32>} : memref<256x128xf32, #tpu.memory_space<vmem>>, vector<1x16xf32>,
        %swap3A_765 = vector.shape_cast %swap3A_764 : vector<1x16xf32> to vector<16xf32>
        %swap3A_766 = vector.shape_cast %add3A_761 : vector<16xf32> to vector<1x16xf32>
        tpu.vector_store %arg10[%swap3A_762, %swap3A_763], %swap3A_766 {strides = array<i32>} : memref<256x128xf32, #tpu.memory_space<vmem>>, vector<1x16xf32>,
        %add3A_767 = arith.addf %get3A_672, %get3A_704 : vector<16xf32>
        %mul3A_768 = arith.mulf %gather3A_640, %sub3A_360 : vector<16xf32>
        %add3A_769 = arith.addf %get3A_313, %mul3A_768 : vector<16xf32>
        %add3A_770 = arith.addf %add3A_767, %add3A_769 : vector<16xf32>
        %swap3A_771 = arith.index_cast %add3A_630 : i32 to index
        %swap3A_772 = arith.constant 112 : index
        %swap3A_773 = tpu.vector_load %arg10[%swap3A_771, %swap3A_772] {strides = array<i32>} : memref<256x128xf32, #tpu.memory_space<vmem>>, vector<1x16xf32>,
        %swap3A_774 = vector.shape_cast %swap3A_773 : vector<1x16xf32> to vector<16xf32>
        %swap3A_775 = vector.shape_cast %add3A_770 : vector<16xf32> to vector<1x16xf32>
        tpu.vector_store %arg10[%swap3A_771, %swap3A_772], %swap3A_775 {strides = array<i32>} : memref<256x128xf32, #tpu.memory_space<vmem>>, vector<1x16xf32>,
      }
      %scan3A_624 = arith.constant 16 : i32
    }
    %scan3A_487 = arith.constant 4 : i32
    %dma_start3A_488 = arith.constant 1 : i32
    %dma_start3A_489 = arith.constant 64 : i32
    %dma_start3A_490 = arith.constant 0 : i32
    %dma_start3A_491 = tpu.memref_slice %arg10[%dma_start3A_489, %dma_start3A_490] : memref<256x128xf32, #tpu.memory_space<vmem>> -> memref<64x128xf32, #tpu.memory_space<vmem>>
    %dma_start3A_492 = arith.constant 0 : i32
    %dma_start3A_493 = tpu.memref_slice %arg7[%dma_start3A_488, %mul3A_2, %dma_start3A_492] : memref<4x2048x128xf32, #tpu.memory_space<hbm>> -> memref<1x64x128xf32, #tpu.memory_space<hbm>>
    %dma_start3A_494 = tpu.memref_squeeze %dma_start3A_493 : memref<1x64x128xf32, #tpu.memory_space<hbm>> -> memref<64x128xf32, #tpu.memory_space<hbm>>
    %dma_start3A_495 = arith.constant 0 : i32
    %dma_start3A_496 = tpu.memref_slice %arg7[%dma_start3A_488, %mul3A_2, %dma_start3A_495] : memref<4x2048x128xf32, #tpu.memory_space<hbm>> -> memref<1x64x128xf32, #tpu.memory_space<hbm>>
    %dma_start3A_497 = tpu.memref_squeeze %dma_start3A_496 : memref<1x64x128xf32, #tpu.memory_space<hbm>> -> memref<64x128xf32, #tpu.memory_space<hbm>>
    %dma_start3A_498 = arith.constant 64 : i32
    %dma_start3A_499 = arith.constant 0 : i32
    %dma_start3A_500 = tpu.memref_slice %arg10[%dma_start3A_498, %dma_start3A_499] : memref<256x128xf32, #tpu.memory_space<vmem>> -> memref<64x128xf32, #tpu.memory_space<vmem>>
    tpu.enqueue_dma source(%dma_start3A_500 : memref<64x128xf32, #tpu.memory_space<vmem>>) target(%dma_start3A_497 : memref<64x128xf32, #tpu.memory_space<hbm>>) target_semaphore(%arg25 : memref<!tpu.dma_semaphore, #tpu.memory_space<semaphore_mem>>)
    %dma_wait3A_501 = arith.constant 2 : i32
    %dma_wait3A_502 = arith.constant 128 : i32
    %dma_wait3A_503 = arith.constant 0 : i32
    %dma_wait3A_504 = tpu.memref_slice %arg10[%dma_wait3A_502, %dma_wait3A_503] : memref<256x128xf32, #tpu.memory_space<vmem>> -> memref<64x128xf32, #tpu.memory_space<vmem>>
    %dma_wait3A_505 = arith.constant 0 : i32
    %dma_wait3A_506 = tpu.memref_slice %arg8[%dma_wait3A_501, %dma_wait3A_505] : memref<4x64xi32, #tpu.memory_space<vmem>> -> memref<1x64xi32, #tpu.memory_space<vmem>>
    %dma_wait3A_507 = tpu.memref_squeeze %dma_wait3A_506 : memref<1x64xi32, #tpu.memory_space<vmem>> -> memref<64xi32, #tpu.memory_space<vmem>>
    %dma_wait3A_508 = arith.constant 0 : i32
    %dma_wait3A_509 = arith.constant 0 : i32
    %dma_wait3A_510 = tpu.memref_slice %arg4[%dma_wait3A_508, %dma_wait3A_509] : memref<100000x128xf32, #tpu.memory_space<hbm>> -> memref<100000x128xf32, #tpu.memory_space<hbm>>
    tpu.wait_indirect_dma semaphore(%arg15 : memref<!tpu.dma_semaphore, #tpu.memory_space<semaphore_mem>>) src(%dma_wait3A_510 : memref<100000x128xf32, #tpu.memory_space<hbm>>) dst(%dma_wait3A_504 : memref<64x128xf32, #tpu.memory_space<vmem>>)
    %scan3A_511 = arith.constant 0 : i32
    %scan3A_512 = arith.constant 0 : i32
    %scan3A_513 = arith.constant 4 : i32
    %scan3A_514 = arith.addi %scan3A_512, %scan3A_513 : i32
    %scan3A_515 = arith.constant 1 : i32
    scf.for %scan3A_611 = %scan3A_512 to %scan3A_514 step %scan3A_515  : i32 {
      %mul3A_612 = arith.constant 16 : i32
      %mul3A_613 = arith.muli %scan3A_611, %mul3A_612 : i32
      %get3A_614 = arith.constant 2 : i32
      %get3A_615 = arith.index_cast %get3A_614 : i32 to index
      %get3A_616 = arith.index_cast %mul3A_613 : i32 to index
      %get3A_617 = tpu.vector_load %arg9[%get3A_615, %get3A_616] {strides = array<i32>} : memref<4x64xi32, #tpu.memory_space<vmem>>, vector<1x16xi32>,
      %get3A_618 = vector.shape_cast %get3A_617 : vector<1x16xi32> to vector<16xi32>
      %convert_element_type3A_619 = arith.sitofp %get3A_618 : vector<16xi32> to vector<16xf32>
      %scan3A_620 = arith.constant 0 : i32
      %scan3A_621 = arith.constant 16 : i32
      %scan3A_622 = arith.addi %scan3A_620, %scan3A_621 : i32
      %scan3A_623 = arith.constant 1 : i32
      scf.for %scan3A_625 = %scan3A_620 to %scan3A_622 step %scan3A_623  : i32 {
        %mul3A_626 = arith.constant 16 : i32
        %mul3A_627 = arith.muli %scan3A_611, %mul3A_626 : i32
        %add3A_628 = arith.constant 128 : i32
        %add3A_629 = arith.addi %add3A_628, %mul3A_627 : i32
        %add3A_630 = arith.addi %add3A_629, %scan3A_625 : i32
        %mul3A_631 = arith.constant 16 : i32
        %mul3A_632 = arith.muli %scan3A_611, %mul3A_631 : i32
        %add3A_633 = arith.addi %mul3A_632, %scan3A_625 : i32
        %broadcast_in_dim3A = vector.broadcast %scan3A_625 : i32 to vector<16xi32>
        %lt3A = arith.constant 0 : i32
        %lt3A_634 = vector.broadcast %lt3A : i32 to vector<16xi32>
        %lt3A_635 = arith.cmpi slt, %broadcast_in_dim3A, %lt3A_634 : vector<16xi32>
        %add3A_636 = arith.constant 16 : i32
        %add3A_637 = vector.broadcast %add3A_636 : i32 to vector<16xi32>
        %add3A_638 = arith.addi %broadcast_in_dim3A, %add3A_637 : vector<16xi32>
        %select_n3A = arith.select %lt3A_635, %add3A_638, %broadcast_in_dim3A : vector<16xi1>, vector<16xi32>
        %broadcast_in_dim3A_639 = vector.shape_cast %select_n3A : vector<16xi32> to vector<16x1xi32>
        %gather3A = vector.shape_cast %broadcast_in_dim3A_639 : vector<16x1xi32> to vector<16xi32>
        %gather3A_640 = tpu.dynamic_gather %convert_element_type3A_619[%gather3A] in [0] : vector<16xf32>, vector<16xi32> -> vector<16xf32>
        %get3A_641 = arith.index_cast %add3A_630 : i32 to index
        %get3A_642 = arith.constant 0 : index
        %get3A_643 = tpu.vector_load %arg10[%get3A_641, %get3A_642] {strides = array<i32>} : memref<256x128xf32, #tpu.memory_space<vmem>>, vector<1x16xf32>,
        %get3A_644 = vector.shape_cast %get3A_643 : vector<1x16xf32> to vector<16xf32>
        %get3A_645 = arith.index_cast %add3A_630 : i32 to index
        %get3A_646 = arith.constant 16 : index
        %get3A_647 = tpu.vector_load %arg10[%get3A_645, %get3A_646] {strides = array<i32>} : memref<256x128xf32, #tpu.memory_space<vmem>>, vector<1x16xf32>,
        %get3A_648 = vector.shape_cast %get3A_647 : vector<1x16xf32> to vector<16xf32>
        %get3A_649 = arith.index_cast %add3A_630 : i32 to index
        %get3A_650 = arith.constant 32 : index
        %get3A_651 = tpu.vector_load %arg10[%get3A_649, %get3A_650] {strides = array<i32>} : memref<256x128xf32, #tpu.memory_space<vmem>>, vector<1x16xf32>,
        %get3A_652 = vector.shape_cast %get3A_651 : vector<1x16xf32> to vector<16xf32>
        %get3A_653 = arith.index_cast %add3A_630 : i32 to index
        %get3A_654 = arith.constant 48 : index
        %get3A_655 = tpu.vector_load %arg10[%get3A_653, %get3A_654] {strides = array<i32>} : memref<256x128xf32, #tpu.memory_space<vmem>>, vector<1x16xf32>,
        %get3A_656 = vector.shape_cast %get3A_655 : vector<1x16xf32> to vector<16xf32>
        %get3A_657 = arith.index_cast %add3A_630 : i32 to index
        %get3A_658 = arith.constant 64 : index
        %get3A_659 = tpu.vector_load %arg10[%get3A_657, %get3A_658] {strides = array<i32>} : memref<256x128xf32, #tpu.memory_space<vmem>>, vector<1x16xf32>,
        %get3A_660 = vector.shape_cast %get3A_659 : vector<1x16xf32> to vector<16xf32>
        %get3A_661 = arith.index_cast %add3A_630 : i32 to index
        %get3A_662 = arith.constant 80 : index
        %get3A_663 = tpu.vector_load %arg10[%get3A_661, %get3A_662] {strides = array<i32>} : memref<256x128xf32, #tpu.memory_space<vmem>>, vector<1x16xf32>,
        %get3A_664 = vector.shape_cast %get3A_663 : vector<1x16xf32> to vector<16xf32>
        %get3A_665 = arith.index_cast %add3A_630 : i32 to index
        %get3A_666 = arith.constant 96 : index
        %get3A_667 = tpu.vector_load %arg10[%get3A_665, %get3A_666] {strides = array<i32>} : memref<256x128xf32, #tpu.memory_space<vmem>>, vector<1x16xf32>,
        %get3A_668 = vector.shape_cast %get3A_667 : vector<1x16xf32> to vector<16xf32>
        %get3A_669 = arith.index_cast %add3A_630 : i32 to index
        %get3A_670 = arith.constant 112 : index
        %get3A_671 = tpu.vector_load %arg10[%get3A_669, %get3A_670] {strides = array<i32>} : memref<256x128xf32, #tpu.memory_space<vmem>>, vector<1x16xf32>,
        %get3A_672 = vector.shape_cast %get3A_671 : vector<1x16xf32> to vector<16xf32>
        %get3A_673 = arith.index_cast %add3A_633 : i32 to index
        %get3A_674 = arith.constant 0 : index
        %get3A_675 = tpu.vector_load %arg11[%get3A_673, %get3A_674] {strides = array<i32>} : memref<64x128xf32, #tpu.memory_space<vmem>>, vector<1x16xf32>,
        %get3A_676 = vector.shape_cast %get3A_675 : vector<1x16xf32> to vector<16xf32>
        %get3A_677 = arith.index_cast %add3A_633 : i32 to index
        %get3A_678 = arith.constant 16 : index
        %get3A_679 = tpu.vector_load %arg11[%get3A_677, %get3A_678] {strides = array<i32>} : memref<64x128xf32, #tpu.memory_space<vmem>>, vector<1x16xf32>,
        %get3A_680 = vector.shape_cast %get3A_679 : vector<1x16xf32> to vector<16xf32>
        %get3A_681 = arith.index_cast %add3A_633 : i32 to index
        %get3A_682 = arith.constant 32 : index
        %get3A_683 = tpu.vector_load %arg11[%get3A_681, %get3A_682] {strides = array<i32>} : memref<64x128xf32, #tpu.memory_space<vmem>>, vector<1x16xf32>,
        %get3A_684 = vector.shape_cast %get3A_683 : vector<1x16xf32> to vector<16xf32>
        %get3A_685 = arith.index_cast %add3A_633 : i32 to index
        %get3A_686 = arith.constant 48 : index
        %get3A_687 = tpu.vector_load %arg11[%get3A_685, %get3A_686] {strides = array<i32>} : memref<64x128xf32, #tpu.memory_space<vmem>>, vector<1x16xf32>,
        %get3A_688 = vector.shape_cast %get3A_687 : vector<1x16xf32> to vector<16xf32>
        %get3A_689 = arith.index_cast %add3A_633 : i32 to index
        %get3A_690 = arith.constant 64 : index
        %get3A_691 = tpu.vector_load %arg11[%get3A_689, %get3A_690] {strides = array<i32>} : memref<64x128xf32, #tpu.memory_space<vmem>>, vector<1x16xf32>,
        %get3A_692 = vector.shape_cast %get3A_691 : vector<1x16xf32> to vector<16xf32>
        %get3A_693 = arith.index_cast %add3A_633 : i32 to index
        %get3A_694 = arith.constant 80 : index
        %get3A_695 = tpu.vector_load %arg11[%get3A_693, %get3A_694] {strides = array<i32>} : memref<64x128xf32, #tpu.memory_space<vmem>>, vector<1x16xf32>,
        %get3A_696 = vector.shape_cast %get3A_695 : vector<1x16xf32> to vector<16xf32>
        %get3A_697 = arith.index_cast %add3A_633 : i32 to index
        %get3A_698 = arith.constant 96 : index
        %get3A_699 = tpu.vector_load %arg11[%get3A_697, %get3A_698] {strides = array<i32>} : memref<64x128xf32, #tpu.memory_space<vmem>>, vector<1x16xf32>,
        %get3A_700 = vector.shape_cast %get3A_699 : vector<1x16xf32> to vector<16xf32>
        %get3A_701 = arith.index_cast %add3A_633 : i32 to index
        %get3A_702 = arith.constant 112 : index
        %get3A_703 = tpu.vector_load %arg11[%get3A_701, %get3A_702] {strides = array<i32>} : memref<64x128xf32, #tpu.memory_space<vmem>>, vector<1x16xf32>,
        %get3A_704 = vector.shape_cast %get3A_703 : vector<1x16xf32> to vector<16xf32>
        %add3A_705 = arith.addf %get3A_644, %get3A_676 : vector<16xf32>
        %mul3A_706 = arith.mulf %gather3A_640, %sub3A : vector<16xf32>
        %add3A_707 = arith.addf %get3A_278, %mul3A_706 : vector<16xf32>
        %add3A_708 = arith.addf %add3A_705, %add3A_707 : vector<16xf32>
        %swap3A = arith.index_cast %add3A_630 : i32 to index
        %swap3A_709 = arith.constant 0 : index
        %swap3A_710 = tpu.vector_load %arg10[%swap3A, %swap3A_709] {strides = array<i32>} : memref<256x128xf32, #tpu.memory_space<vmem>>, vector<1x16xf32>,
        %swap3A_711 = vector.shape_cast %swap3A_710 : vector<1x16xf32> to vector<16xf32>
        %swap3A_712 = vector.shape_cast %add3A_708 : vector<16xf32> to vector<1x16xf32>
        tpu.vector_store %arg10[%swap3A, %swap3A_709], %swap3A_712 {strides = array<i32>} : memref<256x128xf32, #tpu.memory_space<vmem>>, vector<1x16xf32>,
        %add3A_713 = arith.addf %get3A_648, %get3A_680 : vector<16xf32>
        %mul3A_714 = arith.mulf %gather3A_640, %sub3A_324 : vector<16xf32>
        %add3A_715 = arith.addf %get3A_283, %mul3A_714 : vector<16xf32>
        %add3A_716 = arith.addf %add3A_713, %add3A_715 : vector<16xf32>
        %swap3A_717 = arith.index_cast %add3A_630 : i32 to index
        %swap3A_718 = arith.constant 16 : index
        %swap3A_719 = tpu.vector_load %arg10[%swap3A_717, %swap3A_718] {strides = array<i32>} : memref<256x128xf32, #tpu.memory_space<vmem>>, vector<1x16xf32>,
        %swap3A_720 = vector.shape_cast %swap3A_719 : vector<1x16xf32> to vector<16xf32>
        %swap3A_721 = vector.shape_cast %add3A_716 : vector<16xf32> to vector<1x16xf32>
        tpu.vector_store %arg10[%swap3A_717, %swap3A_718], %swap3A_721 {strides = array<i32>} : memref<256x128xf32, #tpu.memory_space<vmem>>, vector<1x16xf32>,
        %add3A_722 = arith.addf %get3A_652, %get3A_684 : vector<16xf32>
        %mul3A_723 = arith.mulf %gather3A_640, %sub3A_330 : vector<16xf32>
        %add3A_724 = arith.addf %get3A_288, %mul3A_723 : vector<16xf32>
        %add3A_725 = arith.addf %add3A_722, %add3A_724 : vector<16xf32>
        %swap3A_726 = arith.index_cast %add3A_630 : i32 to index
        %swap3A_727 = arith.constant 32 : index
        %swap3A_728 = tpu.vector_load %arg10[%swap3A_726, %swap3A_727] {strides = array<i32>} : memref<256x128xf32, #tpu.memory_space<vmem>>, vector<1x16xf32>,
        %swap3A_729 = vector.shape_cast %swap3A_728 : vector<1x16xf32> to vector<16xf32>
        %swap3A_730 = vector.shape_cast %add3A_725 : vector<16xf32> to vector<1x16xf32>
        tpu.vector_store %arg10[%swap3A_726, %swap3A_727], %swap3A_730 {strides = array<i32>} : memref<256x128xf32, #tpu.memory_space<vmem>>, vector<1x16xf32>,
        %add3A_731 = arith.addf %get3A_656, %get3A_688 : vector<16xf32>
        %mul3A_732 = arith.mulf %gather3A_640, %sub3A_336 : vector<16xf32>
        %add3A_733 = arith.addf %get3A_293, %mul3A_732 : vector<16xf32>
        %add3A_734 = arith.addf %add3A_731, %add3A_733 : vector<16xf32>
        %swap3A_735 = arith.index_cast %add3A_630 : i32 to index
        %swap3A_736 = arith.constant 48 : index
        %swap3A_737 = tpu.vector_load %arg10[%swap3A_735, %swap3A_736] {strides = array<i32>} : memref<256x128xf32, #tpu.memory_space<vmem>>, vector<1x16xf32>,
        %swap3A_738 = vector.shape_cast %swap3A_737 : vector<1x16xf32> to vector<16xf32>
        %swap3A_739 = vector.shape_cast %add3A_734 : vector<16xf32> to vector<1x16xf32>
        tpu.vector_store %arg10[%swap3A_735, %swap3A_736], %swap3A_739 {strides = array<i32>} : memref<256x128xf32, #tpu.memory_space<vmem>>, vector<1x16xf32>,
        %add3A_740 = arith.addf %get3A_660, %get3A_692 : vector<16xf32>
        %mul3A_741 = arith.mulf %gather3A_640, %sub3A_342 : vector<16xf32>
        %add3A_742 = arith.addf %get3A_298, %mul3A_741 : vector<16xf32>
        %add3A_743 = arith.addf %add3A_740, %add3A_742 : vector<16xf32>
        %swap3A_744 = arith.index_cast %add3A_630 : i32 to index
        %swap3A_745 = arith.constant 64 : index
        %swap3A_746 = tpu.vector_load %arg10[%swap3A_744, %swap3A_745] {strides = array<i32>} : memref<256x128xf32, #tpu.memory_space<vmem>>, vector<1x16xf32>,
        %swap3A_747 = vector.shape_cast %swap3A_746 : vector<1x16xf32> to vector<16xf32>
        %swap3A_748 = vector.shape_cast %add3A_743 : vector<16xf32> to vector<1x16xf32>
        tpu.vector_store %arg10[%swap3A_744, %swap3A_745], %swap3A_748 {strides = array<i32>} : memref<256x128xf32, #tpu.memory_space<vmem>>, vector<1x16xf32>,
        %add3A_749 = arith.addf %get3A_664, %get3A_696 : vector<16xf32>
        %mul3A_750 = arith.mulf %gather3A_640, %sub3A_348 : vector<16xf32>
        %add3A_751 = arith.addf %get3A_303, %mul3A_750 : vector<16xf32>
        %add3A_752 = arith.addf %add3A_749, %add3A_751 : vector<16xf32>
        %swap3A_753 = arith.index_cast %add3A_630 : i32 to index
        %swap3A_754 = arith.constant 80 : index
        %swap3A_755 = tpu.vector_load %arg10[%swap3A_753, %swap3A_754] {strides = array<i32>} : memref<256x128xf32, #tpu.memory_space<vmem>>, vector<1x16xf32>,
        %swap3A_756 = vector.shape_cast %swap3A_755 : vector<1x16xf32> to vector<16xf32>
        %swap3A_757 = vector.shape_cast %add3A_752 : vector<16xf32> to vector<1x16xf32>
        tpu.vector_store %arg10[%swap3A_753, %swap3A_754], %swap3A_757 {strides = array<i32>} : memref<256x128xf32, #tpu.memory_space<vmem>>, vector<1x16xf32>,
        %add3A_758 = arith.addf %get3A_668, %get3A_700 : vector<16xf32>
        %mul3A_759 = arith.mulf %gather3A_640, %sub3A_354 : vector<16xf32>
        %add3A_760 = arith.addf %get3A_308, %mul3A_759 : vector<16xf32>
        %add3A_761 = arith.addf %add3A_758, %add3A_760 : vector<16xf32>
        %swap3A_762 = arith.index_cast %add3A_630 : i32 to index
        %swap3A_763 = arith.constant 96 : index
        %swap3A_764 = tpu.vector_load %arg10[%swap3A_762, %swap3A_763] {strides = array<i32>} : memref<256x128xf32, #tpu.memory_space<vmem>>, vector<1x16xf32>,
        %swap3A_765 = vector.shape_cast %swap3A_764 : vector<1x16xf32> to vector<16xf32>
        %swap3A_766 = vector.shape_cast %add3A_761 : vector<16xf32> to vector<1x16xf32>
        tpu.vector_store %arg10[%swap3A_762, %swap3A_763], %swap3A_766 {strides = array<i32>} : memref<256x128xf32, #tpu.memory_space<vmem>>, vector<1x16xf32>,
        %add3A_767 = arith.addf %get3A_672, %get3A_704 : vector<16xf32>
        %mul3A_768 = arith.mulf %gather3A_640, %sub3A_360 : vector<16xf32>
        %add3A_769 = arith.addf %get3A_313, %mul3A_768 : vector<16xf32>
        %add3A_770 = arith.addf %add3A_767, %add3A_769 : vector<16xf32>
        %swap3A_771 = arith.index_cast %add3A_630 : i32 to index
        %swap3A_772 = arith.constant 112 : index
        %swap3A_773 = tpu.vector_load %arg10[%swap3A_771, %swap3A_772] {strides = array<i32>} : memref<256x128xf32, #tpu.memory_space<vmem>>, vector<1x16xf32>,
        %swap3A_774 = vector.shape_cast %swap3A_773 : vector<1x16xf32> to vector<16xf32>
        %swap3A_775 = vector.shape_cast %add3A_770 : vector<16xf32> to vector<1x16xf32>
        tpu.vector_store %arg10[%swap3A_771, %swap3A_772], %swap3A_775 {strides = array<i32>} : memref<256x128xf32, #tpu.memory_space<vmem>>, vector<1x16xf32>,
      }
      %scan3A_624 = arith.constant 16 : i32
    }
    %scan3A_516 = arith.constant 4 : i32
    %dma_start3A_517 = arith.constant 2 : i32
    %dma_start3A_518 = arith.constant 128 : i32
    %dma_start3A_519 = arith.constant 0 : i32
    %dma_start3A_520 = tpu.memref_slice %arg10[%dma_start3A_518, %dma_start3A_519] : memref<256x128xf32, #tpu.memory_space<vmem>> -> memref<64x128xf32, #tpu.memory_space<vmem>>
    %dma_start3A_521 = arith.constant 0 : i32
    %dma_start3A_522 = tpu.memref_slice %arg7[%dma_start3A_517, %mul3A_2, %dma_start3A_521] : memref<4x2048x128xf32, #tpu.memory_space<hbm>> -> memref<1x64x128xf32, #tpu.memory_space<hbm>>
    %dma_start3A_523 = tpu.memref_squeeze %dma_start3A_522 : memref<1x64x128xf32, #tpu.memory_space<hbm>> -> memref<64x128xf32, #tpu.memory_space<hbm>>
    %dma_start3A_524 = arith.constant 0 : i32
    %dma_start3A_525 = tpu.memref_slice %arg7[%dma_start3A_517, %mul3A_2, %dma_start3A_524] : memref<4x2048x128xf32, #tpu.memory_space<hbm>> -> memref<1x64x128xf32, #tpu.memory_space<hbm>>
    %dma_start3A_526 = tpu.memref_squeeze %dma_start3A_525 : memref<1x64x128xf32, #tpu.memory_space<hbm>> -> memref<64x128xf32, #tpu.memory_space<hbm>>
    %dma_start3A_527 = arith.constant 128 : i32
    %dma_start3A_528 = arith.constant 0 : i32
    %dma_start3A_529 = tpu.memref_slice %arg10[%dma_start3A_527, %dma_start3A_528] : memref<256x128xf32, #tpu.memory_space<vmem>> -> memref<64x128xf32, #tpu.memory_space<vmem>>
    tpu.enqueue_dma source(%dma_start3A_529 : memref<64x128xf32, #tpu.memory_space<vmem>>) target(%dma_start3A_526 : memref<64x128xf32, #tpu.memory_space<hbm>>) target_semaphore(%arg25 : memref<!tpu.dma_semaphore, #tpu.memory_space<semaphore_mem>>)
    %dma_wait3A_530 = arith.constant 3 : i32
    %dma_wait3A_531 = arith.constant 192 : i32
    %dma_wait3A_532 = arith.constant 0 : i32
    %dma_wait3A_533 = tpu.memref_slice %arg10[%dma_wait3A_531, %dma_wait3A_532] : memref<256x128xf32, #tpu.memory_space<vmem>> -> memref<64x128xf32, #tpu.memory_space<vmem>>
    %dma_wait3A_534 = arith.constant 0 : i32
    %dma_wait3A_535 = tpu.memref_slice %arg8[%dma_wait3A_530, %dma_wait3A_534] : memref<4x64xi32, #tpu.memory_space<vmem>> -> memref<1x64xi32, #tpu.memory_space<vmem>>
    %dma_wait3A_536 = tpu.memref_squeeze %dma_wait3A_535 : memref<1x64xi32, #tpu.memory_space<vmem>> -> memref<64xi32, #tpu.memory_space<vmem>>
    %dma_wait3A_537 = arith.constant 0 : i32
    %dma_wait3A_538 = arith.constant 0 : i32
    %dma_wait3A_539 = tpu.memref_slice %arg4[%dma_wait3A_537, %dma_wait3A_538] : memref<100000x128xf32, #tpu.memory_space<hbm>> -> memref<100000x128xf32, #tpu.memory_space<hbm>>
    tpu.wait_indirect_dma semaphore(%arg16 : memref<!tpu.dma_semaphore, #tpu.memory_space<semaphore_mem>>) src(%dma_wait3A_539 : memref<100000x128xf32, #tpu.memory_space<hbm>>) dst(%dma_wait3A_533 : memref<64x128xf32, #tpu.memory_space<vmem>>)
    %scan3A_540 = arith.constant 0 : i32
    %scan3A_541 = arith.constant 0 : i32
    %scan3A_542 = arith.constant 4 : i32
    %scan3A_543 = arith.addi %scan3A_541, %scan3A_542 : i32
    %scan3A_544 = arith.constant 1 : i32
    scf.for %scan3A_611 = %scan3A_541 to %scan3A_543 step %scan3A_544  : i32 {
      %mul3A_612 = arith.constant 16 : i32
      %mul3A_613 = arith.muli %scan3A_611, %mul3A_612 : i32
      %get3A_614 = arith.constant 3 : i32
      %get3A_615 = arith.index_cast %get3A_614 : i32 to index
      %get3A_616 = arith.index_cast %mul3A_613 : i32 to index
      %get3A_617 = tpu.vector_load %arg9[%get3A_615, %get3A_616] {strides = array<i32>} : memref<4x64xi32, #tpu.memory_space<vmem>>, vector<1x16xi32>,
      %get3A_618 = vector.shape_cast %get3A_617 : vector<1x16xi32> to vector<16xi32>
      %convert_element_type3A_619 = arith.sitofp %get3A_618 : vector<16xi32> to vector<16xf32>
      %scan3A_620 = arith.constant 0 : i32
      %scan3A_621 = arith.constant 16 : i32
      %scan3A_622 = arith.addi %scan3A_620, %scan3A_621 : i32
      %scan3A_623 = arith.constant 1 : i32
      scf.for %scan3A_625 = %scan3A_620 to %scan3A_622 step %scan3A_623  : i32 {
        %mul3A_626 = arith.constant 16 : i32
        %mul3A_627 = arith.muli %scan3A_611, %mul3A_626 : i32
        %add3A_628 = arith.constant 192 : i32
        %add3A_629 = arith.addi %add3A_628, %mul3A_627 : i32
        %add3A_630 = arith.addi %add3A_629, %scan3A_625 : i32
        %mul3A_631 = arith.constant 16 : i32
        %mul3A_632 = arith.muli %scan3A_611, %mul3A_631 : i32
        %add3A_633 = arith.addi %mul3A_632, %scan3A_625 : i32
        %broadcast_in_dim3A = vector.broadcast %scan3A_625 : i32 to vector<16xi32>
        %lt3A = arith.constant 0 : i32
        %lt3A_634 = vector.broadcast %lt3A : i32 to vector<16xi32>
        %lt3A_635 = arith.cmpi slt, %broadcast_in_dim3A, %lt3A_634 : vector<16xi32>
        %add3A_636 = arith.constant 16 : i32
        %add3A_637 = vector.broadcast %add3A_636 : i32 to vector<16xi32>
        %add3A_638 = arith.addi %broadcast_in_dim3A, %add3A_637 : vector<16xi32>
        %select_n3A = arith.select %lt3A_635, %add3A_638, %broadcast_in_dim3A : vector<16xi1>, vector<16xi32>
        %broadcast_in_dim3A_639 = vector.shape_cast %select_n3A : vector<16xi32> to vector<16x1xi32>
        %gather3A = vector.shape_cast %broadcast_in_dim3A_639 : vector<16x1xi32> to vector<16xi32>
        %gather3A_640 = tpu.dynamic_gather %convert_element_type3A_619[%gather3A] in [0] : vector<16xf32>, vector<16xi32> -> vector<16xf32>
        %get3A_641 = arith.index_cast %add3A_630 : i32 to index
        %get3A_642 = arith.constant 0 : index
        %get3A_643 = tpu.vector_load %arg10[%get3A_641, %get3A_642] {strides = array<i32>} : memref<256x128xf32, #tpu.memory_space<vmem>>, vector<1x16xf32>,
        %get3A_644 = vector.shape_cast %get3A_643 : vector<1x16xf32> to vector<16xf32>
        %get3A_645 = arith.index_cast %add3A_630 : i32 to index
        %get3A_646 = arith.constant 16 : index
        %get3A_647 = tpu.vector_load %arg10[%get3A_645, %get3A_646] {strides = array<i32>} : memref<256x128xf32, #tpu.memory_space<vmem>>, vector<1x16xf32>,
        %get3A_648 = vector.shape_cast %get3A_647 : vector<1x16xf32> to vector<16xf32>
        %get3A_649 = arith.index_cast %add3A_630 : i32 to index
        %get3A_650 = arith.constant 32 : index
        %get3A_651 = tpu.vector_load %arg10[%get3A_649, %get3A_650] {strides = array<i32>} : memref<256x128xf32, #tpu.memory_space<vmem>>, vector<1x16xf32>,
        %get3A_652 = vector.shape_cast %get3A_651 : vector<1x16xf32> to vector<16xf32>
        %get3A_653 = arith.index_cast %add3A_630 : i32 to index
        %get3A_654 = arith.constant 48 : index
        %get3A_655 = tpu.vector_load %arg10[%get3A_653, %get3A_654] {strides = array<i32>} : memref<256x128xf32, #tpu.memory_space<vmem>>, vector<1x16xf32>,
        %get3A_656 = vector.shape_cast %get3A_655 : vector<1x16xf32> to vector<16xf32>
        %get3A_657 = arith.index_cast %add3A_630 : i32 to index
        %get3A_658 = arith.constant 64 : index
        %get3A_659 = tpu.vector_load %arg10[%get3A_657, %get3A_658] {strides = array<i32>} : memref<256x128xf32, #tpu.memory_space<vmem>>, vector<1x16xf32>,
        %get3A_660 = vector.shape_cast %get3A_659 : vector<1x16xf32> to vector<16xf32>
        %get3A_661 = arith.index_cast %add3A_630 : i32 to index
        %get3A_662 = arith.constant 80 : index
        %get3A_663 = tpu.vector_load %arg10[%get3A_661, %get3A_662] {strides = array<i32>} : memref<256x128xf32, #tpu.memory_space<vmem>>, vector<1x16xf32>,
        %get3A_664 = vector.shape_cast %get3A_663 : vector<1x16xf32> to vector<16xf32>
        %get3A_665 = arith.index_cast %add3A_630 : i32 to index
        %get3A_666 = arith.constant 96 : index
        %get3A_667 = tpu.vector_load %arg10[%get3A_665, %get3A_666] {strides = array<i32>} : memref<256x128xf32, #tpu.memory_space<vmem>>, vector<1x16xf32>,
        %get3A_668 = vector.shape_cast %get3A_667 : vector<1x16xf32> to vector<16xf32>
        %get3A_669 = arith.index_cast %add3A_630 : i32 to index
        %get3A_670 = arith.constant 112 : index
        %get3A_671 = tpu.vector_load %arg10[%get3A_669, %get3A_670] {strides = array<i32>} : memref<256x128xf32, #tpu.memory_space<vmem>>, vector<1x16xf32>,
        %get3A_672 = vector.shape_cast %get3A_671 : vector<1x16xf32> to vector<16xf32>
        %get3A_673 = arith.index_cast %add3A_633 : i32 to index
        %get3A_674 = arith.constant 0 : index
        %get3A_675 = tpu.vector_load %arg11[%get3A_673, %get3A_674] {strides = array<i32>} : memref<64x128xf32, #tpu.memory_space<vmem>>, vector<1x16xf32>,
        %get3A_676 = vector.shape_cast %get3A_675 : vector<1x16xf32> to vector<16xf32>
        %get3A_677 = arith.index_cast %add3A_633 : i32 to index
        %get3A_678 = arith.constant 16 : index
        %get3A_679 = tpu.vector_load %arg11[%get3A_677, %get3A_678] {strides = array<i32>} : memref<64x128xf32, #tpu.memory_space<vmem>>, vector<1x16xf32>,
        %get3A_680 = vector.shape_cast %get3A_679 : vector<1x16xf32> to vector<16xf32>
        %get3A_681 = arith.index_cast %add3A_633 : i32 to index
        %get3A_682 = arith.constant 32 : index
        %get3A_683 = tpu.vector_load %arg11[%get3A_681, %get3A_682] {strides = array<i32>} : memref<64x128xf32, #tpu.memory_space<vmem>>, vector<1x16xf32>,
        %get3A_684 = vector.shape_cast %get3A_683 : vector<1x16xf32> to vector<16xf32>
        %get3A_685 = arith.index_cast %add3A_633 : i32 to index
        %get3A_686 = arith.constant 48 : index
        %get3A_687 = tpu.vector_load %arg11[%get3A_685, %get3A_686] {strides = array<i32>} : memref<64x128xf32, #tpu.memory_space<vmem>>, vector<1x16xf32>,
        %get3A_688 = vector.shape_cast %get3A_687 : vector<1x16xf32> to vector<16xf32>
        %get3A_689 = arith.index_cast %add3A_633 : i32 to index
        %get3A_690 = arith.constant 64 : index
        %get3A_691 = tpu.vector_load %arg11[%get3A_689, %get3A_690] {strides = array<i32>} : memref<64x128xf32, #tpu.memory_space<vmem>>, vector<1x16xf32>,
        %get3A_692 = vector.shape_cast %get3A_691 : vector<1x16xf32> to vector<16xf32>
        %get3A_693 = arith.index_cast %add3A_633 : i32 to index
        %get3A_694 = arith.constant 80 : index
        %get3A_695 = tpu.vector_load %arg11[%get3A_693, %get3A_694] {strides = array<i32>} : memref<64x128xf32, #tpu.memory_space<vmem>>, vector<1x16xf32>,
        %get3A_696 = vector.shape_cast %get3A_695 : vector<1x16xf32> to vector<16xf32>
        %get3A_697 = arith.index_cast %add3A_633 : i32 to index
        %get3A_698 = arith.constant 96 : index
        %get3A_699 = tpu.vector_load %arg11[%get3A_697, %get3A_698] {strides = array<i32>} : memref<64x128xf32, #tpu.memory_space<vmem>>, vector<1x16xf32>,
        %get3A_700 = vector.shape_cast %get3A_699 : vector<1x16xf32> to vector<16xf32>
        %get3A_701 = arith.index_cast %add3A_633 : i32 to index
        %get3A_702 = arith.constant 112 : index
        %get3A_703 = tpu.vector_load %arg11[%get3A_701, %get3A_702] {strides = array<i32>} : memref<64x128xf32, #tpu.memory_space<vmem>>, vector<1x16xf32>,
        %get3A_704 = vector.shape_cast %get3A_703 : vector<1x16xf32> to vector<16xf32>
        %add3A_705 = arith.addf %get3A_644, %get3A_676 : vector<16xf32>
        %mul3A_706 = arith.mulf %gather3A_640, %sub3A : vector<16xf32>
        %add3A_707 = arith.addf %get3A_278, %mul3A_706 : vector<16xf32>
        %add3A_708 = arith.addf %add3A_705, %add3A_707 : vector<16xf32>
        %swap3A = arith.index_cast %add3A_630 : i32 to index
        %swap3A_709 = arith.constant 0 : index
        %swap3A_710 = tpu.vector_load %arg10[%swap3A, %swap3A_709] {strides = array<i32>} : memref<256x128xf32, #tpu.memory_space<vmem>>, vector<1x16xf32>,
        %swap3A_711 = vector.shape_cast %swap3A_710 : vector<1x16xf32> to vector<16xf32>
        %swap3A_712 = vector.shape_cast %add3A_708 : vector<16xf32> to vector<1x16xf32>
        tpu.vector_store %arg10[%swap3A, %swap3A_709], %swap3A_712 {strides = array<i32>} : memref<256x128xf32, #tpu.memory_space<vmem>>, vector<1x16xf32>,
        %add3A_713 = arith.addf %get3A_648, %get3A_680 : vector<16xf32>
        %mul3A_714 = arith.mulf %gather3A_640, %sub3A_324 : vector<16xf32>
        %add3A_715 = arith.addf %get3A_283, %mul3A_714 : vector<16xf32>
        %add3A_716 = arith.addf %add3A_713, %add3A_715 : vector<16xf32>
        %swap3A_717 = arith.index_cast %add3A_630 : i32 to index
        %swap3A_718 = arith.constant 16 : index
        %swap3A_719 = tpu.vector_load %arg10[%swap3A_717, %swap3A_718] {strides = array<i32>} : memref<256x128xf32, #tpu.memory_space<vmem>>, vector<1x16xf32>,
        %swap3A_720 = vector.shape_cast %swap3A_719 : vector<1x16xf32> to vector<16xf32>
        %swap3A_721 = vector.shape_cast %add3A_716 : vector<16xf32> to vector<1x16xf32>
        tpu.vector_store %arg10[%swap3A_717, %swap3A_718], %swap3A_721 {strides = array<i32>} : memref<256x128xf32, #tpu.memory_space<vmem>>, vector<1x16xf32>,
        %add3A_722 = arith.addf %get3A_652, %get3A_684 : vector<16xf32>
        %mul3A_723 = arith.mulf %gather3A_640, %sub3A_330 : vector<16xf32>
        %add3A_724 = arith.addf %get3A_288, %mul3A_723 : vector<16xf32>
        %add3A_725 = arith.addf %add3A_722, %add3A_724 : vector<16xf32>
        %swap3A_726 = arith.index_cast %add3A_630 : i32 to index
        %swap3A_727 = arith.constant 32 : index
        %swap3A_728 = tpu.vector_load %arg10[%swap3A_726, %swap3A_727] {strides = array<i32>} : memref<256x128xf32, #tpu.memory_space<vmem>>, vector<1x16xf32>,
        %swap3A_729 = vector.shape_cast %swap3A_728 : vector<1x16xf32> to vector<16xf32>
        %swap3A_730 = vector.shape_cast %add3A_725 : vector<16xf32> to vector<1x16xf32>
        tpu.vector_store %arg10[%swap3A_726, %swap3A_727], %swap3A_730 {strides = array<i32>} : memref<256x128xf32, #tpu.memory_space<vmem>>, vector<1x16xf32>,
        %add3A_731 = arith.addf %get3A_656, %get3A_688 : vector<16xf32>
        %mul3A_732 = arith.mulf %gather3A_640, %sub3A_336 : vector<16xf32>
        %add3A_733 = arith.addf %get3A_293, %mul3A_732 : vector<16xf32>
        %add3A_734 = arith.addf %add3A_731, %add3A_733 : vector<16xf32>
        %swap3A_735 = arith.index_cast %add3A_630 : i32 to index
        %swap3A_736 = arith.constant 48 : index
        %swap3A_737 = tpu.vector_load %arg10[%swap3A_735, %swap3A_736] {strides = array<i32>} : memref<256x128xf32, #tpu.memory_space<vmem>>, vector<1x16xf32>,
        %swap3A_738 = vector.shape_cast %swap3A_737 : vector<1x16xf32> to vector<16xf32>
        %swap3A_739 = vector.shape_cast %add3A_734 : vector<16xf32> to vector<1x16xf32>
        tpu.vector_store %arg10[%swap3A_735, %swap3A_736], %swap3A_739 {strides = array<i32>} : memref<256x128xf32, #tpu.memory_space<vmem>>, vector<1x16xf32>,
        %add3A_740 = arith.addf %get3A_660, %get3A_692 : vector<16xf32>
        %mul3A_741 = arith.mulf %gather3A_640, %sub3A_342 : vector<16xf32>
        %add3A_742 = arith.addf %get3A_298, %mul3A_741 : vector<16xf32>
        %add3A_743 = arith.addf %add3A_740, %add3A_742 : vector<16xf32>
        %swap3A_744 = arith.index_cast %add3A_630 : i32 to index
        %swap3A_745 = arith.constant 64 : index
        %swap3A_746 = tpu.vector_load %arg10[%swap3A_744, %swap3A_745] {strides = array<i32>} : memref<256x128xf32, #tpu.memory_space<vmem>>, vector<1x16xf32>,
        %swap3A_747 = vector.shape_cast %swap3A_746 : vector<1x16xf32> to vector<16xf32>
        %swap3A_748 = vector.shape_cast %add3A_743 : vector<16xf32> to vector<1x16xf32>
        tpu.vector_store %arg10[%swap3A_744, %swap3A_745], %swap3A_748 {strides = array<i32>} : memref<256x128xf32, #tpu.memory_space<vmem>>, vector<1x16xf32>,
        %add3A_749 = arith.addf %get3A_664, %get3A_696 : vector<16xf32>
        %mul3A_750 = arith.mulf %gather3A_640, %sub3A_348 : vector<16xf32>
        %add3A_751 = arith.addf %get3A_303, %mul3A_750 : vector<16xf32>
        %add3A_752 = arith.addf %add3A_749, %add3A_751 : vector<16xf32>
        %swap3A_753 = arith.index_cast %add3A_630 : i32 to index
        %swap3A_754 = arith.constant 80 : index
        %swap3A_755 = tpu.vector_load %arg10[%swap3A_753, %swap3A_754] {strides = array<i32>} : memref<256x128xf32, #tpu.memory_space<vmem>>, vector<1x16xf32>,
        %swap3A_756 = vector.shape_cast %swap3A_755 : vector<1x16xf32> to vector<16xf32>
        %swap3A_757 = vector.shape_cast %add3A_752 : vector<16xf32> to vector<1x16xf32>
        tpu.vector_store %arg10[%swap3A_753, %swap3A_754], %swap3A_757 {strides = array<i32>} : memref<256x128xf32, #tpu.memory_space<vmem>>, vector<1x16xf32>,
        %add3A_758 = arith.addf %get3A_668, %get3A_700 : vector<16xf32>
        %mul3A_759 = arith.mulf %gather3A_640, %sub3A_354 : vector<16xf32>
        %add3A_760 = arith.addf %get3A_308, %mul3A_759 : vector<16xf32>
        %add3A_761 = arith.addf %add3A_758, %add3A_760 : vector<16xf32>
        %swap3A_762 = arith.index_cast %add3A_630 : i32 to index
        %swap3A_763 = arith.constant 96 : index
        %swap3A_764 = tpu.vector_load %arg10[%swap3A_762, %swap3A_763] {strides = array<i32>} : memref<256x128xf32, #tpu.memory_space<vmem>>, vector<1x16xf32>,
        %swap3A_765 = vector.shape_cast %swap3A_764 : vector<1x16xf32> to vector<16xf32>
        %swap3A_766 = vector.shape_cast %add3A_761 : vector<16xf32> to vector<1x16xf32>
        tpu.vector_store %arg10[%swap3A_762, %swap3A_763], %swap3A_766 {strides = array<i32>} : memref<256x128xf32, #tpu.memory_space<vmem>>, vector<1x16xf32>,
        %add3A_767 = arith.addf %get3A_672, %get3A_704 : vector<16xf32>
        %mul3A_768 = arith.mulf %gather3A_640, %sub3A_360 : vector<16xf32>
        %add3A_769 = arith.addf %get3A_313, %mul3A_768 : vector<16xf32>
        %add3A_770 = arith.addf %add3A_767, %add3A_769 : vector<16xf32>
        %swap3A_771 = arith.index_cast %add3A_630 : i32 to index
        %swap3A_772 = arith.constant 112 : index
        %swap3A_773 = tpu.vector_load %arg10[%swap3A_771, %swap3A_772] {strides = array<i32>} : memref<256x128xf32, #tpu.memory_space<vmem>>, vector<1x16xf32>,
        %swap3A_774 = vector.shape_cast %swap3A_773 : vector<1x16xf32> to vector<16xf32>
        %swap3A_775 = vector.shape_cast %add3A_770 : vector<16xf32> to vector<1x16xf32>
        tpu.vector_store %arg10[%swap3A_771, %swap3A_772], %swap3A_775 {strides = array<i32>} : memref<256x128xf32, #tpu.memory_space<vmem>>, vector<1x16xf32>,
      }
      %scan3A_624 = arith.constant 16 : i32
    }
    %scan3A_545 = arith.constant 4 : i32
    %dma_start3A_546 = arith.constant 3 : i32
    %dma_start3A_547 = arith.constant 192 : i32
    %dma_start3A_548 = arith.constant 0 : i32
    %dma_start3A_549 = tpu.memref_slice %arg10[%dma_start3A_547, %dma_start3A_548] : memref<256x128xf32, #tpu.memory_space<vmem>> -> memref<64x128xf32, #tpu.memory_space<vmem>>
    %dma_start3A_550 = arith.constant 0 : i32
    %dma_start3A_551 = tpu.memref_slice %arg7[%dma_start3A_546, %mul3A_2, %dma_start3A_550] : memref<4x2048x128xf32, #tpu.memory_space<hbm>> -> memref<1x64x128xf32, #tpu.memory_space<hbm>>
    %dma_start3A_552 = tpu.memref_squeeze %dma_start3A_551 : memref<1x64x128xf32, #tpu.memory_space<hbm>> -> memref<64x128xf32, #tpu.memory_space<hbm>>
    %dma_start3A_553 = arith.constant 0 : i32
    %dma_start3A_554 = tpu.memref_slice %arg7[%dma_start3A_546, %mul3A_2, %dma_start3A_553] : memref<4x2048x128xf32, #tpu.memory_space<hbm>> -> memref<1x64x128xf32, #tpu.memory_space<hbm>>
    %dma_start3A_555 = tpu.memref_squeeze %dma_start3A_554 : memref<1x64x128xf32, #tpu.memory_space<hbm>> -> memref<64x128xf32, #tpu.memory_space<hbm>>
    %dma_start3A_556 = arith.constant 192 : i32
    %dma_start3A_557 = arith.constant 0 : i32
    %dma_start3A_558 = tpu.memref_slice %arg10[%dma_start3A_556, %dma_start3A_557] : memref<256x128xf32, #tpu.memory_space<vmem>> -> memref<64x128xf32, #tpu.memory_space<vmem>>
    tpu.enqueue_dma source(%dma_start3A_558 : memref<64x128xf32, #tpu.memory_space<vmem>>) target(%dma_start3A_555 : memref<64x128xf32, #tpu.memory_space<hbm>>) target_semaphore(%arg25 : memref<!tpu.dma_semaphore, #tpu.memory_space<semaphore_mem>>)
    %dma_wait3A_559 = arith.constant 0 : i32
    %dma_wait3A_560 = arith.constant 0 : i32
    %dma_wait3A_561 = arith.constant 0 : i32
    %dma_wait3A_562 = tpu.memref_slice %arg10[%dma_wait3A_560, %dma_wait3A_561] : memref<256x128xf32, #tpu.memory_space<vmem>> -> memref<64x128xf32, #tpu.memory_space<vmem>>
    %dma_wait3A_563 = arith.constant 0 : i32
    %dma_wait3A_564 = tpu.memref_slice %arg7[%dma_wait3A_559, %mul3A_2, %dma_wait3A_563] : memref<4x2048x128xf32, #tpu.memory_space<hbm>> -> memref<1x64x128xf32, #tpu.memory_space<hbm>>
    %dma_wait3A_565 = tpu.memref_squeeze %dma_wait3A_564 : memref<1x64x128xf32, #tpu.memory_space<hbm>> -> memref<64x128xf32, #tpu.memory_space<hbm>>
    %dma_wait3A_566 = arith.constant 0 : i32
    %dma_wait3A_567 = tpu.memref_slice %arg7[%dma_wait3A_559, %mul3A_2, %dma_wait3A_566] : memref<4x2048x128xf32, #tpu.memory_space<hbm>> -> memref<1x64x128xf32, #tpu.memory_space<hbm>>
    %dma_wait3A_568 = tpu.memref_squeeze %dma_wait3A_567 : memref<1x64x128xf32, #tpu.memory_space<hbm>> -> memref<64x128xf32, #tpu.memory_space<hbm>>
    %dma_wait3A_569 = arith.constant 0 : i32
    %dma_wait3A_570 = arith.constant 0 : i32
    %dma_wait3A_571 = tpu.memref_slice %arg10[%dma_wait3A_569, %dma_wait3A_570] : memref<256x128xf32, #tpu.memory_space<vmem>> -> memref<64x128xf32, #tpu.memory_space<vmem>>
    tpu.wait_dma2 semaphore(%arg25 : memref<!tpu.dma_semaphore, #tpu.memory_space<semaphore_mem>>) src(%dma_wait3A_571 : memref<64x128xf32, #tpu.memory_space<vmem>>) dst(%dma_wait3A_568 : memref<64x128xf32, #tpu.memory_space<hbm>>)
    %dma_wait3A_572 = arith.constant 1 : i32
    %dma_wait3A_573 = arith.constant 64 : i32
    %dma_wait3A_574 = arith.constant 0 : i32
    %dma_wait3A_575 = tpu.memref_slice %arg10[%dma_wait3A_573, %dma_wait3A_574] : memref<256x128xf32, #tpu.memory_space<vmem>> -> memref<64x128xf32, #tpu.memory_space<vmem>>
    %dma_wait3A_576 = arith.constant 0 : i32
    %dma_wait3A_577 = tpu.memref_slice %arg7[%dma_wait3A_572, %mul3A_2, %dma_wait3A_576] : memref<4x2048x128xf32, #tpu.memory_space<hbm>> -> memref<1x64x128xf32, #tpu.memory_space<hbm>>
    %dma_wait3A_578 = tpu.memref_squeeze %dma_wait3A_577 : memref<1x64x128xf32, #tpu.memory_space<hbm>> -> memref<64x128xf32, #tpu.memory_space<hbm>>
    %dma_wait3A_579 = arith.constant 0 : i32
    %dma_wait3A_580 = tpu.memref_slice %arg7[%dma_wait3A_572, %mul3A_2, %dma_wait3A_579] : memref<4x2048x128xf32, #tpu.memory_space<hbm>> -> memref<1x64x128xf32, #tpu.memory_space<hbm>>
    %dma_wait3A_581 = tpu.memref_squeeze %dma_wait3A_580 : memref<1x64x128xf32, #tpu.memory_space<hbm>> -> memref<64x128xf32, #tpu.memory_space<hbm>>
    %dma_wait3A_582 = arith.constant 64 : i32
    %dma_wait3A_583 = arith.constant 0 : i32
    %dma_wait3A_584 = tpu.memref_slice %arg10[%dma_wait3A_582, %dma_wait3A_583] : memref<256x128xf32, #tpu.memory_space<vmem>> -> memref<64x128xf32, #tpu.memory_space<vmem>>
    tpu.wait_dma2 semaphore(%arg25 : memref<!tpu.dma_semaphore, #tpu.memory_space<semaphore_mem>>) src(%dma_wait3A_584 : memref<64x128xf32, #tpu.memory_space<vmem>>) dst(%dma_wait3A_581 : memref<64x128xf32, #tpu.memory_space<hbm>>)
    %dma_wait3A_585 = arith.constant 2 : i32
    %dma_wait3A_586 = arith.constant 128 : i32
    %dma_wait3A_587 = arith.constant 0 : i32
    %dma_wait3A_588 = tpu.memref_slice %arg10[%dma_wait3A_586, %dma_wait3A_587] : memref<256x128xf32, #tpu.memory_space<vmem>> -> memref<64x128xf32, #tpu.memory_space<vmem>>
    %dma_wait3A_589 = arith.constant 0 : i32
    %dma_wait3A_590 = tpu.memref_slice %arg7[%dma_wait3A_585, %mul3A_2, %dma_wait3A_589] : memref<4x2048x128xf32, #tpu.memory_space<hbm>> -> memref<1x64x128xf32, #tpu.memory_space<hbm>>
    %dma_wait3A_591 = tpu.memref_squeeze %dma_wait3A_590 : memref<1x64x128xf32, #tpu.memory_space<hbm>> -> memref<64x128xf32, #tpu.memory_space<hbm>>
    %dma_wait3A_592 = arith.constant 0 : i32
    %dma_wait3A_593 = tpu.memref_slice %arg7[%dma_wait3A_585, %mul3A_2, %dma_wait3A_592] : memref<4x2048x128xf32, #tpu.memory_space<hbm>> -> memref<1x64x128xf32, #tpu.memory_space<hbm>>
    %dma_wait3A_594 = tpu.memref_squeeze %dma_wait3A_593 : memref<1x64x128xf32, #tpu.memory_space<hbm>> -> memref<64x128xf32, #tpu.memory_space<hbm>>
    %dma_wait3A_595 = arith.constant 128 : i32
    %dma_wait3A_596 = arith.constant 0 : i32
    %dma_wait3A_597 = tpu.memref_slice %arg10[%dma_wait3A_595, %dma_wait3A_596] : memref<256x128xf32, #tpu.memory_space<vmem>> -> memref<64x128xf32, #tpu.memory_space<vmem>>
    tpu.wait_dma2 semaphore(%arg25 : memref<!tpu.dma_semaphore, #tpu.memory_space<semaphore_mem>>) src(%dma_wait3A_597 : memref<64x128xf32, #tpu.memory_space<vmem>>) dst(%dma_wait3A_594 : memref<64x128xf32, #tpu.memory_space<hbm>>)
    %dma_wait3A_598 = arith.constant 3 : i32
    %dma_wait3A_599 = arith.constant 192 : i32
    %dma_wait3A_600 = arith.constant 0 : i32
    %dma_wait3A_601 = tpu.memref_slice %arg10[%dma_wait3A_599, %dma_wait3A_600] : memref<256x128xf32, #tpu.memory_space<vmem>> -> memref<64x128xf32, #tpu.memory_space<vmem>>
    %dma_wait3A_602 = arith.constant 0 : i32
    %dma_wait3A_603 = tpu.memref_slice %arg7[%dma_wait3A_598, %mul3A_2, %dma_wait3A_602] : memref<4x2048x128xf32, #tpu.memory_space<hbm>> -> memref<1x64x128xf32, #tpu.memory_space<hbm>>
    %dma_wait3A_604 = tpu.memref_squeeze %dma_wait3A_603 : memref<1x64x128xf32, #tpu.memory_space<hbm>> -> memref<64x128xf32, #tpu.memory_space<hbm>>
    %dma_wait3A_605 = arith.constant 0 : i32
    %dma_wait3A_606 = tpu.memref_slice %arg7[%dma_wait3A_598, %mul3A_2, %dma_wait3A_605] : memref<4x2048x128xf32, #tpu.memory_space<hbm>> -> memref<1x64x128xf32, #tpu.memory_space<hbm>>
    %dma_wait3A_607 = tpu.memref_squeeze %dma_wait3A_606 : memref<1x64x128xf32, #tpu.memory_space<hbm>> -> memref<64x128xf32, #tpu.memory_space<hbm>>
    %dma_wait3A_608 = arith.constant 192 : i32
    %dma_wait3A_609 = arith.constant 0 : i32
    %dma_wait3A_610 = tpu.memref_slice %arg10[%dma_wait3A_608, %dma_wait3A_609] : memref<256x128xf32, #tpu.memory_space<vmem>> -> memref<64x128xf32, #tpu.memory_space<vmem>>
    tpu.wait_dma2 semaphore(%arg25 : memref<!tpu.dma_semaphore, #tpu.memory_space<semaphore_mem>>) src(%dma_wait3A_610 : memref<64x128xf32, #tpu.memory_space<vmem>>) dst(%dma_wait3A_607 : memref<64x128xf32, #tpu.memory_space<hbm>>)
    return
  }
}

</mosaic_0001>

<sc_bundles>
// kernel: kernel.3.cloned.1.call-start
scs
__scs_entry_jumppad:
0x0: {  	(pc) =	sbr.rel $0x88, $3  }
0x1: {  	(tag) =	ssettag $0x0;
	lr =	simm.s32 $0x1  }
0x2: {  	[smem:$0x3F9C] =	sst lr;
	_ =	strace $0xD0000000  }
0x3: {  	_ = 	snop  }
0x4: {  	_ = 	snop  }
0x5: {  	_ = 	snop  }
0x6: {  	_ = 	snop  }
0x7: {  	_ = 	snop  }
__scs_overlays_trampoline_lowered:
0x8: {  	[smem:$0x3FAB] =	sst s0  }
0x9: {  	[smem:$0x3FAC] =	sst s1  }
0xa: {  	[smem:$0x3FAD] =	sst s2  }
0xb: {  	[smem:$0x3FAE] =	sst s3  }
0xc: {  	[smem:$0x3FAF] =	sst s4  }
0xd: {  	[smem:$0x3FB0] =	sst s5  }
0xe: {  	[smem:$0x3FB1] =	sst s6  }
0xf: {  	[smem:$0x3FB2] =	sst s7  }
0x10: {  	[smem:$0x3FB3] =	sst s8  }
0x11: {  	[smem:$0x3FB4] =	sst s9;
	s0 =	simm.s32 @!p0 $0x0  }
0x12: {  	s1 =	sld [smem:$0x3F9A];
	s0 =	simm.s32 @p0 $0x1  }
0x13: {  	[smem:$0x3FB5] =	sst s0;
	s0 =	simm.s32 @!p1 $0x0  }
0x14: {  	s2 =	sld [smem:$0x3F99];
	s0 =	simm.s32 @p1 $0x1  }
0x15: {  	[smem:$0x3FB6] =	sst s0;
	s0 =	simm.s32 @!p2 $0x0  }
0x16: {  	s3 =	sld [smem:$0x3FDB];
	s0 =	simm.s32 @p2 $0x1  }
0x17: {  	s4 =	simm.s32 $0x1BF5;
	[smem:$0x3FB8] =	sst s0  }
0x18: {  	s0 =	sld [smem:$0x3F9B];
	_ =	swait.ge [sflag:s4], $0x0  }
0x19: {  	s7 =	sld [smem:$0x3F9C]  }
0x1a: {  	s8 =	sadd.s32 $0xFFFFE003, lr  }
0x1b: {  	s9 =	sadd.s32 $0xFFFFFEF7, lr;
	s5 =	simm.s32 $0xFFFFFFFF;
	p2 =	slt.u32 s8, $0xFFFFF086  }
0x1c: {  	p1 =	slt.u32 s9, $0xF7A;
	s5 =	simm.s32 @!p2 $0x0  }
0x1d: {  	s5 =	simm.s32 @p1 $0x1;
	p0 =	seq.s32 s7, s2  }
0x1e: {  	s7 =	smul.u32 @!p0 $0xF7A, s2;
	p2 =	seq.s32 @!p0 s5, $0x0  }
0x1f: {  	s9 =	smul.u32 $0xF7A, s1;
	s8 =	simm.s32 @!p0 $0x1BF5;
	p2 =	por !p2, p0  }
0x20: {  	[sflag:s8] =	ssyncset.s32 @!p0 $0xFFFFF086;
	s6 =	sadd.s32 @!p0 s3, s7;
	s7 =	simm.s32 @!p0 $0x108  }
0x21: {  	s3 =	sadd.s32 s3, s9;
	s6 =	sadd.s32 @!p0 $0x88, s6;
	s7 =	simm.s32 @p2 $0x1082  }
0x22: {  	[simem:s7], [sflag:s8] =	dma.local @!p0 [hbm:s6], $0xF7A  }
0x23: {  	s9 =	sor.u32 $0xD0000000, s2;
	s6 =	simm.s32 $0x108;
	_ =	swait.ge @!p0 [sflag:s8], $0x0  }
0x24: {  	s3 =	sadd.s32 $0x88, s3;
	s6 =	simm.s32 @!p1 $0x1082;
	[sflag:s4] =	ssyncset.s32 $0xFFFFF086  }
0x25: {  	[simem:s6], [sflag:s4] =	dma.local [hbm:s3], $0xF7A  }
0x26: {  	[smem:$0x3F9C] =	sst s1;
	(tag) =	ssettag s2;
	_ =	strace s9  }
0x27: {  	s1 =	sld [smem:$0x3FAC]  }
0x28: {  	s2 =	sld [smem:$0x3FAD]  }
0x29: {  	s4 =	sld [smem:$0x3FAF]  }
0x2a: {  	p0 =	seq.s32 s5, $0x0;
	s5 =	sld [smem:$0x3FB0]  }
0x2b: {  	s6 =	sld [smem:$0x3FB1]  }
0x2c: {  	s7 =	sld [smem:$0x3FB2]  }
0x2d: {  	s3 =	simm.s32 $0x108;
	s8 =	sld [smem:$0x3FB3]  }
0x2e: {  	s3 =	simm.s32 @!p0 $0x1082;
	s9 =	sld [smem:$0x3FB4]  }
0x2f: {  	lr =	sadd.s32 s0, s3;
	s0 =	sld [smem:$0x3FAB]  }
0x30: {  	s3 =	sld [smem:$0x3FAE]  }
0x31: {  	[smem:$0x3FB7] =	sst s10  }
0x32: {  	s10 =	sld [smem:$0x3FB5];
	_ =	sdelay $0x3  }
0x33: {  	p0 =	seq.s32 s10, $0x1;
	s10 =	sld [smem:$0x3FB7];
	_ =	sdelay $0x3  }
0x34: {  	[smem:$0x3FB7] =	sst s10  }
0x35: {  	s10 =	sld [smem:$0x3FB6];
	_ =	sdelay $0x3  }
0x36: {  	p1 =	seq.s32 s10, $0x1;
	s10 =	sld [smem:$0x3FB7];
	_ =	sdelay $0x3  }
0x37: {  	[smem:$0x3FB7] =	sst s10  }
0x38: {  	s10 =	sld [smem:$0x3FB8]  }
0x39: {  	_ = 	snop;
	(pc) =	sbr.ind lr, $3  }
0x3a: {  	_ = 	snop  }
0x3b: {  	_ = 	snop  }
0x3c: {  	p2 =	seq.s32 s10, $0x1;
	s10 =	sld [smem:$0x3FB7]  }
0x3d: {  	_ =	shalt  }
0x3e: {  	_ =	shalt  }
0x3f: {  	_ =	shalt  }
0x40: {  	_ =	shalt  }
0x41: {  	_ =	shalt  }
0x42: {  	_ =	shalt  }
0x43: {  	_ =	shalt  }
0x44: {  	_ =	shalt  }
0x45: {  	_ =	shalt  }
0x46: {  	_ =	shalt  }
0x47: {  	_ =	shalt  }
0x48: {  	_ =	shalt  }
0x49: {  	_ =	shalt  }
0x4a: {  	_ =	shalt  }
0x4b: {  	_ =	shalt  }
0x4c: {  	_ =	shalt  }
0x4d: {  	_ =	shalt  }
0x4e: {  	_ =	shalt  }
0x4f: {  	_ =	shalt  }
0x50: {  	_ =	shalt  }
0x51: {  	_ =	shalt  }
0x52: {  	_ =	shalt  }
0x53: {  	_ =	shalt  }
0x54: {  	_ =	shalt  }
0x55: {  	_ =	shalt  }
0x56: {  	_ =	shalt  }
0x57: {  	_ =	shalt  }
0x58: {  	_ =	shalt  }
0x59: {  	_ =	shalt  }
0x5a: {  	_ =	shalt  }
0x5b: {  	_ =	shalt  }
0x5c: {  	_ =	shalt  }
0x5d: {  	_ =	shalt  }
0x5e: {  	_ =	shalt  }
0x5f: {  	_ =	shalt  }
0x60: {  	_ =	shalt  }
0x61: {  	_ =	shalt  }
0x62: {  	_ =	shalt  }
0x63: {  	_ =	shalt  }
0x64: {  	_ =	shalt  }
0x65: {  	_ =	shalt  }
0x66: {  	_ =	shalt  }
0x67: {  	_ =	shalt  }
0x68: {  	_ =	shalt  }
0x69: {  	_ =	shalt  }
0x6a: {  	_ =	shalt  }
0x6b: {  	_ =	shalt  }
0x6c: {  	_ =	shalt  }
0x6d: {  	_ =	shalt  }
0x6e: {  	_ =	shalt  }
0x6f: {  	_ =	shalt  }
0x70: {  	_ =	shalt  }
0x71: {  	_ =	shalt  }
0x72: {  	_ =	shalt  }
0x73: {  	_ =	shalt  }
0x74: {  	_ =	shalt  }
0x75: {  	_ =	shalt  }
0x76: {  	_ =	shalt  }
0x77: {  	_ =	shalt  }
0x78: {  	_ =	shalt  }
0x79: {  	_ =	shalt  }
0x7a: {  	_ =	shalt  }
0x7b: {  	_ =	shalt  }
0x7c: {  	_ =	shalt  }
0x7d: {  	_ =	shalt  }
0x7e: {  	_ =	shalt  }
0x7f: {  	_ =	shalt  }
0x80: {  	_ =	shalt  }
0x81: {  	_ =	shalt  }
0x82: {  	_ =	shalt  }
0x83: {  	_ =	shalt  }
0x84: {  	_ =	shalt  }
0x85: {  	_ =	shalt  }
0x86: {  	_ =	shalt  }
0x87: {  	_ =	shalt  }
.Lfunc_end0:
.L_simem_size_0:
called_computation_lowered:
.L_overlay_start_0:
0x88: {  	s2 =	sld [smem:$0x3FD9]  }
0x89: {  	s3 =	sld [smem:$0x3FFE];
	_ =	sdelay $0x1  }
0x8a: {  	s1 =	srdreg.scid  }
0x8b: {  	s0 =	sand.u32 $0x1, s1  }
0x8c: {  	s18 =	sshll.u32 s0, $0xA;
	s2 =	sadd.s32 s3, s2  }
0x8d: {  	s2 =	sadd.s32 s2, s18  }
0x8e: {  	[smem:$0x3FC3] =	sst s2  }
0x8f: {  	_ = 	snop  }
0x90: {  	s2 =	sld [smem:$0x3FC9]  }
0x91: {  	s19 =	sld [smem:$0x3FC8]  }
0x92: {  	s4 =	sld [smem:$0x3FC7]  }
0x93: {  	s5 =	sld [smem:$0x3FC6]  }
0x94: {  	s6 =	sld [smem:$0x3FC5]  }
0x95: {  	s7 =	sld [smem:$0x3FD0];
	(tm) =	ssettm $0x1  }
0x96: {  	s8 =	sld [smem:$0x3FFB];
	_ =	sdelay $0x3  }
0x97: {  	_ =	strace s8  }
0x98: {  	s8 =	sld [smem:$0x3FFC];
	_ =	sdelay $0x3  }
0x99: {  	_ =	strace s8  }
0x9a: {  	s8 =	sld [smem:$0x3FFD];
	_ =	sdelay $0x3  }
0x9b: {  	_ =	strace s8  }
0x9c: {  	_ =	strace $0x8FFFFFFF  }
0x9d: {  	s20 =	sld [smem:$0x3FDB];
	_ =	sdelay $0x1  }
0x9e: {  	s9 =	simm.s32 $_scs_section_size  }
0x9f: {  	s10 =	simm.s32 $_size__tile_overlayer_lowered;
	s11 =	simm.s32 $_tile_overlayer_lowered  }
0xa0: {  	s23 =	simm.s32 $0x1BFF;
	s22 =	sshll.u32 s11, $0x1;
	s8 =	sadd.s32 s9, s20  }
0xa1: {  	s12 =	simm.s32 $0x0;
	s21 =	sshll.u32 s10, $0x1;
	s10 =	sadd.s32 s22, s8  }
0xa2: {  	[timem:s12], [sflag:s23] =	dma.local [hbm:s10], s21  }
0xa3: {  	_ =	swait.ge [sflag:s23], s21  }
0xa4: {  	s9 =	ssub.s32 $0x0, s21;
	[sflag:s23] =	ssyncset.done $0x0  }
0xa5: {  	[sflag:s23] =	ssyncadd.s32 s9;
	_ =	sdelay $0x1  }
0xa6: {  	s24 =	simm.s32 $0x1B8B  }
0xa7: {  	_ =	swait.ge [sflag:s24], $0x1  }
0xa8: {  	[sflag:s24] =	ssyncset.done $0x0  }
0xa9: {  	s25 =	simm.s32 $0x1B8E;
	[sflag:s24] =	ssyncadd.s32 $0xFFFFFFFF  }
0xaa: {  	s26 =	simm.s32 $execute0_lowered;
	[smem:$0x3FD2] =	sst s25  }
0xab: {  	s9 =	sshll.u32 s26, $0x1;
	_ =	strace $0x80000046;
	[dreg:$0x1] =	wrdreg $0xFFFFFFFF  }
0xac: {  	s28 =	simm.s32 $_size_execute0_lowered;
	s8 =	sadd.s32 s8, s9;
	[dreg:$0x0] =	wrdreg $0x0  }
0xad: {  	s9 =	sshll.u32 s28, $0x1;
	[dreg:$0x2] =	wrdreg s8  }
0xae: {  	[dreg:$0x3] =	wrdreg s9  }
0xaf: {  	[dreg:$0x4] =	wrdreg $0xC0  }
0xb0: {  	_ =	task [dreg:s12], $0x5FFFF  }
0xb1: {  	[dreg:$0x1] =	wrdreg $0xFFFFFFFF  }
0xb2: {  	[dreg:$0x0] =	wrdreg $0x60  }
0xb3: {  	[dreg:$0x2] =	wrdreg s2  }
0xb4: {  	[dreg:$0x3] =	wrdreg s19  }
0xb5: {  	[dreg:$0x4] =	wrdreg s4  }
0xb6: {  	[dreg:$0x5] =	wrdreg s5  }
0xb7: {  	[dreg:$0x6] =	wrdreg s6  }
0xb8: {  	[dreg:$0x7] =	wrdreg s7  }
0xb9: {  	[dreg:$0x8] =	wrdreg $0x9  }
0xba: {  	_ =	task.clear_ibuf [dreg:s12], $0x9FFFF;
	_ =	strace $0x90000046  }
0xbb: {  	s29 =	simm.s32 $0x9;
	_ =	strace $0x80000048  }
0xbc: {  	_ =	swait.ge [sflag:s29], $0x1  }
0xbd: {  	[sflag:s29] =	ssyncadd.s32 $0xFFFFFFFF  }
0xbe: {  	_ =	strace $0x90000048  }
0xbf: {  	_ =	sfence  }
0xc0: {  	s30 =	sld [smem:$0x0];
	_ =	sdelay $0x2  }
0xc1: {  	s31 =	sshll.u32 s1, $0xD;
	s1 =	sshrl.u32 s1, $0x2  }
0xc2: {  	s3 =	sand.u32 $0x4000, s31;
	s1 =	sadd.s32 s1, s30  }
0xc3: {  	s0 =	sor.u32 s3, s0;
	s1 =	sshll.u32 s1, $0x11  }
0xc4: {  	s0 =	sor.u32 s1, s0  }
0xc5: {  	s0 =	sadd.s32 $0x8F2B, s0  }
0xc6: {  	[sflag:s0] =	ssyncadd.remote.s32 $0x1  }
0xc7: {  	_ =	sfence.sel $0xFFFF  }
0xc8: {  	[dreg:$0x0] =	wrdreg $0xFFFFFFFF;
	(pc) =	sbr.abs _section_cstart, $3  }
0xc9: {  	[dreg:$0x1] =	wrdreg $0xFFFFFFFF  }
0xca: {  	_ =	task.clear_ibuf [dreg:s12], $0x2FFFF;
	_ =	strace $0x9FFFFFFF  }
0xcb: {  	(tm) =	ssettm $0x7FFFFFFF  }
tec
execute0_lowered:
.L_overlay_start_1:
0x0: {  	(tag) =	ssettag $0x1  }
0x1: {  	s0 =	rddreg [dreg:$0x0]  }
0x2: {  	s2 =	rddreg [dreg:$0x1]  }
0x3: {  	s1 =	rddreg [dreg:$0x2]  }
0x4: {  	s3 =	srdreg.scid;
	s5 =	rddreg [dreg:$0x3]  }
0x5: {  	s4 =	stileid.u32;
	s7 =	rddreg [dreg:$0x5]  }
0x6: {  	s29 =	simm.s32 $0x1;
	s30 =	simm.s32 $0x10;
	s3 =	sand.u32 $0x1, s3  }
0x7: {  	s28 =	simm.s32 $0x4400;
	s4 =	sshll.u32 s4, $0x7;
	s6 =	sshll.u32 s3, $0x6  }
0x8: {  	s3 =	ssub.s32 $0x2, s3;
	s8 =	sor.u32 s6, s4;
	s4 =	simm.s32 $0x0  }
0x9: {  	s11 =	sshrl.u32 s3, $0x1;
	s9 =	sshll.u32 s8, $0x2;
	[smem:$0x7FF] =	sst s4  }
0xa: {  	s3 =	ssub.s32 s3, s11;
	s8 =	sshll.u32 s8, $0x4;
	s10 =	sand.u32 $0x1E00, s9  }
0xb: {  	_ =	strace $0x80000047;
	s20 =	sadd.s32 s5, s8;
	s13 =	sadd.s32 s7, s8  }
0xc: {  	s5 =	simm.s32 $0x2;
	s7 =	simm.s32 $0x4;
	s8 =	simm.s32 $0xD  }
0xd: {  	s10 =	sor.u32 s6, s10;
	s6 =	sor.u32 s6, s9;
	[dreg:$0xb] =	wrdreg s20  }
0xe: {  	s25 =	sadd.s32 $0x8000, s13;
	s26 =	sadd.s32 $0x10000, s13;
	s31 =	sadd.s32 $0x18000, s13  }
0xf: {  	s20 =	simm.s32 $0x7;
	s9 =	simm.s32 $0x0;
	[dreg:$0x10] =	wrdreg s25  }
0x10: {  	s10 =	sshrl.u32 s10, $0x3;
	s6 =	sshrl.u32 s6, $0x3;
	[dreg:$0x11] =	wrdreg s26  }
0x11: {  	[dreg:$0x12] =	wrdreg s31;
	s25 =	simm.s32 $0x40;
	s17 =	sadd.s32 s0, s10  }
0x12: {  	s16 =	sor.u32 $0x10, s10;
	s21 =	sadd.s32 s2, s10;
	[dreg:$0x7] =	wrdreg s17  }
0x13: {  	s19 =	sor.u32 $0x20, s6;
	s18 =	sadd.s32 s0, s16;
	[dreg:$0xc] =	wrdreg s21  }
0x14: {  	s6 =	sor.u32 $0x30, s6;
	s12 =	sadd.s32 s0, s19;
	[dreg:$0x8] =	wrdreg s18  }
0x15: {  	s26 =	simm.s32 $0x2400;
	s0 =	sadd.s32 s0, s6;
	[dreg:$0x9] =	wrdreg s12  }
0x16: {  	s22 =	sadd.s32 s2, s16;
	s23 =	sadd.s32 s2, s19;
	[dreg:$0xa] =	wrdreg s0  }
0x17: {  	s24 =	sadd.s32 s2, s6;
	s16 =	simm.s32 $0x400;
	[dreg:$0xd] =	wrdreg s22  }
0x18: {  	s2 =	simm.s32 $0x6400;
	s19 =	simm.s32 $0x6;
	[dreg:$0xe] =	wrdreg s23  }
0x19: {  	s21 =	simm.s32 $0x8;
	s6 =	simm.s32 $0x3;
	[dreg:$0xf] =	wrdreg s24  }
0x1a: {  	s18 =	smax.u32 s3, $0x1;
	s24 =	simm.s32 $0x9;
	s0 =	simm.s32 $0xA  }
0x1b: {  	s3 =	simm.s32 $0xB;
	s22 =	simm.s32 $0xC;
	s23 =	simm.s32 $0x5  }
.LBB2_1:
0x1c: {  	s10 =	rddreg [dreg:$0x7]  }
0x1d: {  	[tilespmem:s4], [sflag:$0x1] =	stream.linear.gather [hbm4b:s10+s4], $0x40, $0x38;
	[tilespmem:$0xA500] =	vst v63  }
0x1e: {  	s14 =	rddreg [dreg:$0x8];
	s11 =	simm.s32 $0x80  }
0x1f: {  	[tilespmem:s11], [sflag:$0x9] =	stream.linear.gather [hbm4b:s14+s4], $0x40, $0x38;
	[tilespmem:$0xA500] =	vst v63  }
0x20: {  	s15 =	rddreg [dreg:$0x9];
	s12 =	simm.s32 $0x100  }
0x21: {  	[tilespmem:s12], [sflag:$0x9] =	stream.linear.gather [hbm4b:s15+s4], $0x40, $0x38;
	[tilespmem:$0xA500] =	vst v63  }
0x22: {  	s17 =	rddreg [dreg:$0xa];
	s14 =	simm.s32 $0x180  }
0x23: {  	[tilespmem:s14], [sflag:$0x9] =	stream.linear.gather [hbm4b:s17+s4], $0x40, $0x38;
	[tilespmem:$0xA500] =	vst v63  }
0x24: {  	s31 =	rddreg [dreg:$0xb];
	s15 =	simm.s32 $0x8400  }
0x25: {  	[tilespmem:s15], [sflag:$0xC] =	stream.linear.gather [hbm4b:s31+s4], $0x2000, $0x38;
	[tilespmem:$0xA500] =	vst v63  }
0x26: {  	s17 =	rddreg [dreg:$0xc];
	s31 =	simm.s32 $0x200  }
0x27: {  	[tilespmem:s31], [sflag:$0xA] =	stream.linear.gather [hbm4b:s17+s4], $0x40, $0x38;
	[tilespmem:$0xA500] =	vst v63  }
0x28: {  	s17 =	rddreg [dreg:$0xd];
	s31 =	simm.s32 $0x280  }
0x29: {  	[tilespmem:s31], [sflag:$0xA] =	stream.linear.gather [hbm4b:s17+s4], $0x40, $0x38;
	[tilespmem:$0xA500] =	vst v63  }
0x2a: {  	s17 =	rddreg [dreg:$0xe];
	s31 =	simm.s32 $0x300  }
0x2b: {  	[tilespmem:s31], [sflag:$0xA] =	stream.linear.gather [hbm4b:s17+s4], $0x40, $0x38;
	[tilespmem:$0xA500] =	vst v63  }
0x2c: {  	s17 =	rddreg [dreg:$0xf];
	s31 =	simm.s32 $0x380  }
0x2d: {  	[tilespmem:s31], [sflag:$0xA] =	stream.linear.gather [hbm4b:s17+s4], $0x40, $0x38;
	[tilespmem:$0xA500] =	vst v63  }
0x2e: {  	s17 =	rddreg [dreg:$0x4];
	s31 =	simm.s32 $0xA400  }
0x2f: {  	[tilespmem:s31], [sflag:$0xB] =	stream.linear.gather [hbm4b:s17+s4], $0x100, $0x38;
	[tilespmem:$0xA500] =	vst v63  }
0x30: {  	_ =	swait.ge [sflag:s29], $0x40  }
0x31: {  	[sflag:s29] =	ssyncset.done $0x0  }
0x32: {  	[sflag:s29] =	ssyncadd.s32 $0xFFFFFFC0  }
0x33: {  	[tilespmem:s16], [sflag:$0x5] =	stream.indirect.gather [hbm4b:s1+s30], $0x80, s4, s30, $0xb8;
	[tilespmem:$0xA500] =	vst v63  }
0x34: {  	s15 =	simm.s32 $0xC00  }
0x35: {  	[tilespmem:s15], [sflag:$0x6] =	stream.indirect.gather [hbm4b:s1+s30], $0x80, s30, s30, $0xb8;
	[tilespmem:$0xA500] =	vst v63  }
0x36: {  	s17 =	simm.s32 $0x20;
	s31 =	simm.s32 $0x1400  }
0x37: {  	[tilespmem:s31], [sflag:$0x7] =	stream.indirect.gather [hbm4b:s1+s30], $0x80, s17, s30, $0xb8;
	[tilespmem:$0xA500] =	vst v63  }
0x38: {  	s17 =	simm.s32 $0x30;
	s31 =	simm.s32 $0x1C00  }
0x39: {  	[tilespmem:s31], [sflag:$0x8] =	stream.indirect.gather [hbm4b:s1+s30], $0x80, s17, s30, $0xb8;
	[tilespmem:$0xA500] =	vst v63  }
0x3a: {  	_ =	swait.ge [sflag:s24], $0x40  }
0x3b: {  	[sflag:s24] =	ssyncset.done $0x0  }
0x3c: {  	[sflag:s24] =	ssyncadd.s32 $0xFFFFFFC0  }
0x3d: {  	_ =	swait.ge [sflag:s24], $0x40  }
0x3e: {  	[sflag:s24] =	ssyncset.done $0x0  }
0x3f: {  	[sflag:s24] =	ssyncadd.s32 $0xFFFFFFC0  }
0x40: {  	_ =	swait.ge [sflag:s24], $0x40  }
0x41: {  	[sflag:s24] =	ssyncset.done $0x0  }
0x42: {  	[sflag:s24] =	ssyncadd.s32 $0xFFFFFFC0  }
0x43: {  	[tilespmem:s26], [sflag:$0x2] =	stream.indirect.gather [hbm4b:s1+s25], $0x80, s11, s25, $0xb8;
	[tilespmem:$0xA500] =	vst v63  }
0x44: {  	_ = 	snop  }
0x45: {  	[tilespmem:s28], [sflag:$0x3] =	stream.indirect.gather [hbm4b:s1+s25], $0x80, s12, s25, $0xb8;
	[tilespmem:$0xA500] =	vst v63  }
0x46: {  	_ = 	snop  }
0x47: {  	[tilespmem:s2], [sflag:$0x4] =	stream.indirect.gather [hbm4b:s1+s25], $0x80, s14, s25, $0xb8;
	[tilespmem:$0xA500] =	vst v63  }
0x48: {  	_ =	swait.ge [sflag:s0], $0x40  }
0x49: {  	[sflag:s0] =	ssyncset.done $0x0  }
0x4a: {  	[sflag:s0] =	ssyncadd.s32 $0xFFFFFFC0  }
0x4b: {  	_ =	swait.ge [sflag:s0], $0x40  }
0x4c: {  	[sflag:s0] =	ssyncset.done $0x0  }
0x4d: {  	[sflag:s0] =	ssyncadd.s32 $0xFFFFFFC0  }
0x4e: {  	_ =	swait.ge [sflag:s0], $0x40  }
0x4f: {  	[sflag:s0] =	ssyncset.done $0x0  }
0x50: {  	[sflag:s0] =	ssyncadd.s32 $0xFFFFFFC0  }
0x51: {  	_ =	swait.ge [sflag:s0], $0x40  }
0x52: {  	[sflag:s0] =	ssyncset.done $0x0  }
0x53: {  	[sflag:s0] =	ssyncadd.s32 $0xFFFFFFC0  }
0x54: {  	_ =	swait.ge [sflag:s3], $0x100  }
0x55: {  	[sflag:s3] =	ssyncset.done $0x0  }
0x56: {  	[sflag:s3] =	ssyncadd.s32 $0xFFFFFF00  }
0x57: {  	v0 =	vld [tilespmem:$0xA400]  }
0x58: {  	v1 =	vld [tilespmem:$0xA410]  }
0x59: {  	v2 =	vld [tilespmem:$0xA420]  }
0x5a: {  	v3 =	vld [tilespmem:$0xA430]  }
0x5b: {  	v4 =	vld [tilespmem:$0xA440]  }
0x5c: {  	v5 =	vld [tilespmem:$0xA450]  }
0x5d: {  	v6 =	vld [tilespmem:$0xA460]  }
0x5e: {  	v7 =	vld [tilespmem:$0xA470]  }
0x5f: {  	v8 =	vld [tilespmem:$0xA480]  }
0x60: {  	v9 =	vld [tilespmem:$0xA490]  }
0x61: {  	v10 =	vld [tilespmem:$0xA4A0]  }
0x62: {  	v11 =	vld [tilespmem:$0xA4B0]  }
0x63: {  	v12 =	vld [tilespmem:$0xA4C0]  }
0x64: {  	v13 =	vld [tilespmem:$0xA4D0]  }
0x65: {  	v14 =	vld [tilespmem:$0xA4E0]  }
0x66: {  	v15 =	vld [tilespmem:$0xA4F0];
	_ =	swait.ge [sflag:s22], $0x2000  }
0x67: {  	[sflag:s22] =	ssyncset.done $0x0  }
0x68: {  	[sflag:s22] =	ssyncadd.s32 $0xFFFFE000  }
0x69: {  	_ =	swait.ge [sflag:s23], $0x800  }
0x6a: {  	[sflag:s23] =	ssyncset.done $0x0  }
0x6b: {  	[sflag:s23] =	ssyncadd.s32 $0xFFFFF800  }
0x6c: {  	s10 =	simm.s32 $0x440;
	v17 =	vld [tilespmem:$0x200]  }
0x6d: {  	v18 =	vld [tilespmem:s10+$0xFFFFFFC0]  }
0x6e: {  	v16 =	vld [tilespmem:s10+$0xFFFFFFF0]  }
0x6f: {  	v20 =	vld [tilespmem:s10+$0xFFFFFFD0]  }
0x70: {  	v8 =	vsub.f32 v8, v0;
	v9 =	vsub.f32 v9, v1;
	v19 =	vld [tilespmem:s10+$0xFFFFFFE0]  }
0x71: {  	s12 =	simm.s32 $0x8440;
	v10 =	vsub.f32 v10, v2;
	v11 =	vsub.f32 v11, v3;
	v23 =	vld [tilespmem:s10+$0x30];
	v21 =	vcvt.s32.f32 v17  }
0x72: {  	v22 =	vmov s4;
	v12 =	vsub.f32 v12, v4;
	v13 =	vsub.f32 v13, v5;
	v24 =	vld [tilespmem:s12+$0x30]  }
0x73: {  	s11 =	simm.s32 $0x440;
	s14 =	simm.s32 $0x1;
	v14 =	vsub.f32 v14, v6;
	v15 =	vsub.f32 v15, v7;
	v17 =	vld [tilespmem:s10+$0x0];
	v22 =	vperm.xlane v21, v22  }
.LBB2_2:
0x74: {  	p0 =	sne.s32 s14, $0xF;
	v25 =	vld [tilespmem:s10+$0x10]  }
0x75: {  	v26 =	vld [tilespmem:s10+$0x20];
	v27 =	vmul.f32 v22, v8;
	v28 =	vmul.f32 v22, v9  }
0x76: {  	v30 =	vmul.f32 v22, v10;
	v31 =	vmul.f32 v22, v15;
	v29 =	vld [tilespmem:s12+$0xFFFFFFC0]  }
0x77: {  	v33 =	vmul.f32 v22, v11;
	v32 =	vld [tilespmem:s12+$0xFFFFFFD0];
	v27 =	vadd.f32 v27, v0;
	v28 =	vadd.f32 v28, v1  }
0x78: {  	v35 =	vmul.f32 v22, v12;
	v34 =	vld [tilespmem:s12+$0xFFFFFFE0];
	v23 =	vadd.f32 v24, v23;
	v24 =	vadd.f32 v31, v7  }
0x79: {  	v36 =	vmul.f32 v22, v13;
	v30 =	vadd.f32 v30, v2;
	v33 =	vadd.f32 v33, v3;
	v31 =	vld [tilespmem:s12+$0xFFFFFFF0]  }
0x7a: {  	v22 =	vmul.f32 v22, v14;
	v35 =	vadd.f32 v35, v4;
	v37 =	vld [tilespmem:s12+$0x0];
	v23 =	vadd.f32 v23, v24  }
0x7b: {  	v24 =	vld [tilespmem:s12+$0x10];
	v18 =	vadd.f32 v29, v18;
	v29 =	vadd.f32 v36, v5  }
0x7c: {  	v22 =	vadd.f32 v22, v6;
	v36 =	vld [tilespmem:s12+$0x20];
	v20 =	vadd.f32 v32, v20;
	[tilespmem:s10+$0x30] =	vst v23  }
0x7d: {  	v18 =	vadd.f32 v18, v27;
	v19 =	vadd.f32 v34, v19  }
0x7e: {  	v20 =	vadd.f32 v20, v28;
	v16 =	vadd.f32 v31, v16  }
0x7f: {  	s10 =	sadd.s32 $0x80, s10;
	[tilespmem:s11+$0xFFFFFFC0] =	vst v18;
	v19 =	vadd.f32 v19, v30;
	v17 =	vadd.f32 v37, v17  }
0x80: {  	v18 =	vld [tilespmem:s10+$0xFFFFFFC0];
	[tilespmem:s11+$0xFFFFFFD0] =	vst v20;
	v23 =	vadd.f32 v16, v33;
	v24 =	vadd.f32 v24, v25  }
0x81: {  	v16 =	vld [tilespmem:s10+$0xFFFFFFF0];
	[tilespmem:s11+$0xFFFFFFE0] =	vst v19;
	v17 =	vadd.f32 v17, v35;
	v25 =	vadd.f32 v36, v26  }
.Ltmp0:
0x82: {  	v20 =	vld [tilespmem:s10+$0xFFFFFFD0];
	[tilespmem:s11+$0xFFFFFFF0] =	vst v23;
	v23 =	vadd.f32 v24, v29;
	(pc) =	sbr.rel @p0 .LBB2_2-.Ltmp0, $4  }
0x83: {  	v19 =	vld [tilespmem:s10+$0xFFFFFFE0];
	[tilespmem:s11+$0x0] =	vst v17;
	v22 =	vadd.f32 v25, v22  }
0x84: {  	v17 =	vld [tilespmem:s10+$0x0];
	[tilespmem:s11+$0x10] =	vst v23  }
0x85: {  	s12 =	sadd.s32 $0x80, s12;
	v24 =	vmov s14;
	v23 =	vld [tilespmem:s10+$0x30];
	[tilespmem:s11+$0x20] =	vst v22;
	s11 =	smov.u32 s10  }
0x86: {  	s14 =	sadd.s32 $0x1, s14;
	v22 =	vperm.xlane v21, v24;
	v24 =	vld [tilespmem:s12+$0x30]  }
0x87: {  	_ = 	snop  }
0x88: {  	v21 =	vld [tilespmem:s10+$0x10];
	v26 =	vmul.f32 v22, v8  }
0x89: {  	v25 =	vld [tilespmem:s10+$0x20];
	v27 =	vmul.f32 v22, v9;
	v29 =	vmul.f32 v22, v10  }
0x8a: {  	v28 =	vld [tilespmem:s12+$0xFFFFFFC0];
	v30 =	vmul.f32 v22, v15;
	v32 =	vmul.f32 v22, v11  }
0x8b: {  	v31 =	vld [tilespmem:s12+$0xFFFFFFD0];
	v34 =	vmul.f32 v22, v12;
	v26 =	vadd.f32 v26, v0;
	v27 =	vadd.f32 v27, v1  }
0x8c: {  	v33 =	vld [tilespmem:s12+$0xFFFFFFE0];
	v35 =	vmul.f32 v22, v13;
	v29 =	vadd.f32 v29, v2;
	v32 =	vadd.f32 v32, v3  }
0x8d: {  	v61 =	vld [tilespmem:s12+$0xFFFFFFF0];
	v23 =	vadd.f32 v24, v23;
	v24 =	vadd.f32 v30, v7  }
0x8e: {  	v36 =	vld [tilespmem:s12+$0x0];
	v22 =	vmul.f32 v22, v14;
	v34 =	vadd.f32 v34, v4;
	v62 =	vadd.f32 v35, v5  }
0x8f: {  	v18 =	vadd.f32 v28, v18;
	v23 =	vadd.f32 v23, v24;
	v24 =	vld [tilespmem:s12+$0x10]  }
0x90: {  	v63 =	vld [tilespmem:s12+$0x20];
	v22 =	vadd.f32 v22, v6;
	v20 =	vadd.f32 v31, v20  }
0x91: {  	v19 =	vadd.f32 v33, v19;
	v18 =	vadd.f32 v18, v26  }
0x92: {  	v16 =	vadd.f32 v61, v16;
	v20 =	vadd.f32 v20, v27;
	[tilespmem:s10+$0x30] =	vst v23  }
0x93: {  	v17 =	vadd.f32 v36, v17;
	[tilespmem:s11+$0xFFFFFFC0] =	vst v18;
	v18 =	vadd.f32 v19, v29  }
0x94: {  	v16 =	vadd.f32 v16, v32;
	[tilespmem:s11+$0xFFFFFFD0] =	vst v20;
	v19 =	vadd.f32 v24, v21  }
0x95: {  	v17 =	vadd.f32 v17, v34;
	[tilespmem:s11+$0xFFFFFFE0] =	vst v18;
	v18 =	vadd.f32 v63, v25  }
0x96: {  	[tilespmem:s11+$0xFFFFFFF0] =	vst v16;
	v16 =	vadd.f32 v19, v62  }
0x97: {  	[tilespmem:s11+$0x0] =	vst v17;
	v17 =	vadd.f32 v18, v22  }
0x98: {  	[tilespmem:s11+$0x10] =	vst v16  }
0x99: {  	[tilespmem:s11+$0x20] =	vst v17  }
0x9a: {  	_ =	swait.ge [sflag:s19], $0x800  }
0x9b: {  	[sflag:s19] =	ssyncset.done $0x0  }
0x9c: {  	[sflag:s19] =	ssyncadd.s32 $0xFFFFF800  }
0x9d: {  	s11 =	simm.s32 $0xC70;
	v19 =	vld [tilespmem:$0x210]  }
0x9e: {  	v17 =	vld [tilespmem:s11+$0xFFFFFF90]  }
0x9f: {  	v16 =	vld [tilespmem:s11+$0xFFFFFFF0]  }
0xa0: {  	v20 =	vld [tilespmem:s11+$0xFFFFFFA0]  }
0xa1: {  	v18 =	vld [tilespmem:s11+$0xFFFFFFB0]  }
0xa2: {  	s31 =	simm.s32 $0x0;
	s12 =	simm.s32 $0x8C70;
	v23 =	vld [tilespmem:s11+$0x0];
	v21 =	vcvt.s32.f32 v19  }
0xa3: {  	v22 =	vmov s31;
	v24 =	vld [tilespmem:s12+$0x0]  }
0xa4: {  	s14 =	simm.s32 $0x1;
	s10 =	simm.s32 $0xC70;
	v19 =	vld [tilespmem:s11+$0xFFFFFFC0];
	v22 =	vperm.xlane v21, v22  }
.LBB2_4:
0xa5: {  	p0 =	sne.s32 s14, $0xF;
	v25 =	vld [tilespmem:s11+$0xFFFFFFD0]  }
0xa6: {  	v26 =	vld [tilespmem:s11+$0xFFFFFFE0];
	v27 =	vmul.f32 v22, v8;
	v28 =	vmul.f32 v22, v9  }
0xa7: {  	v30 =	vmul.f32 v22, v10;
	v31 =	vmul.f32 v22, v15;
	v29 =	vld [tilespmem:s12+$0xFFFFFF90]  }
0xa8: {  	v33 =	vmul.f32 v22, v11;
	v32 =	vld [tilespmem:s12+$0xFFFFFFA0];
	v27 =	vadd.f32 v27, v0;
	v28 =	vadd.f32 v28, v1  }
0xa9: {  	v35 =	vmul.f32 v22, v12;
	v34 =	vld [tilespmem:s12+$0xFFFFFFB0];
	v23 =	vadd.f32 v24, v23;
	v24 =	vadd.f32 v31, v7  }
0xaa: {  	v36 =	vmul.f32 v22, v13;
	v30 =	vadd.f32 v30, v2;
	v33 =	vadd.f32 v33, v3;
	v31 =	vld [tilespmem:s12+$0xFFFFFFC0]  }
0xab: {  	v22 =	vmul.f32 v22, v14;
	v35 =	vadd.f32 v35, v4;
	v37 =	vld [tilespmem:s12+$0xFFFFFFD0];
	v23 =	vadd.f32 v23, v24  }
0xac: {  	v24 =	vld [tilespmem:s12+$0xFFFFFFE0];
	v17 =	vadd.f32 v29, v17;
	v29 =	vadd.f32 v36, v5  }
0xad: {  	v22 =	vadd.f32 v22, v6;
	v36 =	vld [tilespmem:s12+$0xFFFFFFF0];
	v20 =	vadd.f32 v32, v20;
	[tilespmem:s11+$0x0] =	vst v23  }
0xae: {  	v17 =	vadd.f32 v17, v27;
	v18 =	vadd.f32 v34, v18  }
0xaf: {  	v20 =	vadd.f32 v20, v28;
	v19 =	vadd.f32 v31, v19  }
0xb0: {  	s11 =	sadd.s32 $0x80, s11;
	[tilespmem:s10+$0xFFFFFF90] =	vst v17;
	v18 =	vadd.f32 v18, v30;
	v23 =	vadd.f32 v37, v25  }
0xb1: {  	v17 =	vld [tilespmem:s11+$0xFFFFFF90];
	[tilespmem:s10+$0xFFFFFFA0] =	vst v20;
	v19 =	vadd.f32 v19, v33;
	v24 =	vadd.f32 v24, v26  }
0xb2: {  	[tilespmem:s10+$0xFFFFFFB0] =	vst v18;
	v23 =	vadd.f32 v23, v35;
	v25 =	vadd.f32 v36, v16;
	v16 =	vld [tilespmem:s11+$0xFFFFFFF0]  }
.Ltmp1:
0xb3: {  	v20 =	vld [tilespmem:s11+$0xFFFFFFA0];
	[tilespmem:s10+$0xFFFFFFC0] =	vst v19;
	v24 =	vadd.f32 v24, v29;
	(pc) =	sbr.rel @p0 .LBB2_4-.Ltmp1, $4  }
0xb4: {  	v18 =	vld [tilespmem:s11+$0xFFFFFFB0];
	[tilespmem:s10+$0xFFFFFFD0] =	vst v23;
	v22 =	vadd.f32 v25, v22  }
0xb5: {  	v19 =	vld [tilespmem:s11+$0xFFFFFFC0];
	[tilespmem:s10+$0xFFFFFFE0] =	vst v24  }
0xb6: {  	s12 =	sadd.s32 $0x80, s12;
	v24 =	vmov s14;
	v23 =	vld [tilespmem:s11+$0x0];
	[tilespmem:s10+$0xFFFFFFF0] =	vst v22;
	s10 =	smov.u32 s11  }
0xb7: {  	s14 =	sadd.s32 $0x1, s14;
	v22 =	vperm.xlane v21, v24;
	v24 =	vld [tilespmem:s12+$0x0]  }
0xb8: {  	_ = 	snop  }
0xb9: {  	v21 =	vld [tilespmem:s11+$0xFFFFFFD0];
	v26 =	vmul.f32 v22, v8  }
0xba: {  	v25 =	vld [tilespmem:s11+$0xFFFFFFE0];
	v27 =	vmul.f32 v22, v9;
	v29 =	vmul.f32 v22, v10  }
0xbb: {  	v28 =	vld [tilespmem:s12+$0xFFFFFF90];
	v32 =	vmul.f32 v22, v11;
	v34 =	vmul.f32 v22, v12  }
0xbc: {  	v31 =	vld [tilespmem:s12+$0xFFFFFFA0];
	v35 =	vmul.f32 v22, v13;
	v26 =	vadd.f32 v26, v0;
	v27 =	vadd.f32 v27, v1  }
0xbd: {  	v61 =	vld [tilespmem:s12+$0xFFFFFFC0];
	v30 =	vmul.f32 v22, v15;
	v29 =	vadd.f32 v29, v2;
	v32 =	vadd.f32 v32, v3  }
0xbe: {  	v33 =	vld [tilespmem:s12+$0xFFFFFFB0];
	v22 =	vmul.f32 v22, v14;
	v34 =	vadd.f32 v34, v4;
	v62 =	vadd.f32 v35, v5  }
0xbf: {  	v63 =	vld [tilespmem:s12+$0xFFFFFFF0];
	v23 =	vadd.f32 v24, v23;
	v24 =	vadd.f32 v30, v7  }
0xc0: {  	v36 =	vld [tilespmem:s12+$0xFFFFFFD0];
	v22 =	vadd.f32 v22, v6;
	v17 =	vadd.f32 v28, v17  }
0xc1: {  	v20 =	vadd.f32 v31, v20;
	v23 =	vadd.f32 v23, v24;
	v24 =	vld [tilespmem:s12+$0xFFFFFFE0]  }
0xc2: {  	v19 =	vadd.f32 v61, v19;
	v17 =	vadd.f32 v17, v26  }
0xc3: {  	v18 =	vadd.f32 v33, v18;
	v20 =	vadd.f32 v20, v27;
	[tilespmem:s11+$0x0] =	vst v23  }
0xc4: {  	v16 =	vadd.f32 v63, v16;
	v19 =	vadd.f32 v19, v32;
	[tilespmem:s10+$0xFFFFFF90] =	vst v17  }
0xc5: {  	v17 =	vadd.f32 v18, v29;
	v18 =	vadd.f32 v36, v21;
	[tilespmem:s10+$0xFFFFFFA0] =	vst v20  }
0xc6: {  	v16 =	vadd.f32 v16, v22;
	[tilespmem:s10+$0xFFFFFFC0] =	vst v19;
	v20 =	vadd.f32 v24, v25  }
0xc7: {  	[tilespmem:s10+$0xFFFFFFB0] =	vst v17;
	v17 =	vadd.f32 v18, v34  }
0xc8: {  	[tilespmem:s10+$0xFFFFFFF0] =	vst v16;
	v18 =	vadd.f32 v20, v62  }
0xc9: {  	[tilespmem:s10+$0xFFFFFFD0] =	vst v17  }
0xca: {  	[tilespmem:s10+$0xFFFFFFE0] =	vst v18  }
0xcb: {  	_ =	swait.ge [sflag:s20], $0x800  }
0xcc: {  	[sflag:s20] =	ssyncset.done $0x0  }
0xcd: {  	[sflag:s20] =	ssyncadd.s32 $0xFFFFF800  }
0xce: {  	s11 =	simm.s32 $0x1470;
	v19 =	vld [tilespmem:$0x220]  }
0xcf: {  	v17 =	vld [tilespmem:s11+$0xFFFFFF90]  }
0xd0: {  	v16 =	vld [tilespmem:s11+$0xFFFFFFF0]  }
0xd1: {  	v20 =	vld [tilespmem:s11+$0xFFFFFFA0]  }
0xd2: {  	v18 =	vld [tilespmem:s11+$0xFFFFFFB0]  }
0xd3: {  	s31 =	simm.s32 $0x0;
	s12 =	simm.s32 $0x9470;
	v23 =	vld [tilespmem:s11+$0x0];
	v21 =	vcvt.s32.f32 v19  }
0xd4: {  	v22 =	vmov s31;
	v24 =	vld [tilespmem:s12+$0x0]  }
0xd5: {  	s14 =	simm.s32 $0x1;
	s10 =	simm.s32 $0x1470;
	v19 =	vld [tilespmem:s11+$0xFFFFFFC0];
	v22 =	vperm.xlane v21, v22  }
.LBB2_6:
0xd6: {  	p0 =	sne.s32 s14, $0xF;
	v25 =	vld [tilespmem:s11+$0xFFFFFFD0]  }
0xd7: {  	v26 =	vld [tilespmem:s11+$0xFFFFFFE0];
	v27 =	vmul.f32 v22, v8;
	v28 =	vmul.f32 v22, v9  }
0xd8: {  	v30 =	vmul.f32 v22, v10;
	v31 =	vmul.f32 v22, v15;
	v29 =	vld [tilespmem:s12+$0xFFFFFF90]  }
0xd9: {  	v33 =	vmul.f32 v22, v11;
	v32 =	vld [tilespmem:s12+$0xFFFFFFA0];
	v27 =	vadd.f32 v27, v0;
	v28 =	vadd.f32 v28, v1  }
0xda: {  	v35 =	vmul.f32 v22, v12;
	v34 =	vld [tilespmem:s12+$0xFFFFFFB0];
	v23 =	vadd.f32 v24, v23;
	v24 =	vadd.f32 v31, v7  }
0xdb: {  	v36 =	vmul.f32 v22, v13;
	v30 =	vadd.f32 v30, v2;
	v33 =	vadd.f32 v33, v3;
	v31 =	vld [tilespmem:s12+$0xFFFFFFC0]  }
0xdc: {  	v22 =	vmul.f32 v22, v14;
	v35 =	vadd.f32 v35, v4;
	v37 =	vld [tilespmem:s12+$0xFFFFFFD0];
	v23 =	vadd.f32 v23, v24  }
0xdd: {  	v24 =	vld [tilespmem:s12+$0xFFFFFFE0];
	v17 =	vadd.f32 v29, v17;
	v29 =	vadd.f32 v36, v5  }
0xde: {  	v22 =	vadd.f32 v22, v6;
	v36 =	vld [tilespmem:s12+$0xFFFFFFF0];
	v20 =	vadd.f32 v32, v20;
	[tilespmem:s11+$0x0] =	vst v23  }
0xdf: {  	v17 =	vadd.f32 v17, v27;
	v18 =	vadd.f32 v34, v18  }
0xe0: {  	v20 =	vadd.f32 v20, v28;
	v19 =	vadd.f32 v31, v19  }
0xe1: {  	s11 =	sadd.s32 $0x80, s11;
	[tilespmem:s10+$0xFFFFFF90] =	vst v17;
	v18 =	vadd.f32 v18, v30;
	v23 =	vadd.f32 v37, v25  }
0xe2: {  	v17 =	vld [tilespmem:s11+$0xFFFFFF90];
	[tilespmem:s10+$0xFFFFFFA0] =	vst v20;
	v19 =	vadd.f32 v19, v33;
	v24 =	vadd.f32 v24, v26  }
0xe3: {  	[tilespmem:s10+$0xFFFFFFB0] =	vst v18;
	v23 =	vadd.f32 v23, v35;
	v25 =	vadd.f32 v36, v16;
	v16 =	vld [tilespmem:s11+$0xFFFFFFF0]  }
.Ltmp2:
0xe4: {  	v20 =	vld [tilespmem:s11+$0xFFFFFFA0];
	[tilespmem:s10+$0xFFFFFFC0] =	vst v19;
	v24 =	vadd.f32 v24, v29;
	(pc) =	sbr.rel @p0 .LBB2_6-.Ltmp2, $4  }
0xe5: {  	v18 =	vld [tilespmem:s11+$0xFFFFFFB0];
	[tilespmem:s10+$0xFFFFFFD0] =	vst v23;
	v22 =	vadd.f32 v25, v22  }
0xe6: {  	v19 =	vld [tilespmem:s11+$0xFFFFFFC0];
	[tilespmem:s10+$0xFFFFFFE0] =	vst v24  }
0xe7: {  	s12 =	sadd.s32 $0x80, s12;
	v24 =	vmov s14;
	v23 =	vld [tilespmem:s11+$0x0];
	[tilespmem:s10+$0xFFFFFFF0] =	vst v22;
	s10 =	smov.u32 s11  }
0xe8: {  	s14 =	sadd.s32 $0x1, s14;
	v22 =	vperm.xlane v21, v24;
	v24 =	vld [tilespmem:s12+$0x0]  }
0xe9: {  	_ = 	snop  }
0xea: {  	v21 =	vld [tilespmem:s11+$0xFFFFFFD0];
	v26 =	vmul.f32 v22, v8  }
0xeb: {  	v25 =	vld [tilespmem:s11+$0xFFFFFFE0];
	v27 =	vmul.f32 v22, v9;
	v29 =	vmul.f32 v22, v10  }
0xec: {  	v28 =	vld [tilespmem:s12+$0xFFFFFF90];
	v32 =	vmul.f32 v22, v11;
	v34 =	vmul.f32 v22, v12  }
0xed: {  	v31 =	vld [tilespmem:s12+$0xFFFFFFA0];
	v35 =	vmul.f32 v22, v13;
	v26 =	vadd.f32 v26, v0;
	v27 =	vadd.f32 v27, v1  }
0xee: {  	v61 =	vld [tilespmem:s12+$0xFFFFFFC0];
	v30 =	vmul.f32 v22, v15;
	v29 =	vadd.f32 v29, v2;
	v32 =	vadd.f32 v32, v3  }
0xef: {  	v33 =	vld [tilespmem:s12+$0xFFFFFFB0];
	v22 =	vmul.f32 v22, v14;
	v34 =	vadd.f32 v34, v4;
	v62 =	vadd.f32 v35, v5  }
0xf0: {  	v63 =	vld [tilespmem:s12+$0xFFFFFFF0];
	v23 =	vadd.f32 v24, v23;
	v24 =	vadd.f32 v30, v7  }
0xf1: {  	v36 =	vld [tilespmem:s12+$0xFFFFFFD0];
	v22 =	vadd.f32 v22, v6;
	v17 =	vadd.f32 v28, v17  }
0xf2: {  	v20 =	vadd.f32 v31, v20;
	v23 =	vadd.f32 v23, v24;
	v24 =	vld [tilespmem:s12+$0xFFFFFFE0]  }
0xf3: {  	v19 =	vadd.f32 v61, v19;
	v17 =	vadd.f32 v17, v26  }
0xf4: {  	v18 =	vadd.f32 v33, v18;
	v20 =	vadd.f32 v20, v27;
	[tilespmem:s11+$0x0] =	vst v23  }
0xf5: {  	v16 =	vadd.f32 v63, v16;
	v19 =	vadd.f32 v19, v32;
	[tilespmem:s10+$0xFFFFFF90] =	vst v17  }
0xf6: {  	v17 =	vadd.f32 v18, v29;
	v18 =	vadd.f32 v36, v21;
	[tilespmem:s10+$0xFFFFFFA0] =	vst v20  }
0xf7: {  	v16 =	vadd.f32 v16, v22;
	[tilespmem:s10+$0xFFFFFFC0] =	vst v19;
	v20 =	vadd.f32 v24, v25  }
0xf8: {  	[tilespmem:s10+$0xFFFFFFB0] =	vst v17;
	v17 =	vadd.f32 v18, v34  }
0xf9: {  	[tilespmem:s10+$0xFFFFFFF0] =	vst v16;
	v18 =	vadd.f32 v20, v62  }
0xfa: {  	[tilespmem:s10+$0xFFFFFFD0] =	vst v17  }
0xfb: {  	[tilespmem:s10+$0xFFFFFFE0] =	vst v18  }
0xfc: {  	_ =	swait.ge [sflag:s21], $0x800  }
0xfd: {  	[sflag:s21] =	ssyncset.done $0x0  }
0xfe: {  	[sflag:s21] =	ssyncadd.s32 $0xFFFFF800  }
0xff: {  	s11 =	simm.s32 $0x1C70;
	v19 =	vld [tilespmem:$0x230]  }
0x100: {  	v17 =	vld [tilespmem:s11+$0xFFFFFF90]  }
0x101: {  	v16 =	vld [tilespmem:s11+$0xFFFFFFF0]  }
0x102: {  	v20 =	vld [tilespmem:s11+$0xFFFFFFA0]  }
0x103: {  	v18 =	vld [tilespmem:s11+$0xFFFFFFB0]  }
0x104: {  	s31 =	simm.s32 $0x0;
	s12 =	simm.s32 $0x9C70;
	v23 =	vld [tilespmem:s11+$0x0];
	v21 =	vcvt.s32.f32 v19  }
0x105: {  	v22 =	vmov s31;
	v24 =	vld [tilespmem:s12+$0x0]  }
0x106: {  	s14 =	simm.s32 $0x1;
	s10 =	simm.s32 $0x1C70;
	v19 =	vld [tilespmem:s11+$0xFFFFFFC0];
	v22 =	vperm.xlane v21, v22  }
.LBB2_8:
0x107: {  	p0 =	sne.s32 s14, $0xF;
	v25 =	vld [tilespmem:s11+$0xFFFFFFD0]  }
0x108: {  	v26 =	vld [tilespmem:s11+$0xFFFFFFE0];
	v27 =	vmul.f32 v22, v8;
	v28 =	vmul.f32 v22, v9  }
0x109: {  	v30 =	vmul.f32 v22, v10;
	v31 =	vmul.f32 v22, v15;
	v29 =	vld [tilespmem:s12+$0xFFFFFF90]  }
0x10a: {  	v33 =	vmul.f32 v22, v11;
	v32 =	vld [tilespmem:s12+$0xFFFFFFA0];
	v27 =	vadd.f32 v27, v0;
	v28 =	vadd.f32 v28, v1  }
0x10b: {  	v35 =	vmul.f32 v22, v12;
	v34 =	vld [tilespmem:s12+$0xFFFFFFB0];
	v23 =	vadd.f32 v24, v23;
	v24 =	vadd.f32 v31, v7  }
0x10c: {  	v36 =	vmul.f32 v22, v13;
	v30 =	vadd.f32 v30, v2;
	v33 =	vadd.f32 v33, v3;
	v31 =	vld [tilespmem:s12+$0xFFFFFFC0]  }
0x10d: {  	v22 =	vmul.f32 v22, v14;
	v35 =	vadd.f32 v35, v4;
	v37 =	vld [tilespmem:s12+$0xFFFFFFD0];
	v23 =	vadd.f32 v23, v24  }
0x10e: {  	v24 =	vld [tilespmem:s12+$0xFFFFFFE0];
	v17 =	vadd.f32 v29, v17;
	v29 =	vadd.f32 v36, v5  }
0x10f: {  	v22 =	vadd.f32 v22, v6;
	v36 =	vld [tilespmem:s12+$0xFFFFFFF0];
	v20 =	vadd.f32 v32, v20;
	[tilespmem:s11+$0x0] =	vst v23  }
0x110: {  	v17 =	vadd.f32 v17, v27;
	v18 =	vadd.f32 v34, v18  }
0x111: {  	v20 =	vadd.f32 v20, v28;
	v19 =	vadd.f32 v31, v19  }
0x112: {  	s11 =	sadd.s32 $0x80, s11;
	[tilespmem:s10+$0xFFFFFF90] =	vst v17;
	v18 =	vadd.f32 v18, v30;
	v23 =	vadd.f32 v37, v25  }
0x113: {  	v17 =	vld [tilespmem:s11+$0xFFFFFF90];
	[tilespmem:s10+$0xFFFFFFA0] =	vst v20;
	v19 =	vadd.f32 v19, v33;
	v24 =	vadd.f32 v24, v26  }
0x114: {  	[tilespmem:s10+$0xFFFFFFB0] =	vst v18;
	v23 =	vadd.f32 v23, v35;
	v25 =	vadd.f32 v36, v16;
	v16 =	vld [tilespmem:s11+$0xFFFFFFF0]  }
.Ltmp3:
0x115: {  	v20 =	vld [tilespmem:s11+$0xFFFFFFA0];
	[tilespmem:s10+$0xFFFFFFC0] =	vst v19;
	v24 =	vadd.f32 v24, v29;
	(pc) =	sbr.rel @p0 .LBB2_8-.Ltmp3, $4  }
0x116: {  	v18 =	vld [tilespmem:s11+$0xFFFFFFB0];
	[tilespmem:s10+$0xFFFFFFD0] =	vst v23;
	v22 =	vadd.f32 v25, v22  }
0x117: {  	v19 =	vld [tilespmem:s11+$0xFFFFFFC0];
	[tilespmem:s10+$0xFFFFFFE0] =	vst v24  }
0x118: {  	s12 =	sadd.s32 $0x80, s12;
	v24 =	vmov s14;
	v23 =	vld [tilespmem:s11+$0x0];
	[tilespmem:s10+$0xFFFFFFF0] =	vst v22;
	s10 =	smov.u32 s11  }
0x119: {  	s14 =	sadd.s32 $0x1, s14;
	v22 =	vperm.xlane v21, v24;
	v24 =	vld [tilespmem:s12+$0x0]  }
0x11a: {  	_ = 	snop  }
0x11b: {  	v21 =	vld [tilespmem:s11+$0xFFFFFFD0];
	v26 =	vmul.f32 v22, v8  }
0x11c: {  	v25 =	vld [tilespmem:s11+$0xFFFFFFE0];
	v27 =	vmul.f32 v22, v9;
	v29 =	vmul.f32 v22, v10  }
0x11d: {  	v28 =	vld [tilespmem:s12+$0xFFFFFF90];
	v30 =	vmul.f32 v22, v15;
	v32 =	vmul.f32 v22, v11  }
0x11e: {  	v31 =	vld [tilespmem:s12+$0xFFFFFFA0];
	v34 =	vmul.f32 v22, v12;
	v26 =	vadd.f32 v26, v0;
	v27 =	vadd.f32 v27, v1  }
0x11f: {  	v56 =	vld [tilespmem:s12+$0xFFFFFFC0];
	v35 =	vmul.f32 v22, v13;
	v55 =	vadd.f32 v30, v7;
	v29 =	vadd.f32 v29, v2  }
0x120: {  	v58 =	vld [tilespmem:s12+$0xFFFFFFE0];
	v57 =	vmul.f32 v22, v14;
	v32 =	vadd.f32 v32, v3;
	v34 =	vadd.f32 v34, v4  }
0x121: {  	v33 =	vld [tilespmem:s12+$0xFFFFFFB0];
	v59 =	vadd.f32 v35, v5;
	v23 =	vadd.f32 v24, v23  }
0x122: {  	v60 =	vld [tilespmem:s12+$0xFFFFFFF0];
	v22 =	vadd.f32 v57, v6;
	v17 =	vadd.f32 v28, v17  }
0x123: {  	v36 =	vld [tilespmem:s12+$0xFFFFFFD0];
	v20 =	vadd.f32 v31, v20;
	v23 =	vadd.f32 v23, v55  }
0x124: {  	v19 =	vadd.f32 v56, v19;
	v17 =	vadd.f32 v17, v26  }
0x125: {  	v62 =	vadd.f32 v58, v25;
	v20 =	vadd.f32 v20, v27;
	[tilespmem:s11+$0x0] =	vst v23  }
0x126: {  	v18 =	vadd.f32 v33, v18;
	v19 =	vadd.f32 v19, v32;
	[tilespmem:s10+$0xFFFFFF90] =	vst v17  }
0x127: {  	v16 =	vadd.f32 v60, v16;
	v63 =	vadd.f32 v62, v59;
	[tilespmem:s10+$0xFFFFFFA0] =	vst v20  }
0x128: {  	v61 =	vadd.f32 v36, v21;
	v17 =	vadd.f32 v18, v29;
	[tilespmem:s10+$0xFFFFFFC0] =	vst v19  }
0x129: {  	v16 =	vadd.f32 v16, v22;
	[tilespmem:s10+$0xFFFFFFE0] =	vst v63  }
0x12a: {  	[tilespmem:s10+$0xFFFFFFB0] =	vst v17;
	v17 =	vadd.f32 v61, v34  }
0x12b: {  	[tilespmem:s10+$0xFFFFFFF0] =	vst v16  }
0x12c: {  	[tilespmem:s10+$0xFFFFFFD0] =	vst v17;
	s10 =	simm.s32 $0x0  }
0x12d: {  	[hbm4b:s13+s10] =	stream.linear.scatter [tilespmem:s16], [sflag:$0xD], $0x2000, $0x38;
	[tilespmem:$0xA500] =	vst v63  }
0x12e: {  	_ =	swait.ge [sflag:s5], $0x2000  }
0x12f: {  	s15 =	simm.s32 $0x2470;
	[sflag:s5] =	ssyncset.done $0x0  }
0x130: {  	s14 =	simm.s32 $0x0;
	s16 =	simm.s32 $0x8440;
	[sflag:s5] =	ssyncadd.s32 $0xFFFFE000  }
.LBB2_10:
0x131: {  	s11 =	sshll.u32 s14, $0x4  }
0x132: {  	v19 =	vld [tilespmem:s11+$0x280]  }
0x133: {  	v17 =	vld [tilespmem:s15+$0xFFFFFF90]  }
0x134: {  	v16 =	vld [tilespmem:s15+$0xFFFFFFF0]  }
0x135: {  	v20 =	vld [tilespmem:s15+$0xFFFFFFA0]  }
0x136: {  	v18 =	vld [tilespmem:s15+$0xFFFFFFB0]  }
0x137: {  	v23 =	vld [tilespmem:s15+$0x0];
	v21 =	vcvt.s32.f32 v19  }
0x138: {  	v22 =	vmov s10;
	v24 =	vld [tilespmem:s16+$0x30];
	s17 =	simm.s32 $0x1  }
0x139: {  	s12 =	smov.u32 s15;
	s31 =	smov.u32 s15;
	s11 =	smov.u32 s16;
	v19 =	vld [tilespmem:s15+$0xFFFFFFC0];
	v22 =	vperm.xlane v21, v22  }
.LBB2_11:
0x13a: {  	p0 =	sne.s32 s17, $0xF;
	v25 =	vld [tilespmem:s12+$0xFFFFFFD0]  }
0x13b: {  	v26 =	vld [tilespmem:s12+$0xFFFFFFE0];
	v27 =	vmul.f32 v22, v8;
	v28 =	vmul.f32 v22, v9  }
0x13c: {  	v30 =	vmul.f32 v22, v10;
	v31 =	vmul.f32 v22, v15;
	v29 =	vld [tilespmem:s11+$0xFFFFFFC0]  }
0x13d: {  	v33 =	vmul.f32 v22, v11;
	v32 =	vld [tilespmem:s11+$0xFFFFFFD0];
	v27 =	vadd.f32 v27, v0;
	v28 =	vadd.f32 v28, v1  }
0x13e: {  	v35 =	vmul.f32 v22, v12;
	v34 =	vld [tilespmem:s11+$0xFFFFFFE0];
	v23 =	vadd.f32 v24, v23;
	v24 =	vadd.f32 v31, v7  }
0x13f: {  	v36 =	vmul.f32 v22, v13;
	v30 =	vadd.f32 v30, v2;
	v33 =	vadd.f32 v33, v3;
	v31 =	vld [tilespmem:s11+$0xFFFFFFF0]  }
0x140: {  	v22 =	vmul.f32 v22, v14;
	v35 =	vadd.f32 v35, v4;
	v37 =	vld [tilespmem:s11+$0x0];
	v23 =	vadd.f32 v23, v24  }
0x141: {  	v24 =	vld [tilespmem:s11+$0x10];
	v17 =	vadd.f32 v29, v17;
	v29 =	vadd.f32 v36, v5  }
0x142: {  	v22 =	vadd.f32 v22, v6;
	v36 =	vld [tilespmem:s11+$0x20];
	v20 =	vadd.f32 v32, v20;
	[tilespmem:s12+$0x0] =	vst v23  }
0x143: {  	v17 =	vadd.f32 v17, v27;
	v18 =	vadd.f32 v34, v18  }
0x144: {  	v20 =	vadd.f32 v20, v28;
	v19 =	vadd.f32 v31, v19  }
0x145: {  	s12 =	sadd.s32 $0x80, s12;
	[tilespmem:s31+$0xFFFFFF90] =	vst v17;
	v18 =	vadd.f32 v18, v30;
	v23 =	vadd.f32 v37, v25  }
0x146: {  	v17 =	vld [tilespmem:s12+$0xFFFFFF90];
	[tilespmem:s31+$0xFFFFFFA0] =	vst v20;
	v19 =	vadd.f32 v19, v33;
	v24 =	vadd.f32 v24, v26  }
0x147: {  	[tilespmem:s31+$0xFFFFFFB0] =	vst v18;
	v23 =	vadd.f32 v23, v35;
	v25 =	vadd.f32 v36, v16;
	v16 =	vld [tilespmem:s12+$0xFFFFFFF0]  }
.Ltmp4:
0x148: {  	v20 =	vld [tilespmem:s12+$0xFFFFFFA0];
	[tilespmem:s31+$0xFFFFFFC0] =	vst v19;
	v24 =	vadd.f32 v24, v29;
	(pc) =	sbr.rel @p0 .LBB2_11-.Ltmp4, $4  }
0x149: {  	v18 =	vld [tilespmem:s12+$0xFFFFFFB0];
	[tilespmem:s31+$0xFFFFFFD0] =	vst v23;
	v22 =	vadd.f32 v25, v22  }
0x14a: {  	v19 =	vld [tilespmem:s12+$0xFFFFFFC0];
	[tilespmem:s31+$0xFFFFFFE0] =	vst v24  }
0x14b: {  	s11 =	sadd.s32 $0x80, s11;
	v24 =	vmov s17;
	v23 =	vld [tilespmem:s12+$0x0];
	[tilespmem:s31+$0xFFFFFFF0] =	vst v22;
	s31 =	smov.u32 s12  }
0x14c: {  	s17 =	sadd.s32 $0x1, s17;
	v22 =	vperm.xlane v21, v24;
	v24 =	vld [tilespmem:s11+$0x30]  }
0x14d: {  	_ = 	snop  }
0x14e: {  	v21 =	vld [tilespmem:s12+$0xFFFFFFD0];
	v26 =	vmul.f32 v22, v8  }
0x14f: {  	v25 =	vld [tilespmem:s12+$0xFFFFFFE0];
	v27 =	vmul.f32 v22, v9;
	v29 =	vmul.f32 v22, v10  }
0x150: {  	v28 =	vld [tilespmem:s11+$0xFFFFFFC0];
	v30 =	vmul.f32 v22, v15;
	v32 =	vmul.f32 v22, v11  }
0x151: {  	v31 =	vld [tilespmem:s11+$0xFFFFFFD0];
	v34 =	vmul.f32 v22, v12;
	v26 =	vadd.f32 v26, v0;
	v27 =	vadd.f32 v27, v1  }
0x152: {  	v56 =	vld [tilespmem:s11+$0xFFFFFFF0];
	v35 =	vmul.f32 v22, v13;
	v55 =	vadd.f32 v30, v7;
	v29 =	vadd.f32 v29, v2  }
0x153: {  	v58 =	vld [tilespmem:s11+$0x10];
	v57 =	vmul.f32 v22, v14;
	v32 =	vadd.f32 v32, v3;
	v34 =	vadd.f32 v34, v4  }
0x154: {  	v33 =	vld [tilespmem:s11+$0xFFFFFFE0];
	v59 =	vadd.f32 v35, v5;
	v23 =	vadd.f32 v24, v23  }
0x155: {  	v60 =	vld [tilespmem:s11+$0x20];
	v22 =	vadd.f32 v57, v6;
	v17 =	vadd.f32 v28, v17  }
0x156: {  	v36 =	vld [tilespmem:s11+$0x0];
	v20 =	vadd.f32 v31, v20;
	v23 =	vadd.f32 v23, v55  }
0x157: {  	v19 =	vadd.f32 v56, v19;
	v17 =	vadd.f32 v17, v26  }
0x158: {  	v62 =	vadd.f32 v58, v25;
	v20 =	vadd.f32 v20, v27;
	[tilespmem:s12+$0x0] =	vst v23  }
0x159: {  	s14 =	sadd.s32 $0x1, s14;
	v18 =	vadd.f32 v33, v18;
	v19 =	vadd.f32 v19, v32;
	[tilespmem:s31+$0xFFFFFF90] =	vst v17  }
0x15a: {  	p0 =	sne.s32 s14, $0x4;
	v16 =	vadd.f32 v60, v16;
	v63 =	vadd.f32 v62, v59;
	[tilespmem:s31+$0xFFFFFFA0] =	vst v20  }
.Ltmp5:
0x15b: {  	v61 =	vadd.f32 v36, v21;
	v17 =	vadd.f32 v18, v29;
	[tilespmem:s31+$0xFFFFFFC0] =	vst v19;
	(pc) =	sbr.rel @p0 .LBB2_10-.Ltmp5, $4  }
0x15c: {  	v16 =	vadd.f32 v16, v22;
	[tilespmem:s31+$0xFFFFFFE0] =	vst v63  }
0x15d: {  	[tilespmem:s31+$0xFFFFFFB0] =	vst v17;
	v17 =	vadd.f32 v61, v34  }
0x15e: {  	[tilespmem:s31+$0xFFFFFFF0] =	vst v16  }
0x15f: {  	s16 =	sadd.s32 $0x800, s16;
	s15 =	sadd.s32 $0x800, s15;
	[tilespmem:s31+$0xFFFFFFD0] =	vst v17  }
0x160: {  	s10 =	simm.s32 $0x0;
	s11 =	rddreg [dreg:$0x10]  }
0x161: {  	[hbm4b:s11+s10] =	stream.linear.scatter [tilespmem:s26], [sflag:$0xD], $0x2000, $0x38;
	[tilespmem:$0xA500] =	vst v63  }
0x162: {  	_ =	swait.ge [sflag:s6], $0x2000  }
0x163: {  	s31 =	simm.s32 $0x400;
	[sflag:s6] =	ssyncset.done $0x0  }
0x164: {  	s12 =	simm.s32 $0x0;
	s11 =	simm.s32 $0x8440;
	[sflag:s6] =	ssyncadd.s32 $0xFFFFE000  }
.LBB2_14:
0x165: {  	s14 =	sshll.u32 s12, $0x4;
	v16 =	vmov s31  }
0x166: {  	v18 =	vld [tilespmem:s14+$0x300]  }
0x167: {  	v17 =	vmov s11;
	_ =	sdelay $0x1  }
0x168: {  	s14 =	simm.s32 $0x0  }
0x169: {  	v25 =	vld.idx.msk [tilespmem:v16+s14+$0x4030 ss:$0x1], $0xffff  }
0x16a: {  	v35 =	vld.idx.msk [tilespmem:v16+s14+$0x4040 ss:$0x1], $0xffff;
	v20 =	vcvt.s32.f32 v18  }
0x16b: {  	v26 =	vld.idx.msk [tilespmem:v17+s14+$0xFFFFFFF0 ss:$0x1], $0xffff;
	v18 =	vmov s10  }
0x16c: {  	v36 =	vld.idx.msk [tilespmem:v17+s14+$0x0 ss:$0x1], $0xffff;
	v30 =	vperm.xlane v20, v18  }
0x16d: {  	v27 =	vld.idx.msk [tilespmem:v17+s14+$0xFFFFFFE0 ss:$0x1], $0xffff  }
0x16e: {  	v32 =	vld.idx.msk [tilespmem:v17+s14+$0xFFFFFFD0 ss:$0x1], $0xffff;
	v21 =	vmul.f32 v30, v8  }
0x16f: {  	v34 =	vld.idx.msk [tilespmem:v16+s14+$0x4010 ss:$0x1], $0xffff;
	v24 =	vmul.f32 v30, v9;
	v23 =	vmul.f32 v30, v10  }
0x170: {  	v29 =	vld.idx.msk [tilespmem:v16+s14+$0x4000 ss:$0x1], $0xffff;
	v18 =	vmul.f32 v30, v11;
	v19 =	vmul.f32 v30, v12  }
0x171: {  	v33 =	vld.idx.msk [tilespmem:v17+s14+$0xFFFFFFC0 ss:$0x1], $0xffff;
	v22 =	vmul.f32 v30, v13;
	v28 =	vmul.f32 v30, v14  }
0x172: {  	s15 =	simm.s32 $0x200;
	s16 =	simm.s32 $0x1;
	v31 =	vld.idx.msk [tilespmem:v16+s14+$0x4020 ss:$0x1], $0xffff;
	v30 =	vmul.f32 v30, v15;
	v26 =	vadd.f32 v26, v25;
	v25 =	vadd.f32 v36, v35  }
.LBB2_15:
0x173: {  	v35 =	vmov s16;
	p0 =	sne.s32 s15, $0x1E00;
	v36 =	vld.idx.msk [tilespmem:v17+s14+$0x30 ss:$0x1], $0xffff;
	s17 =	smov.u32 s15;
	s15 =	sadd.s32 $0x200, s15  }
0x174: {  	v38 =	vadd.f32 v30, v7;
	v35 =	vperm.xlane v20, v35;
	v37 =	vld.idx.msk [tilespmem:v17+s14+$0x20 ss:$0x1], $0xffff  }
0x175: {  	v32 =	vadd.f32 v32, v34;
	v34 =	vadd.f32 v28, v6;
	v30 =	vld.idx.msk [tilespmem:v17+s14+$0x10 ss:$0x1], $0xffff  }
0x176: {  	v40 =	vadd.f32 v21, v0;
	v28 =	vmul.f32 v35, v9;
	v39 =	vld.idx.msk [tilespmem:v16+s14+$0x4050 ss:$0x1], $0xffff;
	v21 =	vmul.f32 v35, v8  }
0x177: {  	v44 =	vadd.f32 v24, v1;
	v41 =	vmul.f32 v35, v10;
	v29 =	vadd.f32 v33, v29;
	v42 =	vld.idx.msk [tilespmem:v16+s14+$0x4060 ss:$0x1], $0xffff  }
0x178: {  	v45 =	vadd.f32 v23, v2;
	v33 =	vmul.f32 v35, v11;
	v27 =	vadd.f32 v27, v31;
	v43 =	vld.idx.msk [tilespmem:v16+s14+$0x4070 ss:$0x1], $0xffff  }
0x179: {  	v32 =	vadd.f32 v32, v44;
	v31 =	vmul.f32 v35, v12;
	v29 =	vadd.f32 v29, v40;
	v24 =	vmovc v28  }
0x17a: {  	s17 =	sshra.s32 s17, $0x2;
	v28 =	vmul.f32 v35, v13;
	v40 =	vadd.f32 v18, v3;
	v23 =	vmovc v41;
	v27 =	vadd.f32 v27, v45  }
0x17b: {  	v41 =	vadd.f32 v22, v5;
	v18 =	vmov v33;
	[tilespmem:v16+s14+$0x4000 ss:$0x1] =	vst.idx.msk $0xffff, v29;
	v29 =	vadd.f32 v19, v4  }
0x17c: {  	v26 =	vadd.f32 v26, v40;
	v30 =	vadd.f32 v30, v39;
	v19 =	vmov v31;
	[tilespmem:v16+s14+$0x4010 ss:$0x1] =	vst.idx.msk $0xffff, v32  }
0x17d: {  	v22 =	vmov v28;
	[tilespmem:v16+s14+$0x4020 ss:$0x1] =	vst.idx.msk $0xffff, v27;
	v25 =	vadd.f32 v25, v29;
	v27 =	vadd.f32 v37, v42  }
0x17e: {  	v29 =	vadd.f32 v36, v43;
	[tilespmem:v16+s14+$0x4030 ss:$0x1] =	vst.idx.msk $0xffff, v26;
	v26 =	vadd.f32 v30, v41  }
0x17f: {  	v28 =	vmul.f32 v35, v14;
	[tilespmem:v16+s14+$0x4040 ss:$0x1] =	vst.idx.msk $0xffff, v25;
	v25 =	vadd.f32 v27, v34  }
0x180: {  	v30 =	vmul.f32 v35, v15;
	[tilespmem:v16+s14+$0x4050 ss:$0x1] =	vst.idx.msk $0xffff, v26;
	v26 =	vadd.f32 v29, v38  }
0x181: {  	[tilespmem:v16+s14+$0x4060 ss:$0x1] =	vst.idx.msk $0xffff, v25  }
0x182: {  	v25 =	vld.idx.msk [tilespmem:v16+s17+$0x4030 ss:$0x1], $0xffff;
	[tilespmem:v16+s14+$0x4070 ss:$0x1] =	vst.idx.msk $0xffff, v26;
	s14 =	smov.u32 s17  }
0x183: {  	v35 =	vld.idx.msk [tilespmem:v16+s14+$0x4040 ss:$0x1], $0xffff  }
0x184: {  	v26 =	vld.idx.msk [tilespmem:v17+s14+$0xFFFFFFF0 ss:$0x1], $0xffff  }
0x185: {  	v36 =	vld.idx.msk [tilespmem:v17+s14+$0x0 ss:$0x1], $0xffff  }
0x186: {  	v27 =	vld.idx.msk [tilespmem:v17+s14+$0xFFFFFFE0 ss:$0x1], $0xffff  }
.Ltmp6:
0x187: {  	v32 =	vld.idx.msk [tilespmem:v17+s14+$0xFFFFFFD0 ss:$0x1], $0xffff;
	(pc) =	sbr.rel @p0 .LBB2_15-.Ltmp6, $4  }
0x188: {  	v34 =	vld.idx.msk [tilespmem:v16+s14+$0x4010 ss:$0x1], $0xffff  }
0x189: {  	v29 =	vld.idx.msk [tilespmem:v16+s14+$0x4000 ss:$0x1], $0xffff  }
0x18a: {  	v26 =	vadd.f32 v26, v25;
	v33 =	vld.idx.msk [tilespmem:v17+s14+$0xFFFFFFC0 ss:$0x1], $0xffff  }
0x18b: {  	s16 =	sadd.s32 $0x1, s16;
	v25 =	vadd.f32 v36, v35;
	v31 =	vld.idx.msk [tilespmem:v16+s14+$0x4020 ss:$0x1], $0xffff  }
0x18c: {  	_ =	sdelay $0x3  }
0x18d: {  	v20 =	vld.idx.msk [tilespmem:v17+s14+$0x30 ss:$0x1], $0xffff  }
0x18e: {  	v35 =	vld.idx.msk [tilespmem:v17+s14+$0x20 ss:$0x1], $0xffff;
	v30 =	vadd.f32 v30, v7;
	v28 =	vadd.f32 v28, v6  }
0x18f: {  	v17 =	vld.idx.msk [tilespmem:v17+s14+$0x10 ss:$0x1], $0xffff;
	v21 =	vadd.f32 v21, v0;
	v24 =	vadd.f32 v24, v1  }
0x190: {  	v57 =	vld.idx.msk [tilespmem:v16+s14+$0x4050 ss:$0x1], $0xffff;
	v23 =	vadd.f32 v23, v2;
	v29 =	vadd.f32 v33, v29  }
0x191: {  	v58 =	vld.idx.msk [tilespmem:v16+s14+$0x4060 ss:$0x1], $0xffff;
	v18 =	vadd.f32 v18, v3;
	v32 =	vadd.f32 v32, v34  }
0x192: {  	v59 =	vld.idx.msk [tilespmem:v16+s14+$0x4070 ss:$0x1], $0xffff;
	v27 =	vadd.f32 v27, v31;
	v21 =	vadd.f32 v29, v21  }
0x193: {  	v19 =	vadd.f32 v19, v4;
	v24 =	vadd.f32 v32, v24  }
0x194: {  	v60 =	vadd.f32 v22, v5;
	v23 =	vadd.f32 v27, v23;
	[tilespmem:v16+s14+$0x4000 ss:$0x1] =	vst.idx.msk $0xffff, v21  }
0x195: {  	s12 =	sadd.s32 $0x1, s12;
	v18 =	vadd.f32 v26, v18;
	v17 =	vadd.f32 v17, v57;
	[tilespmem:v16+s14+$0x4010 ss:$0x1] =	vst.idx.msk $0xffff, v24  }
0x196: {  	p0 =	sne.s32 s12, $0x4;
	v19 =	vadd.f32 v25, v19;
	v61 =	vadd.f32 v35, v58;
	[tilespmem:v16+s14+$0x4020 ss:$0x1] =	vst.idx.msk $0xffff, v23  }
.Ltmp7:
0x197: {  	v62 =	vadd.f32 v20, v59;
	v17 =	vadd.f32 v17, v60;
	[tilespmem:v16+s14+$0x4030 ss:$0x1] =	vst.idx.msk $0xffff, v18;
	(pc) =	sbr.rel @p0 .LBB2_14-.Ltmp7, $4  }
0x198: {  	v63 =	vadd.f32 v61, v28;
	[tilespmem:v16+s14+$0x4040 ss:$0x1] =	vst.idx.msk $0xffff, v19  }
0x199: {  	[tilespmem:v16+s14+$0x4050 ss:$0x1] =	vst.idx.msk $0xffff, v17;
	v17 =	vadd.f32 v62, v30  }
0x19a: {  	[tilespmem:v16+s14+$0x4060 ss:$0x1] =	vst.idx.msk $0xffff, v63  }
0x19b: {  	s31 =	sadd.s32 $0x800, s31;
	s11 =	sadd.s32 $0x800, s11;
	[tilespmem:v16+s14+$0x4070 ss:$0x1] =	vst.idx.msk $0xffff, v17  }
0x19c: {  	s10 =	simm.s32 $0x0;
	s11 =	rddreg [dreg:$0x11]  }
0x19d: {  	[hbm4b:s11+s10] =	stream.linear.scatter [tilespmem:s28], [sflag:$0xD], $0x2000, $0x38;
	[tilespmem:$0xA500] =	vst v63  }
0x19e: {  	_ =	swait.ge [sflag:s7], $0x2000  }
0x19f: {  	s31 =	simm.s32 $0x400;
	[sflag:s7] =	ssyncset.done $0x0  }
0x1a0: {  	s12 =	simm.s32 $0x0;
	s11 =	simm.s32 $0x8440;
	[sflag:s7] =	ssyncadd.s32 $0xFFFFE000  }
.LBB2_18:
0x1a1: {  	s14 =	sshll.u32 s12, $0x4;
	v16 =	vmov s31  }
0x1a2: {  	v18 =	vld [tilespmem:s14+$0x380]  }
0x1a3: {  	v17 =	vmov s11;
	_ =	sdelay $0x1  }
0x1a4: {  	s14 =	simm.s32 $0x0  }
0x1a5: {  	v25 =	vld.idx.msk [tilespmem:v16+s14+$0x6030 ss:$0x1], $0xffff  }
0x1a6: {  	v35 =	vld.idx.msk [tilespmem:v16+s14+$0x6040 ss:$0x1], $0xffff;
	v20 =	vcvt.s32.f32 v18  }
0x1a7: {  	v26 =	vld.idx.msk [tilespmem:v17+s14+$0xFFFFFFF0 ss:$0x1], $0xffff;
	v18 =	vmov s10  }
0x1a8: {  	v36 =	vld.idx.msk [tilespmem:v17+s14+$0x0 ss:$0x1], $0xffff;
	v30 =	vperm.xlane v20, v18  }
0x1a9: {  	v27 =	vld.idx.msk [tilespmem:v17+s14+$0xFFFFFFE0 ss:$0x1], $0xffff  }
0x1aa: {  	v32 =	vld.idx.msk [tilespmem:v17+s14+$0xFFFFFFD0 ss:$0x1], $0xffff;
	v21 =	vmul.f32 v30, v8  }
0x1ab: {  	v34 =	vld.idx.msk [tilespmem:v16+s14+$0x6010 ss:$0x1], $0xffff;
	v24 =	vmul.f32 v30, v9;
	v23 =	vmul.f32 v30, v10  }
0x1ac: {  	v29 =	vld.idx.msk [tilespmem:v16+s14+$0x6000 ss:$0x1], $0xffff;
	v18 =	vmul.f32 v30, v11;
	v19 =	vmul.f32 v30, v12  }
0x1ad: {  	v33 =	vld.idx.msk [tilespmem:v17+s14+$0xFFFFFFC0 ss:$0x1], $0xffff;
	v22 =	vmul.f32 v30, v13;
	v28 =	vmul.f32 v30, v14  }
0x1ae: {  	s15 =	simm.s32 $0x200;
	s16 =	simm.s32 $0x1;
	v31 =	vld.idx.msk [tilespmem:v16+s14+$0x6020 ss:$0x1], $0xffff;
	v30 =	vmul.f32 v30, v15;
	v26 =	vadd.f32 v26, v25;
	v25 =	vadd.f32 v36, v35  }
.LBB2_19:
0x1af: {  	v35 =	vmov s16;
	p0 =	sne.s32 s15, $0x1E00;
	v36 =	vld.idx.msk [tilespmem:v17+s14+$0x30 ss:$0x1], $0xffff;
	s17 =	smov.u32 s15;
	s15 =	sadd.s32 $0x200, s15  }
0x1b0: {  	v38 =	vadd.f32 v30, v7;
	v35 =	vperm.xlane v20, v35;
	v37 =	vld.idx.msk [tilespmem:v17+s14+$0x20 ss:$0x1], $0xffff  }
0x1b1: {  	v32 =	vadd.f32 v32, v34;
	v34 =	vadd.f32 v28, v6;
	v30 =	vld.idx.msk [tilespmem:v17+s14+$0x10 ss:$0x1], $0xffff  }
0x1b2: {  	v40 =	vadd.f32 v21, v0;
	v28 =	vmul.f32 v35, v9;
	v39 =	vld.idx.msk [tilespmem:v16+s14+$0x6050 ss:$0x1], $0xffff;
	v21 =	vmul.f32 v35, v8  }
0x1b3: {  	v44 =	vadd.f32 v24, v1;
	v41 =	vmul.f32 v35, v10;
	v29 =	vadd.f32 v33, v29;
	v42 =	vld.idx.msk [tilespmem:v16+s14+$0x6060 ss:$0x1], $0xffff  }
0x1b4: {  	v45 =	vadd.f32 v23, v2;
	v33 =	vmul.f32 v35, v11;
	v27 =	vadd.f32 v27, v31;
	v43 =	vld.idx.msk [tilespmem:v16+s14+$0x6070 ss:$0x1], $0xffff  }
0x1b5: {  	v32 =	vadd.f32 v32, v44;
	v31 =	vmul.f32 v35, v12;
	v29 =	vadd.f32 v29, v40;
	v24 =	vmovc v28  }
0x1b6: {  	s17 =	sshra.s32 s17, $0x2;
	v28 =	vmul.f32 v35, v13;
	v40 =	vadd.f32 v18, v3;
	v23 =	vmovc v41;
	v27 =	vadd.f32 v27, v45  }
0x1b7: {  	v41 =	vadd.f32 v22, v5;
	v18 =	vmov v33;
	[tilespmem:v16+s14+$0x6000 ss:$0x1] =	vst.idx.msk $0xffff, v29;
	v29 =	vadd.f32 v19, v4  }
0x1b8: {  	v26 =	vadd.f32 v26, v40;
	v30 =	vadd.f32 v30, v39;
	v19 =	vmov v31;
	[tilespmem:v16+s14+$0x6010 ss:$0x1] =	vst.idx.msk $0xffff, v32  }
0x1b9: {  	v22 =	vmov v28;
	[tilespmem:v16+s14+$0x6020 ss:$0x1] =	vst.idx.msk $0xffff, v27;
	v25 =	vadd.f32 v25, v29;
	v27 =	vadd.f32 v37, v42  }
0x1ba: {  	v29 =	vadd.f32 v36, v43;
	[tilespmem:v16+s14+$0x6030 ss:$0x1] =	vst.idx.msk $0xffff, v26;
	v26 =	vadd.f32 v30, v41  }
0x1bb: {  	v28 =	vmul.f32 v35, v14;
	[tilespmem:v16+s14+$0x6040 ss:$0x1] =	vst.idx.msk $0xffff, v25;
	v25 =	vadd.f32 v27, v34  }
0x1bc: {  	v30 =	vmul.f32 v35, v15;
	[tilespmem:v16+s14+$0x6050 ss:$0x1] =	vst.idx.msk $0xffff, v26;
	v26 =	vadd.f32 v29, v38  }
0x1bd: {  	[tilespmem:v16+s14+$0x6060 ss:$0x1] =	vst.idx.msk $0xffff, v25  }
0x1be: {  	v25 =	vld.idx.msk [tilespmem:v16+s17+$0x6030 ss:$0x1], $0xffff;
	[tilespmem:v16+s14+$0x6070 ss:$0x1] =	vst.idx.msk $0xffff, v26;
	s14 =	smov.u32 s17  }
0x1bf: {  	v35 =	vld.idx.msk [tilespmem:v16+s14+$0x6040 ss:$0x1], $0xffff  }
0x1c0: {  	v26 =	vld.idx.msk [tilespmem:v17+s14+$0xFFFFFFF0 ss:$0x1], $0xffff  }
0x1c1: {  	v36 =	vld.idx.msk [tilespmem:v17+s14+$0x0 ss:$0x1], $0xffff  }
0x1c2: {  	v27 =	vld.idx.msk [tilespmem:v17+s14+$0xFFFFFFE0 ss:$0x1], $0xffff  }
.Ltmp8:
0x1c3: {  	v32 =	vld.idx.msk [tilespmem:v17+s14+$0xFFFFFFD0 ss:$0x1], $0xffff;
	(pc) =	sbr.rel @p0 .LBB2_19-.Ltmp8, $4  }
0x1c4: {  	v34 =	vld.idx.msk [tilespmem:v16+s14+$0x6010 ss:$0x1], $0xffff  }
0x1c5: {  	v29 =	vld.idx.msk [tilespmem:v16+s14+$0x6000 ss:$0x1], $0xffff  }
0x1c6: {  	v26 =	vadd.f32 v26, v25;
	v33 =	vld.idx.msk [tilespmem:v17+s14+$0xFFFFFFC0 ss:$0x1], $0xffff  }
0x1c7: {  	s16 =	sadd.s32 $0x1, s16;
	v25 =	vadd.f32 v36, v35;
	v31 =	vld.idx.msk [tilespmem:v16+s14+$0x6020 ss:$0x1], $0xffff  }
0x1c8: {  	_ =	sdelay $0x3  }
0x1c9: {  	v20 =	vld.idx.msk [tilespmem:v17+s14+$0x30 ss:$0x1], $0xffff  }
0x1ca: {  	v35 =	vld.idx.msk [tilespmem:v17+s14+$0x20 ss:$0x1], $0xffff;
	v30 =	vadd.f32 v30, v7;
	v28 =	vadd.f32 v28, v6  }
0x1cb: {  	v17 =	vld.idx.msk [tilespmem:v17+s14+$0x10 ss:$0x1], $0xffff;
	v21 =	vadd.f32 v21, v0;
	v24 =	vadd.f32 v24, v1  }
0x1cc: {  	v57 =	vld.idx.msk [tilespmem:v16+s14+$0x6050 ss:$0x1], $0xffff;
	v23 =	vadd.f32 v23, v2;
	v29 =	vadd.f32 v33, v29  }
0x1cd: {  	v58 =	vld.idx.msk [tilespmem:v16+s14+$0x6060 ss:$0x1], $0xffff;
	v18 =	vadd.f32 v18, v3;
	v32 =	vadd.f32 v32, v34  }
0x1ce: {  	v59 =	vld.idx.msk [tilespmem:v16+s14+$0x6070 ss:$0x1], $0xffff;
	v27 =	vadd.f32 v27, v31;
	v21 =	vadd.f32 v29, v21  }
0x1cf: {  	v19 =	vadd.f32 v19, v4;
	v24 =	vadd.f32 v32, v24  }
0x1d0: {  	v60 =	vadd.f32 v22, v5;
	v23 =	vadd.f32 v27, v23;
	[tilespmem:v16+s14+$0x6000 ss:$0x1] =	vst.idx.msk $0xffff, v21  }
0x1d1: {  	s12 =	sadd.s32 $0x1, s12;
	v18 =	vadd.f32 v26, v18;
	v17 =	vadd.f32 v17, v57;
	[tilespmem:v16+s14+$0x6010 ss:$0x1] =	vst.idx.msk $0xffff, v24  }
0x1d2: {  	p0 =	sne.s32 s12, $0x4;
	v19 =	vadd.f32 v25, v19;
	v61 =	vadd.f32 v35, v58;
	[tilespmem:v16+s14+$0x6020 ss:$0x1] =	vst.idx.msk $0xffff, v23  }
.Ltmp9:
0x1d3: {  	v62 =	vadd.f32 v20, v59;
	v17 =	vadd.f32 v17, v60;
	[tilespmem:v16+s14+$0x6030 ss:$0x1] =	vst.idx.msk $0xffff, v18;
	(pc) =	sbr.rel @p0 .LBB2_18-.Ltmp9, $4  }
0x1d4: {  	v63 =	vadd.f32 v61, v28;
	[tilespmem:v16+s14+$0x6040 ss:$0x1] =	vst.idx.msk $0xffff, v19  }
0x1d5: {  	[tilespmem:v16+s14+$0x6050 ss:$0x1] =	vst.idx.msk $0xffff, v17;
	v17 =	vadd.f32 v62, v30  }
0x1d6: {  	[tilespmem:v16+s14+$0x6060 ss:$0x1] =	vst.idx.msk $0xffff, v63  }
0x1d7: {  	s31 =	sadd.s32 $0x800, s31;
	s11 =	sadd.s32 $0x800, s11;
	[tilespmem:v16+s14+$0x6070 ss:$0x1] =	vst.idx.msk $0xffff, v17  }
0x1d8: {  	s10 =	rddreg [dreg:$0x12]  }
0x1d9: {  	[hbm4b:s10+s4] =	stream.linear.scatter [tilespmem:s2], [sflag:$0xD], $0x2000, $0x38;
	[tilespmem:$0xA500] =	vst v63  }
0x1da: {  	_ =	swait.ge [sflag:s8], $0x2000  }
0x1db: {  	[sflag:s8] =	ssyncset.done $0x0  }
0x1dc: {  	[sflag:s8] =	ssyncadd.s32 $0xFFFFE000  }
0x1dd: {  	_ =	swait.ge [sflag:s8], $0x2000  }
0x1de: {  	[sflag:s8] =	ssyncset.done $0x0  }
0x1df: {  	s9 =	sadd.s32 $0x1, s9;
	[sflag:s8] =	ssyncadd.s32 $0xFFFFE000  }
0x1e0: {  	p0 =	sne.s32 s9, s18;
	_ =	swait.ge [sflag:s8], $0x2000  }
.Ltmp10:
0x1e1: {  	[sflag:s8] =	ssyncset.done $0x0;
	(pc) =	sbr.rel @p0 .LBB2_1-.Ltmp10, $4  }
0x1e2: {  	[sflag:s8] =	ssyncadd.s32 $0xFFFFE000  }
0x1e3: {  	_ =	swait.ge [sflag:s8], $0x2000  }
0x1e4: {  	[sflag:s8] =	ssyncset.done $0x0  }
0x1e5: {  	s16 =	simm.s32 $0x400;
	[sflag:s8] =	ssyncadd.s32 $0xFFFFE000  }
0x1e6: {  	_ =	sfence.sel $0x180000  }
0x1e7: {  	[bflag:$0x0] =	sbarrier.arrive $0xFFFF  }
0x1e8: {  	_ =	strace $0x90000047  }
0x1e9: {  	s0 =	stileid.u32;
	[bflag:$0x2] =	sbarrier.arrive $0xFFFF  }
0x1ea: {  	p0 =	sne.s32 s0, $0x0;
	s0 =	rddreg [dreg:$0x6]  }
0x1eb: {  	s0 =	sadd.s32 @!p0 $0x100000, s0  }
0x1ec: {  	[sflag:s0] =	ssyncadd.tile.s32 @!p0 $0x1;
	_ =	shalt  }
.Lfunc_end2:
_tile_overlayer_lowered:
.L_overlay_start_2:
0x1ed: {  	(tag) =	ssettag $0x2  }
0x1ee: {  	s0 =	rddreg [dreg:$0x0];
	s2 =	stileid.u32  }
0x1ef: {  	s1 =	rddreg [dreg:$0x1];
	p0 =	sne.s32 s2, $0x0  }
0x1f0: {  	s3 =	rddreg [dreg:$0x2];
	[bflag:$0x3] =	sbarrier.arrive $0xFFFF;
	s2 =	simm.s32 @!p0 $0x1C0E  }
0x1f1: {  	[timem:s3], [sflag:s2] =	dma.local @!p0 [hbm:s0], s1  }
0x1f2: {  	s0 =	simm.s32 @!p0 $0xE  }
0x1f3: {  	_ =	swait.ge @!p0 [sflag:s0], s1  }
0x1f4: {  	s1 =	ssub.s32 @!p0 $0x0, s1;
	[sflag:s0] =	ssyncset.done @!p0 $0x0  }
0x1f5: {  	[sflag:s0] =	ssyncadd.s32 @!p0 s1  }
0x1f6: {  	[bflag:$0x3] =	sbarrier.arrive $0xFFFF  }
0x1f7: {  	_ =	shalt  }

</sc_bundles>
